<compile_context>
chip_gen: v7x
topology: tpu7x:2x2x1
jax: 0.10.2.dev20260603
libtpu: 0.0.44.dev20260713+nightly
codegen_flags: <defaults>
</compile_context>

<pallas_src>
import jax
import jax.numpy as jnp
from jax import lax
from jax.experimental import pallas as pl
from jax.experimental.pallas import tpu as pltpu
from jax.experimental.pallas import tpu_sc as plsc

N = 10000
E = 160000
D_IN = 256
H1 = 512
H2 = 256
D_OUT = 128
EPS_BN = 1e-5

NS = 16
NPAD = 10240
RPS = NPAD // NS
K = 128
EPAD = 163840
EPS_SC = EPAD // NS
NIT = EPS_SC // K
DEGW = 128

R_TC = 2000
G_TC = N // R_TC

_MESH = plsc.VectorSubcoreMesh(core_axis_name="c", subcore_axis_name="s")


NWIN = EPAD // K


def _make_sc_agg(W, esplit, with_deg=False):
    scratch = [
        pltpu.VMEM((K,), jnp.int32),
        pltpu.VMEM((K, W), jnp.float32),
        pltpu.VMEM_SHARED((NPAD, W), jnp.float32),
        pltpu.SemaphoreType.DMA,
    ]
    outs = [jax.ShapeDtypeStruct((2 * NPAD, W), jnp.float32)]
    if with_deg:
        scratch += [
            pltpu.VMEM((K, DEGW), jnp.float32),
            pltpu.VMEM_SHARED((NPAD, DEGW), jnp.float32),
        ]
        outs.append(jax.ShapeDtypeStruct((2 * NPAD, DEGW), jnp.float32))

    def body_fn(tbl, s_hbm, d_hbm, zW, *rest):
        if with_deg:
            (zD, ones_hbm, out, outD, src2_v, rows_v, acc_sh, sem,
             ones_v, dacc_sh) = rest
        else:
            out, src2_v, rows_v, acc_sh, sem = rest
        c = lax.axis_index("c")
        s = lax.axis_index("s")
        off_r = s * RPS

        pltpu.async_copy(zW.at[pl.ds(off_r, RPS)],
                         acc_sh.at[pl.ds(off_r, RPS)], sem).wait()
        if with_deg:
            pltpu.async_copy(ones_hbm, ones_v, sem).wait()
            pltpu.async_copy(zD.at[pl.ds(off_r, RPS)],
                             dacc_sh.at[pl.ds(off_r, RPS)], sem).wait()
        plsc.subcore_barrier()

        base = c * N

        def win(si_vmem, di_vmem):
            if esplit:
                pltpu.sync_copy(tbl.at[si_vmem.at[0]], rows_v)
            else:
                @pl.loop(0, K, step=16)
                def _(j):
                    src2_v[pl.ds(j, 16)] = si_vmem[0, pl.ds(j, 16)] + base
                pltpu.sync_copy(tbl.at[src2_v], rows_v)
            pltpu.sync_copy(rows_v, acc_sh.at[di_vmem.at[0]], add=True)
            if with_deg:
                pltpu.sync_copy(ones_v, dacc_sh.at[di_vmem.at[0]], add=True)

        pltpu.emit_pipeline(
            win,
            grid=(NWIN,),
            in_specs=[
                pl.BlockSpec((1, K), lambda i: (0, i)),
                pl.BlockSpec((1, K), lambda i: (0, i)),
            ],
            out_specs=[],
            core_axis_name=("c", "s") if esplit else "s",
            dimension_semantics=(pltpu.PARALLEL,),
        )(s_hbm, d_hbm)
        plsc.subcore_barrier()

        pltpu.async_copy(acc_sh.at[pl.ds(off_r, RPS)],
                         out.at[pl.ds(c * NPAD + off_r, RPS)], sem).wait()
        if with_deg:
            pltpu.async_copy(dacc_sh.at[pl.ds(off_r, RPS)],
                             outD.at[pl.ds(c * NPAD + off_r, RPS)], sem).wait()

    return pl.kernel(body_fn,
                     out_type=tuple(outs) if with_deg else outs[0],
                     mesh=_MESH, scratch_types=scratch)


_sc_agg1 = _make_sc_agg(D_IN // 2, esplit=False)
_sc_deg = _make_sc_agg(DEGW, esplit=True)
_sc_agg2 = _make_sc_agg(H2 // 2, esplit=False)
_sc_agg3 = _make_sc_agg(D_OUT, esplit=True)



def _l1_body(x_ref, a_ref, deg_ref, WnT_ref, WrT_ref, b_ref,
             r_ref, s_ref, q_ref):
    i = pl.program_id(0)
    inv = 1.0 / jnp.maximum(deg_ref[0][:, 0:1] + deg_ref[1][:, 0:1], 1.0)
    m = jnp.concatenate([a_ref[0], a_ref[1]], axis=1) * inv
    z = jnp.dot(m, WnT_ref[...], preferred_element_type=jnp.float32)
    z += jnp.dot(x_ref[...], WrT_ref[...], preferred_element_type=jnp.float32)
    z += b_ref[...]
    r = jnp.maximum(z, 0.0)
    r_ref[...] = r

    @pl.when(i == 0)
    def _():
        s_ref[...] = jnp.zeros_like(s_ref)
        q_ref[...] = jnp.zeros_like(q_ref)
    s_ref[...] += jnp.sum(r, axis=0, keepdims=True)
    q_ref[...] += jnp.sum(r * r, axis=0, keepdims=True)


def _tc_l1(x, a, deg, WnT, WrT, b):
    H = WnT.shape[1]
    W = a.shape[2]
    return pl.pallas_call(
        _l1_body,
        grid=(G_TC,),
        in_specs=[
            pl.BlockSpec((R_TC, D_IN), lambda i: (i, 0)),
            pl.BlockSpec((2, R_TC, W), lambda i: (0, i, 0)),
            pl.BlockSpec((2, R_TC, DEGW), lambda i: (0, i, 0)),
            pl.BlockSpec((D_IN, H), lambda i: (0, 0)),
            pl.BlockSpec((D_IN, H), lambda i: (0, 0)),
            pl.BlockSpec((1, H), lambda i: (0, 0)),
        ],
        out_specs=[
            pl.BlockSpec((R_TC, H), lambda i: (i, 0)),
            pl.BlockSpec((1, H), lambda i: (0, 0)),
            pl.BlockSpec((1, H), lambda i: (0, 0)),
        ],
        out_shape=[
            jax.ShapeDtypeStruct((N, H), jnp.float32),
            jax.ShapeDtypeStruct((1, H), jnp.float32),
            jax.ShapeDtypeStruct((1, H), jnp.float32),
        ],
    )(x, a, deg, WnT, WrT, b)


def _mm_body_split(r_ref, s_ref, q_ref, g_ref, be_ref, WnT_ref, WrT_ref,
                   yn_ref, yr_ref):
    mu = s_ref[...] * (1.0 / N)
    var = q_ref[...] * (1.0 / N) - mu * mu
    scale = g_ref[...] * lax.rsqrt(var + EPS_BN)
    shift = be_ref[...] - mu * scale
    h = r_ref[...] * scale + shift
    yn = jnp.dot(h, WnT_ref[...], preferred_element_type=jnp.float32)
    yr = jnp.dot(h, WrT_ref[...], preferred_element_type=jnp.float32)
    half = yn_ref.shape[2]
    yn_ref[0] = yn[:, :half]
    yn_ref[1] = yn[:, half:]
    yr_ref[...] = yr


def _mm_body_whole(r_ref, s_ref, q_ref, g_ref, be_ref, WnT_ref, WrT_ref,
                   yn_ref, yr_ref):
    mu = s_ref[...] * (1.0 / N)
    var = q_ref[...] * (1.0 / N) - mu * mu
    scale = g_ref[...] * lax.rsqrt(var + EPS_BN)
    shift = be_ref[...] - mu * scale
    h = r_ref[...] * scale + shift
    yn_ref[...] = jnp.dot(h, WnT_ref[...], preferred_element_type=jnp.float32)
    yr_ref[...] = jnp.dot(h, WrT_ref[...], preferred_element_type=jnp.float32)


def _tc_mm(r, s, q, g, be, WnT, WrT, split):
    H = WnT.shape[0]
    H2o = WnT.shape[1]
    half = H2o // 2
    if split:
        out_specs = [
            pl.BlockSpec((2, R_TC, half), lambda i: (0, i, 0)),
            pl.BlockSpec((R_TC, H2o), lambda i: (i, 0)),
        ]
        out_shape = [
            jax.ShapeDtypeStruct((2, N, half), jnp.float32),
            jax.ShapeDtypeStruct((N, H2o), jnp.float32),
        ]
        body = _mm_body_split
    else:
        out_specs = [
            pl.BlockSpec((R_TC, H2o), lambda i: (i, 0)),
            pl.BlockSpec((R_TC, H2o), lambda i: (i, 0)),
        ]
        out_shape = [
            jax.ShapeDtypeStruct((N, H2o), jnp.float32),
            jax.ShapeDtypeStruct((N, H2o), jnp.float32),
        ]
        body = _mm_body_whole
    return pl.pallas_call(
        body,
        grid=(G_TC,),
        in_specs=[
            pl.BlockSpec((R_TC, H), lambda i: (i, 0)),
            pl.BlockSpec((1, H), lambda i: (0, 0)),
            pl.BlockSpec((1, H), lambda i: (0, 0)),
            pl.BlockSpec((1, H), lambda i: (0, 0)),
            pl.BlockSpec((1, H), lambda i: (0, 0)),
            pl.BlockSpec((H, H2o), lambda i: (0, 0)),
            pl.BlockSpec((H, H2o), lambda i: (0, 0)),
        ],
        out_specs=out_specs,
        out_shape=out_shape,
    )(r, s, q, g, be, WnT, WrT)


def _comb_body(a_ref, deg_ref, yr_ref, b_ref, r_ref, s_ref, q_ref):
    i = pl.program_id(0)
    inv = 1.0 / jnp.maximum(deg_ref[0][:, 0:1] + deg_ref[1][:, 0:1], 1.0)
    m = jnp.concatenate([a_ref[0], a_ref[1]], axis=1) * inv
    z = m + yr_ref[...] + b_ref[...]
    r = jnp.maximum(z, 0.0)
    r_ref[...] = r

    @pl.when(i == 0)
    def _():
        s_ref[...] = jnp.zeros_like(s_ref)
        q_ref[...] = jnp.zeros_like(q_ref)
    s_ref[...] += jnp.sum(r, axis=0, keepdims=True)
    q_ref[...] += jnp.sum(r * r, axis=0, keepdims=True)


def _tc_comb(a, deg, yr, b):
    W = a.shape[2]
    H = 2 * W
    return pl.pallas_call(
        _comb_body,
        grid=(G_TC,),
        in_specs=[
            pl.BlockSpec((2, R_TC, W), lambda i: (0, i, 0)),
            pl.BlockSpec((2, R_TC, DEGW), lambda i: (0, i, 0)),
            pl.BlockSpec((R_TC, H), lambda i: (i, 0)),
            pl.BlockSpec((1, H), lambda i: (0, 0)),
        ],
        out_specs=[
            pl.BlockSpec((R_TC, H), lambda i: (i, 0)),
            pl.BlockSpec((1, H), lambda i: (0, 0)),
            pl.BlockSpec((1, H), lambda i: (0, 0)),
        ],
        out_shape=[
            jax.ShapeDtypeStruct((N, H), jnp.float32),
            jax.ShapeDtypeStruct((1, H), jnp.float32),
            jax.ShapeDtypeStruct((1, H), jnp.float32),
        ],
    )(a, deg, yr, b)


def _fin_body(a_ref, deg_ref, yr_ref, b_ref, o_ref):
    inv = 1.0 / jnp.maximum(deg_ref[0][:, 0:1] + deg_ref[1][:, 0:1], 1.0)
    m = (a_ref[0] + a_ref[1]) * inv
    o_ref[...] = m + yr_ref[...] + b_ref[...]


def _tc_fin(a, deg, yr, b):
    H = a.shape[2]
    return pl.pallas_call(
        _fin_body,
        grid=(G_TC,),
        in_specs=[
            pl.BlockSpec((2, R_TC, H), lambda i: (0, i, 0)),
            pl.BlockSpec((2, R_TC, DEGW), lambda i: (0, i, 0)),
            pl.BlockSpec((R_TC, H), lambda i: (i, 0)),
            pl.BlockSpec((1, H), lambda i: (0, 0)),
        ],
        out_specs=pl.BlockSpec((R_TC, H), lambda i: (i, 0)),
        out_shape=jax.ShapeDtypeStruct((N, H), jnp.float32),
    )(a, deg, yr, b)


def kernel(x, edge_index, Wn1, Wr1, b1, g1, be1, Wn2, Wr2, b2, g2, be2,
           Wn3, Wr3, b3):
    src = edge_index[0].astype(jnp.int32)
    dst = edge_index[1].astype(jnp.int32)
    src_p = jnp.concatenate([src, jnp.zeros((EPAD - E,), jnp.int32)])
    dst_p = jnp.concatenate([dst, jnp.full((EPAD - E,), NPAD - 1, jnp.int32)])

    src2 = src_p.reshape(1, EPAD)
    dst2 = dst_p.reshape(1, EPAD)

    half_in = D_IN // 2
    xAB = jnp.stack([x[:, :half_in], x[:, half_in:]]).reshape(2 * N, half_in)
    zW1 = jnp.zeros((NPAD, half_in), jnp.float32)
    zD = jnp.zeros((NPAD, DEGW), jnp.float32)
    zW3 = jnp.zeros((NPAD, D_OUT), jnp.float32)

    a1 = _sc_agg1(xAB, src2, dst2, zW1).reshape(2, NPAD, half_in)
    dega = _sc_deg(jnp.ones((N, DEGW), jnp.float32), src2, dst2,
                   zD).reshape(2, NPAD, DEGW)
    r1, s1, q1 = _tc_l1(x, a1, dega, Wn1.T, Wr1.T, b1.reshape(1, -1))
    y2, y2r = _tc_mm(r1, s1, q1, g1.reshape(1, -1), be1.reshape(1, -1),
                     Wn2.T, Wr2.T, split=True)
    a2 = _sc_agg2(y2.reshape(2 * N, -1), src2, dst2,
                  zW1).reshape(2, NPAD, half_in)
    r2, s2, q2 = _tc_comb(a2, dega, y2r, b2.reshape(1, -1))
    y3n, y3r = _tc_mm(r2, s2, q2, g2.reshape(1, -1), be2.reshape(1, -1),
                      Wn3.T, Wr3.T, split=False)
    a3 = _sc_agg3(y3n, src2, dst2, zW3).reshape(2, NPAD, D_OUT)
    return _tc_fin(a3, dega, y3r, b3.reshape(1, -1))

# --- scband reference (transcript-rebuilt; emitter-appended) ---
"""Pipeline reference for scband-graph-sage-69930657513882 (READ-ONLY COPY).

The authoritative reference and input builder live on the scoring server;
editing this copy changes nothing except your own understanding.
"""

import jax, jax.numpy as jnp
import numpy as np

N = 10000
E = 160000
D_IN = 256
H1 = 512
H2 = 256
D_OUT = 128


def _glorot(key, shape):
    fan_in = shape[1]
    return jax.random.normal(key, shape, dtype=jnp.float32) * (1.0 / np.sqrt(fan_in))


def setup_inputs(seed: int = 0) -> dict:
    key = jax.random.key(seed)
    ks = jax.random.split(key, 16)
    x = jax.random.normal(ks[0], (N, D_IN), dtype=jnp.float32)
    edge_index = jax.random.randint(ks[1], (2, E), 0, N)
    # SAGEConv layer 1: neighbor weight (lin_l) and root weight (lin_r), bias
    Wn1 = _glorot(ks[2], (H1, D_IN))
    Wr1 = _glorot(ks[3], (H1, D_IN))
    b1 = jnp.zeros((H1,), dtype=jnp.float32)
    g1 = jnp.ones((H1,), dtype=jnp.float32)
    be1 = jnp.zeros((H1,), dtype=jnp.float32)
    # SAGEConv layer 2
    Wn2 = _glorot(ks[4], (H2, H1))
    Wr2 = _glorot(ks[5], (H2, H1))
    b2 = jnp.zeros((H2,), dtype=jnp.float32)
    g2 = jnp.ones((H2,), dtype=jnp.float32)
    be2 = jnp.zeros((H2,), dtype=jnp.float32)
    # SAGEConv layer 3
    Wn3 = _glorot(ks[6], (D_OUT, H2))
    Wr3 = _glorot(ks[7], (D_OUT, H2))
    b3 = jnp.zeros((D_OUT,), dtype=jnp.float32)
    return {"x": x, "edge_index": edge_index,
            "Wn1": Wn1, "Wr1": Wr1, "b1": b1, "g1": g1, "be1": be1,
            "Wn2": Wn2, "Wr2": Wr2, "b2": b2, "g2": g2, "be2": be2,
            "Wn3": Wn3, "Wr3": Wr3, "b3": b3}


def _sage_conv(x, edge_index, Wn, Wr, b):
    # PyG SAGEConv (mean aggr): out = lin_l(mean_{j in N(i)} x_j) + lin_r(x_i) + bias
    src = edge_index[0]
    dst = edge_index[1]
    msg = x[src]
    agg = jax.ops.segment_sum(msg, dst, num_segments=N)
    deg = jax.ops.segment_sum(jnp.ones((edge_index.shape[1],), dtype=x.dtype), dst, num_segments=N)
    mean = agg / jnp.maximum(deg, 1.0)[:, None]
    return mean @ Wn.T + x @ Wr.T + b


def _batch_norm(x, gamma, beta, eps=1e-5):
    mu = jnp.mean(x, axis=0)
    var = jnp.var(x, axis=0)
    return (x - mu) / jnp.sqrt(var + eps) * gamma + beta


def reference(x, edge_index, Wn1, Wr1, b1, g1, be1, Wn2, Wr2, b2, g2, be2, Wn3, Wr3, b3):
    h = _sage_conv(x, edge_index, Wn1, Wr1, b1)
    h = _batch_norm(jax.nn.relu(h), g1, be1)
    # dropout is identity in eval mode
    h = _sage_conv(h, edge_index, Wn2, Wr2, b2)
    h = _batch_norm(jax.nn.relu(h), g2, be2)
    h = _sage_conv(h, edge_index, Wn3, Wr3, b3)
    return h

if __name__ == "__main__":
    import jax
    _d = setup_inputs()
    print(jax.jit(kernel)(*tuple(_d.values())))

</pallas_src>

<mosaic_0001>
#map = affine_map<(d0, d1) -> (0, 0)>
module attributes {stable_mosaic.version = 14 : i64} {
  func.func @body_fn(%arg0: i32, %arg1: i32, %arg2: memref<20000x128xf32, #tpu.memory_space<hbm>>, %arg3: memref<1x163840xi32, #tpu.memory_space<hbm>>, %arg4: memref<1x163840xi32, #tpu.memory_space<hbm>>, %arg5: memref<10240x128xf32, #tpu.memory_space<hbm>>, %arg6: memref<20480x128xf32, #tpu.memory_space<hbm>>, %arg7: memref<128xi32, #tpu.memory_space<vmem>>, %arg8: memref<128x128xf32, #tpu.memory_space<vmem>>, %arg9: memref<10240x128xf32, #tpu.memory_space<vmem_shared>>, %arg10: memref<!tpu.dma_semaphore, #tpu.memory_space<semaphore_mem>>) attributes {dimension_semantics = [#tpu.dimension_semantics<core_parallel>, #tpu.dimension_semantics<subcore_parallel>], iteration_bounds = array<i64: 2, 16>, scalar_prefetch = 0 : i64, scratch_operands = 4 : i64, tpu.core_type = #tpu.core_type<sc_vector_subcore>, window_params = [{transform_indices = #map}, {transform_indices = #map}, {transform_indices = #map}, {transform_indices = #map}, {transform_indices = #map}]} {
    %mul3A = arith.constant 640 : i32
    %mul3A_0 = arith.muli %arg1, %mul3A : i32
    %dma_start3A = arith.constant 0 : i32
    %dma_start3A_1 = tpu.memref_slice %arg9[%mul3A_0, %dma_start3A] : memref<10240x128xf32, #tpu.memory_space<vmem_shared>> -> memref<640x128xf32, #tpu.memory_space<vmem_shared>>
    %dma_start3A_2 = arith.constant 0 : i32
    %dma_start3A_3 = tpu.memref_slice %arg5[%mul3A_0, %dma_start3A_2] : memref<10240x128xf32, #tpu.memory_space<hbm>> -> memref<640x128xf32, #tpu.memory_space<hbm>>
    tpu.enqueue_dma source(%dma_start3A_3 : memref<640x128xf32, #tpu.memory_space<hbm>>) target(%dma_start3A_1 : memref<640x128xf32, #tpu.memory_space<vmem_shared>>) target_semaphore(%arg10 : memref<!tpu.dma_semaphore, #tpu.memory_space<semaphore_mem>>)
    %dma_wait3A = arith.constant 0 : i32
    %dma_wait3A_4 = tpu.memref_slice %arg9[%mul3A_0, %dma_wait3A] : memref<10240x128xf32, #tpu.memory_space<vmem_shared>> -> memref<640x128xf32, #tpu.memory_space<vmem_shared>>
    %dma_wait3A_5 = arith.constant 0 : i32
    %dma_wait3A_6 = tpu.memref_slice %arg5[%mul3A_0, %dma_wait3A_5] : memref<10240x128xf32, #tpu.memory_space<hbm>> -> memref<640x128xf32, #tpu.memory_space<hbm>>
    tpu.wait_dma2 semaphore(%arg10 : memref<!tpu.dma_semaphore, #tpu.memory_space<semaphore_mem>>) src(%dma_wait3A_6 : memref<640x128xf32, #tpu.memory_space<hbm>>) dst(%dma_wait3A_4 : memref<640x128xf32, #tpu.memory_space<vmem_shared>>)
    %barrier3A = arith.constant 0 : index
    tpu.barrier barrier_id(%barrier3A)
    %mul3A_7 = arith.constant 10000 : i32
    %mul3A_8 = arith.muli %arg0, %mul3A_7 : i32
    %mul3A_9 = arith.constant 80 : i32
    %mul3A_10 = arith.muli %arg1, %mul3A_9 : i32
    "tpu.region"() ({
      %run_scoped3A = memref.alloca() : memref<2x1x128xi32, #tpu.memory_space<vmem>>
      %run_scoped3A_22 = tpu.sem_alloc : memref<2x!tpu.dma_semaphore, #tpu.memory_space<semaphore_mem>>
      %run_scoped3A_23 = memref.alloca() : memref<2x1x128xi32, #tpu.memory_space<vmem>>
      %run_scoped3A_24 = tpu.sem_alloc : memref<2x!tpu.dma_semaphore, #tpu.memory_space<semaphore_mem>>
      %add3A_25 = arith.constant 0 : i32
      %add3A_26 = arith.addi %add3A_25, %mul3A_10 : i32
      %select_n3A = arith.constant true
      %select_n3A_27 = arith.constant 0 : i32
      %select_n3A_28 = arith.constant -1 : i32
      %select_n3A_29 = arith.select %select_n3A, %select_n3A_28, %select_n3A_27 : i32
      %eq3A = arith.constant -1 : i32
      %eq3A_30 = arith.cmpi eq, %select_n3A_29, %eq3A : i32
      %select_n3A_31 = arith.constant 79 : i32
      %select_n3A_32 = arith.select %eq3A_30, %select_n3A_31, %select_n3A_29 : i32
      %add3A_33 = arith.addi %select_n3A_32, %mul3A_10 : i32
      %select_n3A_34 = arith.constant true
      %select_n3A_35 = arith.constant 0 : i32
      %select_n3A_36 = arith.constant 1 : i32
      %select_n3A_37 = arith.select %select_n3A_34, %select_n3A_36, %select_n3A_35 : i32
      %eq3A_38 = arith.constant 80 : i32
      %eq3A_39 = arith.cmpi eq, %select_n3A_37, %eq3A_38 : i32
      %select_n3A_40 = arith.constant 0 : i32
      %select_n3A_41 = arith.select %eq3A_39, %select_n3A_40, %select_n3A_37 : i32
      %add3A_42 = arith.addi %select_n3A_41, %mul3A_10 : i32
      %add3A_43 = arith.constant 1 : i32
      %add3A_44 = arith.addi %select_n3A_41, %add3A_43 : i32
      %select_n3A_45 = arith.constant true
      %select_n3A_46 = arith.select %select_n3A_45, %add3A_44, %select_n3A_41 : i32
      %eq3A_47 = arith.constant 80 : i32
      %eq3A_48 = arith.cmpi eq, %select_n3A_46, %eq3A_47 : i32
      %select_n3A_49 = arith.constant 0 : i32
      %select_n3A_50 = arith.select %eq3A_48, %select_n3A_49, %select_n3A_46 : i32
      %add3A_51 = arith.addi %select_n3A_50, %mul3A_10 : i32
      "tpu.trace_start"() <{level = 10 : i32, message = "ep_initialize_0"}> : () -> ()
      %rem3A = arith.constant 0 : i32
      %rem3A_52 = arith.constant 2 : i32
      %rem3A_53 = arith.remui %rem3A, %rem3A_52 : i32
      %mul3A_54 = arith.constant 128 : i32
      %mul3A_55 = arith.muli %mul3A_54, %add3A_26 : i32
      %dma_start3A_56 = arith.constant 0 : i32
      %dma_start3A_57 = arith.constant 0 : i32
      %dma_start3A_58 = tpu.memref_slice %run_scoped3A[%rem3A_53, %dma_start3A_56, %dma_start3A_57] : memref<2x1x128xi32, #tpu.memory_space<vmem>> -> memref<1x1x128xi32, #tpu.memory_space<vmem>>
      %dma_start3A_59 = tpu.memref_squeeze %dma_start3A_58 : memref<1x1x128xi32, #tpu.memory_space<vmem>> -> memref<1x128xi32, #tpu.memory_space<vmem>>
      %dma_start3A_60 = arith.constant 0 : i32
      %dma_start3A_61 = tpu.memref_slice %arg3[%dma_start3A_60, %mul3A_55] : memref<1x163840xi32, #tpu.memory_space<hbm>> -> memref<1x128xi32, #tpu.memory_space<hbm>>
      %dma_start3A_62 = tpu.memref_slice %run_scoped3A_22[%rem3A_53] : memref<2x!tpu.dma_semaphore, #tpu.memory_space<semaphore_mem>> -> memref<1x!tpu.dma_semaphore, #tpu.memory_space<semaphore_mem>>
      %dma_start3A_63 = tpu.memref_squeeze %dma_start3A_62 : memref<1x!tpu.dma_semaphore, #tpu.memory_space<semaphore_mem>> -> memref<!tpu.dma_semaphore, #tpu.memory_space<semaphore_mem>>
      %dma_start3A_64 = arith.constant 0 : i32
      %dma_start3A_65 = arith.constant 0 : i32
      %dma_start3A_66 = tpu.memref_slice %run_scoped3A[%rem3A_53, %dma_start3A_64, %dma_start3A_65] : memref<2x1x128xi32, #tpu.memory_space<vmem>> -> memref<1x1x128xi32, #tpu.memory_space<vmem>>
      %dma_start3A_67 = tpu.memref_squeeze %dma_start3A_66 : memref<1x1x128xi32, #tpu.memory_space<vmem>> -> memref<1x128xi32, #tpu.memory_space<vmem>>
      %dma_start3A_68 = arith.constant 0 : i32
      %dma_start3A_69 = tpu.memref_slice %arg3[%dma_start3A_68, %mul3A_55] : memref<1x163840xi32, #tpu.memory_space<hbm>> -> memref<1x128xi32, #tpu.memory_space<hbm>>
      tpu.enqueue_dma source(%dma_start3A_69 : memref<1x128xi32, #tpu.memory_space<hbm>>) target(%dma_start3A_67 : memref<1x128xi32, #tpu.memory_space<vmem>>) target_semaphore(%dma_start3A_63 : memref<!tpu.dma_semaphore, #tpu.memory_space<semaphore_mem>>)
      %add3A_70 = arith.constant 0 : i32
      %add3A_71 = arith.constant 1 : i32
      %add3A_72 = arith.addi %add3A_70, %add3A_71 : i32
      %select_n3A_73 = arith.constant true
      %select_n3A_74 = arith.constant 0 : i32
      %select_n3A_75 = arith.select %select_n3A_73, %add3A_72, %select_n3A_74 : i32
      %rem3A_76 = arith.constant 0 : i32
      %rem3A_77 = arith.constant 2 : i32
      %rem3A_78 = arith.remui %rem3A_76, %rem3A_77 : i32
      %mul3A_79 = arith.constant 128 : i32
      %mul3A_80 = arith.muli %mul3A_79, %add3A_26 : i32
      %dma_start3A_81 = arith.constant 0 : i32
      %dma_start3A_82 = arith.constant 0 : i32
      %dma_start3A_83 = tpu.memref_slice %run_scoped3A_23[%rem3A_78, %dma_start3A_81, %dma_start3A_82] : memref<2x1x128xi32, #tpu.memory_space<vmem>> -> memref<1x1x128xi32, #tpu.memory_space<vmem>>
      %dma_start3A_84 = tpu.memref_squeeze %dma_start3A_83 : memref<1x1x128xi32, #tpu.memory_space<vmem>> -> memref<1x128xi32, #tpu.memory_space<vmem>>
      %dma_start3A_85 = arith.constant 0 : i32
      %dma_start3A_86 = tpu.memref_slice %arg4[%dma_start3A_85, %mul3A_80] : memref<1x163840xi32, #tpu.memory_space<hbm>> -> memref<1x128xi32, #tpu.memory_space<hbm>>
      %dma_start3A_87 = tpu.memref_slice %run_scoped3A_24[%rem3A_78] : memref<2x!tpu.dma_semaphore, #tpu.memory_space<semaphore_mem>> -> memref<1x!tpu.dma_semaphore, #tpu.memory_space<semaphore_mem>>
      %dma_start3A_88 = tpu.memref_squeeze %dma_start3A_87 : memref<1x!tpu.dma_semaphore, #tpu.memory_space<semaphore_mem>> -> memref<!tpu.dma_semaphore, #tpu.memory_space<semaphore_mem>>
      %dma_start3A_89 = arith.constant 0 : i32
      %dma_start3A_90 = arith.constant 0 : i32
      %dma_start3A_91 = tpu.memref_slice %run_scoped3A_23[%rem3A_78, %dma_start3A_89, %dma_start3A_90] : memref<2x1x128xi32, #tpu.memory_space<vmem>> -> memref<1x1x128xi32, #tpu.memory_space<vmem>>
      %dma_start3A_92 = tpu.memref_squeeze %dma_start3A_91 : memref<1x1x128xi32, #tpu.memory_space<vmem>> -> memref<1x128xi32, #tpu.memory_space<vmem>>
      %dma_start3A_93 = arith.constant 0 : i32
      %dma_start3A_94 = tpu.memref_slice %arg4[%dma_start3A_93, %mul3A_80] : memref<1x163840xi32, #tpu.memory_space<hbm>> -> memref<1x128xi32, #tpu.memory_space<hbm>>
      tpu.enqueue_dma source(%dma_start3A_94 : memref<1x128xi32, #tpu.memory_space<hbm>>) target(%dma_start3A_92 : memref<1x128xi32, #tpu.memory_space<vmem>>) target_semaphore(%dma_start3A_88 : memref<!tpu.dma_semaphore, #tpu.memory_space<semaphore_mem>>)
      %add3A_95 = arith.constant 0 : i32
      %add3A_96 = arith.constant 1 : i32
      %add3A_97 = arith.addi %add3A_95, %add3A_96 : i32
      %select_n3A_98 = arith.constant true
      %select_n3A_99 = arith.constant 0 : i32
      %select_n3A_100 = arith.select %select_n3A_98, %add3A_97, %select_n3A_99 : i32
      "tpu.trace_stop"() : () -> ()
      %scan3A = arith.constant 0 : i32
      %scan3A_101 = arith.constant 0 : i32
      %scan3A_102 = arith.constant 0 : i32
      %scan3A_103 = arith.constant 0 : i32
      %scan3A_104 = arith.constant 80 : i32
      %scan3A_105 = arith.addi %scan3A_103, %scan3A_104 : i32
      %scan3A_106 = arith.constant 1 : i32
      %scan3A_107:5 = scf.for %scan3A_144 = %scan3A_103 to %scan3A_105 step %scan3A_106 iter_args(%scan3A_145 = %select_n3A_75, %scan3A_146 = %scan3A, %scan3A_147 = %select_n3A_100, %scan3A_148 = %scan3A_101, %scan3A_149 = %scan3A_102) -> (i32, i32, i32, i32, i32)  : i32 {
        %eq3A_150 = arith.constant 0 : i32
        %eq3A_151 = arith.cmpi eq, %scan3A_144, %eq3A_150 : i32
        %eq3A_152 = arith.constant 79 : i32
        %eq3A_153 = arith.cmpi eq, %scan3A_144, %eq3A_152 : i32
        %add3A_154 = arith.addi %scan3A_149, %mul3A_10 : i32
        %sub3A_155 = arith.constant 1 : i32
        %sub3A_156 = arith.subi %scan3A_149, %sub3A_155 : i32
        %select_n3A_157 = arith.constant true
        %select_n3A_158 = arith.select %select_n3A_157, %sub3A_156, %scan3A_149 : i32
        %eq3A_159 = arith.constant -1 : i32
        %eq3A_160 = arith.cmpi eq, %select_n3A_158, %eq3A_159 : i32
        %select_n3A_161 = arith.constant 79 : i32
        %select_n3A_162 = arith.select %eq3A_160, %select_n3A_161, %select_n3A_158 : i32
        %add3A_163 = arith.addi %select_n3A_162, %mul3A_10 : i32
        %add3A_164 = arith.constant 1 : i32
        %add3A_165 = arith.addi %scan3A_149, %add3A_164 : i32
        %select_n3A_166 = arith.constant true
        %select_n3A_167 = arith.select %select_n3A_166, %add3A_165, %scan3A_149 : i32
        %eq3A_168 = arith.constant 80 : i32
        %eq3A_169 = arith.cmpi eq, %select_n3A_167, %eq3A_168 : i32
        %select_n3A_170 = arith.constant 0 : i32
        %select_n3A_171 = arith.select %eq3A_169, %select_n3A_170, %select_n3A_167 : i32
        %add3A_172 = arith.addi %select_n3A_171, %mul3A_10 : i32
        %add3A_173 = arith.constant 1 : i32
        %add3A_174 = arith.addi %select_n3A_171, %add3A_173 : i32
        %select_n3A_175 = arith.constant true
        %select_n3A_176 = arith.select %select_n3A_175, %add3A_174, %select_n3A_171 : i32
        %eq3A_177 = arith.constant 80 : i32
        %eq3A_178 = arith.cmpi eq, %select_n3A_176, %eq3A_177 : i32
        %select_n3A_179 = arith.constant 0 : i32
        %select_n3A_180 = arith.select %eq3A_178, %select_n3A_179, %select_n3A_176 : i32
        %add3A_181 = arith.addi %select_n3A_180, %mul3A_10 : i32
        %ne3A = arith.cmpi ne, %add3A_154, %add3A_172 : i32
        %or3A = arith.constant false
        %or3A_182 = arith.ori %or3A, %ne3A : i1
        %ge3A = arith.constant 79 : i32
        %ge3A_183 = arith.cmpi sge, %scan3A_144, %ge3A : i32
        %not3A = arith.constant true
        %not3A_184 = arith.xori %ge3A_183, %not3A : i1
        %and3A = arith.andi %or3A_182, %not3A_184 : i1
        %convert_element_type3A = arith.extui %and3A : i1 to i32
        %cond3A = arith.constant 0 : i32
        %cond3A_185 = arith.cmpi ne, %convert_element_type3A, %cond3A : i32
        scf.if %cond3A_185 {
          "tpu.trace_start"() <{level = 10 : i32, message = "ep_copy_in"}> : () -> ()
          %rem3A_293 = arith.constant 2 : i32
          %rem3A_294 = arith.remui %scan3A_145, %rem3A_293 : i32
          %mul3A_295 = arith.constant 128 : i32
          %mul3A_296 = arith.muli %mul3A_295, %add3A_172 : i32
          %dma_start3A_297 = arith.constant 0 : i32
          %dma_start3A_298 = arith.constant 0 : i32
          %dma_start3A_299 = tpu.memref_slice %run_scoped3A[%rem3A_294, %dma_start3A_297, %dma_start3A_298] : memref<2x1x128xi32, #tpu.memory_space<vmem>> -> memref<1x1x128xi32, #tpu.memory_space<vmem>>
          %dma_start3A_300 = tpu.memref_squeeze %dma_start3A_299 : memref<1x1x128xi32, #tpu.memory_space<vmem>> -> memref<1x128xi32, #tpu.memory_space<vmem>>
          %dma_start3A_301 = arith.constant 0 : i32
          %dma_start3A_302 = tpu.memref_slice %arg3[%dma_start3A_301, %mul3A_296] : memref<1x163840xi32, #tpu.memory_space<hbm>> -> memref<1x128xi32, #tpu.memory_space<hbm>>
          %dma_start3A_303 = tpu.memref_slice %run_scoped3A_22[%rem3A_294] : memref<2x!tpu.dma_semaphore, #tpu.memory_space<semaphore_mem>> -> memref<1x!tpu.dma_semaphore, #tpu.memory_space<semaphore_mem>>
          %dma_start3A_304 = tpu.memref_squeeze %dma_start3A_303 : memref<1x!tpu.dma_semaphore, #tpu.memory_space<semaphore_mem>> -> memref<!tpu.dma_semaphore, #tpu.memory_space<semaphore_mem>>
          %dma_start3A_305 = arith.constant 0 : i32
          %dma_start3A_306 = arith.constant 0 : i32
          %dma_start3A_307 = tpu.memref_slice %run_scoped3A[%rem3A_294, %dma_start3A_305, %dma_start3A_306] : memref<2x1x128xi32, #tpu.memory_space<vmem>> -> memref<1x1x128xi32, #tpu.memory_space<vmem>>
          %dma_start3A_308 = tpu.memref_squeeze %dma_start3A_307 : memref<1x1x128xi32, #tpu.memory_space<vmem>> -> memref<1x128xi32, #tpu.memory_space<vmem>>
          %dma_start3A_309 = arith.constant 0 : i32
          %dma_start3A_310 = tpu.memref_slice %arg3[%dma_start3A_309, %mul3A_296] : memref<1x163840xi32, #tpu.memory_space<hbm>> -> memref<1x128xi32, #tpu.memory_space<hbm>>
          tpu.enqueue_dma source(%dma_start3A_310 : memref<1x128xi32, #tpu.memory_space<hbm>>) target(%dma_start3A_308 : memref<1x128xi32, #tpu.memory_space<vmem>>) target_semaphore(%dma_start3A_304 : memref<!tpu.dma_semaphore, #tpu.memory_space<semaphore_mem>>)
          "tpu.trace_stop"() : () -> ()
        } else {
        }
        %and3A_186 = arith.constant true
        %and3A_187 = arith.andi %and3A, %and3A_186 : i1
        %add3A_188 = arith.constant 1 : i32
        %add3A_189 = arith.addi %scan3A_145, %add3A_188 : i32
        %select_n3A_190 = arith.select %and3A_187, %add3A_189, %scan3A_145 : i32
        %ne3A_191 = arith.cmpi ne, %add3A_154, %add3A_172 : i32
        %or3A_192 = arith.constant false
        %or3A_193 = arith.ori %or3A_192, %ne3A_191 : i1
        %ge3A_194 = arith.constant 79 : i32
        %ge3A_195 = arith.cmpi sge, %scan3A_144, %ge3A_194 : i32
        %not3A_196 = arith.constant true
        %not3A_197 = arith.xori %ge3A_195, %not3A_196 : i1
        %and3A_198 = arith.andi %or3A_193, %not3A_197 : i1
        %convert_element_type3A_199 = arith.extui %and3A_198 : i1 to i32
        %cond3A_200 = arith.constant 0 : i32
        %cond3A_201 = arith.cmpi ne, %convert_element_type3A_199, %cond3A_200 : i32
        scf.if %cond3A_201 {
          "tpu.trace_start"() <{level = 10 : i32, message = "ep_copy_in"}> : () -> ()
          %rem3A_293 = arith.constant 2 : i32
          %rem3A_294 = arith.remui %scan3A_147, %rem3A_293 : i32
          %mul3A_295 = arith.constant 128 : i32
          %mul3A_296 = arith.muli %mul3A_295, %add3A_172 : i32
          %dma_start3A_297 = arith.constant 0 : i32
          %dma_start3A_298 = arith.constant 0 : i32
          %dma_start3A_299 = tpu.memref_slice %run_scoped3A_23[%rem3A_294, %dma_start3A_297, %dma_start3A_298] : memref<2x1x128xi32, #tpu.memory_space<vmem>> -> memref<1x1x128xi32, #tpu.memory_space<vmem>>
          %dma_start3A_300 = tpu.memref_squeeze %dma_start3A_299 : memref<1x1x128xi32, #tpu.memory_space<vmem>> -> memref<1x128xi32, #tpu.memory_space<vmem>>
          %dma_start3A_301 = arith.constant 0 : i32
          %dma_start3A_302 = tpu.memref_slice %arg4[%dma_start3A_301, %mul3A_296] : memref<1x163840xi32, #tpu.memory_space<hbm>> -> memref<1x128xi32, #tpu.memory_space<hbm>>
          %dma_start3A_303 = tpu.memref_slice %run_scoped3A_24[%rem3A_294] : memref<2x!tpu.dma_semaphore, #tpu.memory_space<semaphore_mem>> -> memref<1x!tpu.dma_semaphore, #tpu.memory_space<semaphore_mem>>
          %dma_start3A_304 = tpu.memref_squeeze %dma_start3A_303 : memref<1x!tpu.dma_semaphore, #tpu.memory_space<semaphore_mem>> -> memref<!tpu.dma_semaphore, #tpu.memory_space<semaphore_mem>>
          %dma_start3A_305 = arith.constant 0 : i32
          %dma_start3A_306 = arith.constant 0 : i32
          %dma_start3A_307 = tpu.memref_slice %run_scoped3A_23[%rem3A_294, %dma_start3A_305, %dma_start3A_306] : memref<2x1x128xi32, #tpu.memory_space<vmem>> -> memref<1x1x128xi32, #tpu.memory_space<vmem>>
          %dma_start3A_308 = tpu.memref_squeeze %dma_start3A_307 : memref<1x1x128xi32, #tpu.memory_space<vmem>> -> memref<1x128xi32, #tpu.memory_space<vmem>>
          %dma_start3A_309 = arith.constant 0 : i32
          %dma_start3A_310 = tpu.memref_slice %arg4[%dma_start3A_309, %mul3A_296] : memref<1x163840xi32, #tpu.memory_space<hbm>> -> memref<1x128xi32, #tpu.memory_space<hbm>>
          tpu.enqueue_dma source(%dma_start3A_310 : memref<1x128xi32, #tpu.memory_space<hbm>>) target(%dma_start3A_308 : memref<1x128xi32, #tpu.memory_space<vmem>>) target_semaphore(%dma_start3A_304 : memref<!tpu.dma_semaphore, #tpu.memory_space<semaphore_mem>>)
          "tpu.trace_stop"() : () -> ()
        } else {
        }
        %and3A_202 = arith.constant true
        %and3A_203 = arith.andi %and3A_198, %and3A_202 : i1
        %add3A_204 = arith.constant 1 : i32
        %add3A_205 = arith.addi %scan3A_147, %add3A_204 : i32
        %select_n3A_206 = arith.select %and3A_203, %add3A_205, %scan3A_147 : i32
        %ne3A_207 = arith.cmpi ne, %add3A_154, %add3A_163 : i32
        %or3A_208 = arith.constant false
        %or3A_209 = arith.ori %or3A_208, %ne3A_207 : i1
        %or3A_210 = arith.ori %or3A_209, %eq3A_151 : i1
        %convert_element_type3A_211 = arith.extui %or3A_210 : i1 to i32
        %cond3A_212 = arith.constant 0 : i32
        %cond3A_213 = arith.cmpi ne, %convert_element_type3A_211, %cond3A_212 : i32
        scf.if %cond3A_213 {
          "tpu.trace_start"() <{level = 10 : i32, message = "ep_wait_in"}> : () -> ()
          %mul3A_293 = arith.constant 128 : i32
          %mul3A_294 = arith.muli %mul3A_293, %add3A_154 : i32
          %rem3A_295 = arith.constant 2 : i32
          %rem3A_296 = arith.remui %scan3A_146, %rem3A_295 : i32
          %dma_wait3A_297 = arith.constant 0 : i32
          %dma_wait3A_298 = arith.constant 0 : i32
          %dma_wait3A_299 = tpu.memref_slice %run_scoped3A[%rem3A_296, %dma_wait3A_297, %dma_wait3A_298] : memref<2x1x128xi32, #tpu.memory_space<vmem>> -> memref<1x1x128xi32, #tpu.memory_space<vmem>>
          %dma_wait3A_300 = tpu.memref_squeeze %dma_wait3A_299 : memref<1x1x128xi32, #tpu.memory_space<vmem>> -> memref<1x128xi32, #tpu.memory_space<vmem>>
          %dma_wait3A_301 = arith.constant 0 : i32
          %dma_wait3A_302 = tpu.memref_slice %arg3[%dma_wait3A_301, %mul3A_294] : memref<1x163840xi32, #tpu.memory_space<hbm>> -> memref<1x128xi32, #tpu.memory_space<hbm>>
          %dma_wait3A_303 = tpu.memref_slice %run_scoped3A_22[%rem3A_296] : memref<2x!tpu.dma_semaphore, #tpu.memory_space<semaphore_mem>> -> memref<1x!tpu.dma_semaphore, #tpu.memory_space<semaphore_mem>>
          %dma_wait3A_304 = tpu.memref_squeeze %dma_wait3A_303 : memref<1x!tpu.dma_semaphore, #tpu.memory_space<semaphore_mem>> -> memref<!tpu.dma_semaphore, #tpu.memory_space<semaphore_mem>>
          %dma_wait3A_305 = arith.constant 0 : i32
          %dma_wait3A_306 = arith.constant 0 : i32
          %dma_wait3A_307 = tpu.memref_slice %run_scoped3A[%rem3A_296, %dma_wait3A_305, %dma_wait3A_306] : memref<2x1x128xi32, #tpu.memory_space<vmem>> -> memref<1x1x128xi32, #tpu.memory_space<vmem>>
          %dma_wait3A_308 = tpu.memref_squeeze %dma_wait3A_307 : memref<1x1x128xi32, #tpu.memory_space<vmem>> -> memref<1x128xi32, #tpu.memory_space<vmem>>
          %dma_wait3A_309 = arith.constant 0 : i32
          %dma_wait3A_310 = tpu.memref_slice %arg3[%dma_wait3A_309, %mul3A_294] : memref<1x163840xi32, #tpu.memory_space<hbm>> -> memref<1x128xi32, #tpu.memory_space<hbm>>
          tpu.wait_dma2 semaphore(%dma_wait3A_304 : memref<!tpu.dma_semaphore, #tpu.memory_space<semaphore_mem>>) src(%dma_wait3A_310 : memref<1x128xi32, #tpu.memory_space<hbm>>) dst(%dma_wait3A_308 : memref<1x128xi32, #tpu.memory_space<vmem>>)
          "tpu.trace_stop"() : () -> ()
        } else {
        }
        %ne3A_214 = arith.cmpi ne, %add3A_154, %add3A_163 : i32
        %or3A_215 = arith.constant false
        %or3A_216 = arith.ori %or3A_215, %ne3A_214 : i1
        %or3A_217 = arith.ori %or3A_216, %eq3A_151 : i1
        %convert_element_type3A_218 = arith.extui %or3A_217 : i1 to i32
        %cond3A_219 = arith.constant 0 : i32
        %cond3A_220 = arith.cmpi ne, %convert_element_type3A_218, %cond3A_219 : i32
        scf.if %cond3A_220 {
          "tpu.trace_start"() <{level = 10 : i32, message = "ep_wait_in"}> : () -> ()
          %mul3A_293 = arith.constant 128 : i32
          %mul3A_294 = arith.muli %mul3A_293, %add3A_154 : i32
          %rem3A_295 = arith.constant 2 : i32
          %rem3A_296 = arith.remui %scan3A_148, %rem3A_295 : i32
          %dma_wait3A_297 = arith.constant 0 : i32
          %dma_wait3A_298 = arith.constant 0 : i32
          %dma_wait3A_299 = tpu.memref_slice %run_scoped3A_23[%rem3A_296, %dma_wait3A_297, %dma_wait3A_298] : memref<2x1x128xi32, #tpu.memory_space<vmem>> -> memref<1x1x128xi32, #tpu.memory_space<vmem>>
          %dma_wait3A_300 = tpu.memref_squeeze %dma_wait3A_299 : memref<1x1x128xi32, #tpu.memory_space<vmem>> -> memref<1x128xi32, #tpu.memory_space<vmem>>
          %dma_wait3A_301 = arith.constant 0 : i32
          %dma_wait3A_302 = tpu.memref_slice %arg4[%dma_wait3A_301, %mul3A_294] : memref<1x163840xi32, #tpu.memory_space<hbm>> -> memref<1x128xi32, #tpu.memory_space<hbm>>
          %dma_wait3A_303 = tpu.memref_slice %run_scoped3A_24[%rem3A_296] : memref<2x!tpu.dma_semaphore, #tpu.memory_space<semaphore_mem>> -> memref<1x!tpu.dma_semaphore, #tpu.memory_space<semaphore_mem>>
          %dma_wait3A_304 = tpu.memref_squeeze %dma_wait3A_303 : memref<1x!tpu.dma_semaphore, #tpu.memory_space<semaphore_mem>> -> memref<!tpu.dma_semaphore, #tpu.memory_space<semaphore_mem>>
          %dma_wait3A_305 = arith.constant 0 : i32
          %dma_wait3A_306 = arith.constant 0 : i32
          %dma_wait3A_307 = tpu.memref_slice %run_scoped3A_23[%rem3A_296, %dma_wait3A_305, %dma_wait3A_306] : memref<2x1x128xi32, #tpu.memory_space<vmem>> -> memref<1x1x128xi32, #tpu.memory_space<vmem>>
          %dma_wait3A_308 = tpu.memref_squeeze %dma_wait3A_307 : memref<1x1x128xi32, #tpu.memory_space<vmem>> -> memref<1x128xi32, #tpu.memory_space<vmem>>
          %dma_wait3A_309 = arith.constant 0 : i32
          %dma_wait3A_310 = tpu.memref_slice %arg4[%dma_wait3A_309, %mul3A_294] : memref<1x163840xi32, #tpu.memory_space<hbm>> -> memref<1x128xi32, #tpu.memory_space<hbm>>
          tpu.wait_dma2 semaphore(%dma_wait3A_304 : memref<!tpu.dma_semaphore, #tpu.memory_space<semaphore_mem>>) src(%dma_wait3A_310 : memref<1x128xi32, #tpu.memory_space<hbm>>) dst(%dma_wait3A_308 : memref<1x128xi32, #tpu.memory_space<vmem>>)
          "tpu.trace_stop"() : () -> ()
        } else {
        }
        %rem3A_221 = arith.constant 2 : i32
        %rem3A_222 = arith.remui %scan3A_146, %rem3A_221 : i32
        %rem3A_223 = arith.constant 2 : i32
        %rem3A_224 = arith.remui %scan3A_148, %rem3A_223 : i32
        "tpu.trace_start"() <{level = 10 : i32, message = "ep_run_kernel"}> : () -> ()
        %scan3A_225 = arith.constant 0 : i32
        %scan3A_226 = arith.constant 8 : i32
        %scan3A_227 = arith.addi %scan3A_225, %scan3A_226 : i32
        %scan3A_228 = arith.constant 1 : i32
        scf.for %scan3A_293 = %scan3A_225 to %scan3A_227 step %scan3A_228  : i32 {
          %mul3A_294 = arith.constant 16 : i32
          %mul3A_295 = arith.muli %scan3A_293, %mul3A_294 : i32
          %add3A_296 = arith.constant 0 : i32
          %add3A_297 = arith.addi %add3A_296, %mul3A_295 : i32
          %get3A = arith.constant 0 : i32
          %get3A_298 = arith.constant 0 : i32
          %get3A_299 = arith.constant 0 : i32
          %get3A_300 = tpu.memref_slice %run_scoped3A[%rem3A_222, %get3A_298, %get3A_299] : memref<2x1x128xi32, #tpu.memory_space<vmem>> -> memref<1x1x128xi32, #tpu.memory_space<vmem>>
          %get3A_301 = tpu.memref_squeeze %get3A_300 : memref<1x1x128xi32, #tpu.memory_space<vmem>> -> memref<1x128xi32, #tpu.memory_space<vmem>>
          %get3A_302 = arith.index_cast %get3A : i32 to index
          %get3A_303 = arith.index_cast %add3A_297 : i32 to index
          %get3A_304 = tpu.vector_load %get3A_301[%get3A_302, %get3A_303] {strides = array<i32>} : memref<1x128xi32, #tpu.memory_space<vmem>>, vector<1x16xi32>,
          %get3A_305 = vector.shape_cast %get3A_304 : vector<1x16xi32> to vector<16xi32>
          %add3A_306 = vector.broadcast %mul3A_8 : i32 to vector<16xi32>
          %add3A_307 = arith.addi %get3A_305, %add3A_306 : vector<16xi32>
          %swap3A = arith.index_cast %add3A_297 : i32 to index
          %swap3A_308 = tpu.vector_load %arg7[%swap3A] {strides = array<i32>} : memref<128xi32, #tpu.memory_space<vmem>>, vector<16xi32>,
          %swap3A_309 = vector.shape_cast %swap3A_308 : vector<16xi32> to vector<16xi32>
          %swap3A_310 = vector.shape_cast %add3A_307 : vector<16xi32> to vector<16xi32>
          tpu.vector_store %arg7[%swap3A], %swap3A_310 {strides = array<i32>} : memref<128xi32, #tpu.memory_space<vmem>>, vector<16xi32>,
        }
        %scan3A_229 = arith.constant 8 : i32
        "tpu.region"() ({
          %run_scoped3A_293 = tpu.sem_alloc : memref<!tpu.dma_semaphore, #tpu.memory_space<semaphore_mem>>
          %dma_start3A_294 = arith.constant 0 : i32
          %dma_start3A_295 = arith.constant 0 : i32
          %dma_start3A_296 = tpu.memref_slice %arg2[%dma_start3A_294, %dma_start3A_295] : memref<20000x128xf32, #tpu.memory_space<hbm>> -> memref<20000x128xf32, #tpu.memory_space<hbm>>
          tpu.enqueue_indirect_dma source(%dma_start3A_296 : memref<20000x128xf32, #tpu.memory_space<hbm>>) target(%arg8 : memref<128x128xf32, #tpu.memory_space<vmem>>) offsets(%arg7 : memref<128xi32, #tpu.memory_space<vmem>>) semaphore(%run_scoped3A_293 : memref<!tpu.dma_semaphore, #tpu.memory_space<semaphore_mem>>)
          %dma_wait3A_297 = arith.constant 0 : i32
          %dma_wait3A_298 = arith.constant 0 : i32
          %dma_wait3A_299 = tpu.memref_slice %arg2[%dma_wait3A_297, %dma_wait3A_298] : memref<20000x128xf32, #tpu.memory_space<hbm>> -> memref<20000x128xf32, #tpu.memory_space<hbm>>
          tpu.wait_indirect_dma semaphore(%run_scoped3A_293 : memref<!tpu.dma_semaphore, #tpu.memory_space<semaphore_mem>>) src(%dma_wait3A_299 : memref<20000x128xf32, #tpu.memory_space<hbm>>) dst(%arg8 : memref<128x128xf32, #tpu.memory_space<vmem>>)
          tpu.yield
        }) : () -> ()
        %run_scoped3A_230 = arith.constant 0 : i32
        "tpu.region"() ({
          %run_scoped3A_293 = tpu.sem_alloc : memref<!tpu.dma_semaphore, #tpu.memory_space<semaphore_mem>>
          %dma_start3A_294 = arith.constant 0 : i32
          %dma_start3A_295 = arith.constant 0 : i32
          %dma_start3A_296 = tpu.memref_slice %run_scoped3A_23[%rem3A_224, %dma_start3A_294, %dma_start3A_295] : memref<2x1x128xi32, #tpu.memory_space<vmem>> -> memref<1x1x128xi32, #tpu.memory_space<vmem>>
          %dma_start3A_297 = tpu.memref_squeeze %dma_start3A_296 : memref<1x1x128xi32, #tpu.memory_space<vmem>> -> memref<1x128xi32, #tpu.memory_space<vmem>>
          %dma_start3A_298 = arith.constant 0 : i32
          %dma_start3A_299 = tpu.memref_slice %dma_start3A_297[%run_scoped3A_230, %dma_start3A_298] : memref<1x128xi32, #tpu.memory_space<vmem>> -> memref<1x128xi32, #tpu.memory_space<vmem>>
          %dma_start3A_300 = tpu.memref_squeeze %dma_start3A_299 : memref<1x128xi32, #tpu.memory_space<vmem>> -> memref<128xi32, #tpu.memory_space<vmem>>
          %dma_start3A_301 = arith.constant 0 : i32
          %dma_start3A_302 = arith.constant 0 : i32
          %dma_start3A_303 = tpu.memref_slice %arg9[%dma_start3A_301, %dma_start3A_302] : memref<10240x128xf32, #tpu.memory_space<vmem_shared>> -> memref<10240x128xf32, #tpu.memory_space<vmem_shared>>
          tpu.enqueue_indirect_dma source(%arg8 : memref<128x128xf32, #tpu.memory_space<vmem>>) target(%dma_start3A_303 : memref<10240x128xf32, #tpu.memory_space<vmem_shared>>) offsets(%dma_start3A_300 : memref<128xi32, #tpu.memory_space<vmem>>) semaphore(%run_scoped3A_293 : memref<!tpu.dma_semaphore, #tpu.memory_space<semaphore_mem>>) {add = true}
          %dma_wait3A_304 = arith.constant 0 : i32
          %dma_wait3A_305 = arith.constant 0 : i32
          %dma_wait3A_306 = tpu.memref_slice %run_scoped3A_23[%rem3A_224, %dma_wait3A_304, %dma_wait3A_305] : memref<2x1x128xi32, #tpu.memory_space<vmem>> -> memref<1x1x128xi32, #tpu.memory_space<vmem>>
          %dma_wait3A_307 = tpu.memref_squeeze %dma_wait3A_306 : memref<1x1x128xi32, #tpu.memory_space<vmem>> -> memref<1x128xi32, #tpu.memory_space<vmem>>
          %dma_wait3A_308 = arith.constant 0 : i32
          %dma_wait3A_309 = tpu.memref_slice %dma_wait3A_307[%run_scoped3A_230, %dma_wait3A_308] : memref<1x128xi32, #tpu.memory_space<vmem>> -> memref<1x128xi32, #tpu.memory_space<vmem>>
          %dma_wait3A_310 = tpu.memref_squeeze %dma_wait3A_309 : memref<1x128xi32, #tpu.memory_space<vmem>> -> memref<128xi32, #tpu.memory_space<vmem>>
          %dma_wait3A_311 = arith.constant 0 : i32
          %dma_wait3A_312 = arith.constant 0 : i32
          %dma_wait3A_313 = tpu.memref_slice %arg9[%dma_wait3A_311, %dma_wait3A_312] : memref<10240x128xf32, #tpu.memory_space<vmem_shared>> -> memref<10240x128xf32, #tpu.memory_space<vmem_shared>>
          tpu.wait_indirect_dma semaphore(%run_scoped3A_293 : memref<!tpu.dma_semaphore, #tpu.memory_space<semaphore_mem>>) src(%arg8 : memref<128x128xf32, #tpu.memory_space<vmem>>) dst(%dma_wait3A_313 : memref<10240x128xf32, #tpu.memory_space<vmem_shared>>)
          tpu.yield
        }) : () -> ()
        "tpu.trace_stop"() : () -> ()
        %ne3A_231 = arith.cmpi ne, %add3A_154, %add3A_172 : i32
        %or3A_232 = arith.constant false
        %or3A_233 = arith.ori %or3A_232, %ne3A_231 : i1
        %or3A_234 = arith.ori %or3A_233, %eq3A_153 : i1
        %convert_element_type3A_235 = arith.extui %or3A_234 : i1 to i32
        %cond3A_236 = arith.constant 0 : i32
        %cond3A_237 = arith.cmpi ne, %convert_element_type3A_235, %cond3A_236 : i32
        scf.if %cond3A_237 {
        } else {
        }
        %and3A_238 = arith.constant false
        %and3A_239 = arith.andi %or3A_234, %and3A_238 : i1
        %ne3A_240 = arith.cmpi ne, %add3A_154, %add3A_172 : i32
        %or3A_241 = arith.constant false
        %or3A_242 = arith.ori %or3A_241, %ne3A_240 : i1
        %or3A_243 = arith.ori %or3A_242, %eq3A_153 : i1
        %convert_element_type3A_244 = arith.extui %or3A_243 : i1 to i32
        %cond3A_245 = arith.constant 0 : i32
        %cond3A_246 = arith.cmpi ne, %convert_element_type3A_244, %cond3A_245 : i32
        scf.if %cond3A_246 {
        } else {
        }
        %and3A_247 = arith.constant false
        %and3A_248 = arith.andi %or3A_243, %and3A_247 : i1
        %ne3A_249 = arith.cmpi ne, %add3A_154, %add3A_163 : i32
        %or3A_250 = arith.constant false
        %or3A_251 = arith.ori %or3A_250, %ne3A_249 : i1
        %not3A_252 = arith.constant true
        %not3A_253 = arith.xori %eq3A_151, %not3A_252 : i1
        %and3A_254 = arith.andi %or3A_251, %not3A_253 : i1
        %convert_element_type3A_255 = arith.extui %and3A_254 : i1 to i32
        %cond3A_256 = arith.constant 0 : i32
        %cond3A_257 = arith.cmpi ne, %convert_element_type3A_255, %cond3A_256 : i32
        scf.if %cond3A_257 {
        } else {
        }
        %and3A_258 = arith.constant false
        %and3A_259 = arith.andi %and3A_254, %and3A_258 : i1
        %ne3A_260 = arith.cmpi ne, %add3A_154, %add3A_163 : i32
        %or3A_261 = arith.constant false
        %or3A_262 = arith.ori %or3A_261, %ne3A_260 : i1
        %not3A_263 = arith.constant true
        %not3A_264 = arith.xori %eq3A_151, %not3A_263 : i1
        %and3A_265 = arith.andi %or3A_262, %not3A_264 : i1
        %convert_element_type3A_266 = arith.extui %and3A_265 : i1 to i32
        %cond3A_267 = arith.constant 0 : i32
        %cond3A_268 = arith.cmpi ne, %convert_element_type3A_266, %cond3A_267 : i32
        scf.if %cond3A_268 {
        } else {
        }
        %and3A_269 = arith.constant false
        %and3A_270 = arith.andi %and3A_265, %and3A_269 : i1
        %ne3A_271 = arith.cmpi ne, %add3A_154, %add3A_172 : i32
        %or3A_272 = arith.constant false
        %or3A_273 = arith.ori %or3A_272, %ne3A_271 : i1
        %or3A_274 = arith.ori %or3A_273, %eq3A_153 : i1
        %add3A_275 = arith.constant 1 : i32
        %add3A_276 = arith.addi %scan3A_146, %add3A_275 : i32
        %select_n3A_277 = arith.select %or3A_274, %add3A_276, %scan3A_146 : i32
        %ne3A_278 = arith.cmpi ne, %add3A_154, %add3A_172 : i32
        %or3A_279 = arith.constant false
        %or3A_280 = arith.ori %or3A_279, %ne3A_278 : i1
        %or3A_281 = arith.ori %or3A_280, %eq3A_153 : i1
        %add3A_282 = arith.constant 1 : i32
        %add3A_283 = arith.addi %scan3A_148, %add3A_282 : i32
        %select_n3A_284 = arith.select %or3A_281, %add3A_283, %scan3A_148 : i32
        %add3A_285 = arith.constant 1 : i32
        %add3A_286 = arith.addi %scan3A_149, %add3A_285 : i32
        %select_n3A_287 = arith.constant true
        %select_n3A_288 = arith.select %select_n3A_287, %add3A_286, %scan3A_149 : i32
        %eq3A_289 = arith.constant 80 : i32
        %eq3A_290 = arith.cmpi eq, %select_n3A_288, %eq3A_289 : i32
        %select_n3A_291 = arith.constant 0 : i32
        %select_n3A_292 = arith.select %eq3A_290, %select_n3A_291, %select_n3A_288 : i32
        scf.yield %select_n3A_190, %select_n3A_277, %select_n3A_206, %select_n3A_284, %select_n3A_292 : i32, i32, i32, i32, i32
      }
      %scan3A_108 = arith.constant 80 : i32
      %sub3A = arith.constant 1 : i32
      %sub3A_109 = arith.subi %scan3A_107#4, %sub3A : i32
      %select_n3A_110 = arith.constant true
      %select_n3A_111 = arith.select %select_n3A_110, %sub3A_109, %scan3A_107#4 : i32
      %eq3A_112 = arith.constant -1 : i32
      %eq3A_113 = arith.cmpi eq, %select_n3A_111, %eq3A_112 : i32
      %select_n3A_114 = arith.constant 79 : i32
      %select_n3A_115 = arith.select %eq3A_113, %select_n3A_114, %select_n3A_111 : i32
      %add3A_116 = arith.addi %select_n3A_115, %mul3A_10 : i32
      %sub3A_117 = arith.constant 1 : i32
      %sub3A_118 = arith.subi %select_n3A_115, %sub3A_117 : i32
      %select_n3A_119 = arith.constant true
      %select_n3A_120 = arith.select %select_n3A_119, %sub3A_118, %select_n3A_115 : i32
      %eq3A_121 = arith.constant -1 : i32
      %eq3A_122 = arith.cmpi eq, %select_n3A_120, %eq3A_121 : i32
      %select_n3A_123 = arith.constant 79 : i32
      %select_n3A_124 = arith.select %eq3A_122, %select_n3A_123, %select_n3A_120 : i32
      %add3A_125 = arith.addi %select_n3A_124, %mul3A_10 : i32
      %add3A_126 = arith.constant 1 : i32
      %add3A_127 = arith.addi %select_n3A_115, %add3A_126 : i32
      %select_n3A_128 = arith.constant true
      %select_n3A_129 = arith.select %select_n3A_128, %add3A_127, %select_n3A_115 : i32
      %eq3A_130 = arith.constant 80 : i32
      %eq3A_131 = arith.cmpi eq, %select_n3A_129, %eq3A_130 : i32
      %select_n3A_132 = arith.constant 0 : i32
      %select_n3A_133 = arith.select %eq3A_131, %select_n3A_132, %select_n3A_129 : i32
      %add3A_134 = arith.addi %select_n3A_133, %mul3A_10 : i32
      %add3A_135 = arith.constant 1 : i32
      %add3A_136 = arith.addi %select_n3A_133, %add3A_135 : i32
      %select_n3A_137 = arith.constant true
      %select_n3A_138 = arith.select %select_n3A_137, %add3A_136, %select_n3A_133 : i32
      %eq3A_139 = arith.constant 80 : i32
      %eq3A_140 = arith.cmpi eq, %select_n3A_138, %eq3A_139 : i32
      %select_n3A_141 = arith.constant 0 : i32
      %select_n3A_142 = arith.select %eq3A_140, %select_n3A_141, %select_n3A_138 : i32
      %add3A_143 = arith.addi %select_n3A_142, %mul3A_10 : i32
      tpu.yield
    }) : () -> ()
    %barrier3A_11 = arith.constant 0 : index
    tpu.barrier barrier_id(%barrier3A_11)
    %mul3A_12 = arith.constant 10240 : i32
    %mul3A_13 = arith.muli %arg0, %mul3A_12 : i32
    %add3A = arith.addi %mul3A_13, %mul3A_0 : i32
    %dma_start3A_14 = arith.constant 0 : i32
    %dma_start3A_15 = tpu.memref_slice %arg6[%add3A, %dma_start3A_14] : memref<20480x128xf32, #tpu.memory_space<hbm>> -> memref<640x128xf32, #tpu.memory_space<hbm>>
    %dma_start3A_16 = arith.constant 0 : i32
    %dma_start3A_17 = tpu.memref_slice %arg9[%mul3A_0, %dma_start3A_16] : memref<10240x128xf32, #tpu.memory_space<vmem_shared>> -> memref<640x128xf32, #tpu.memory_space<vmem_shared>>
    tpu.enqueue_dma source(%dma_start3A_17 : memref<640x128xf32, #tpu.memory_space<vmem_shared>>) target(%dma_start3A_15 : memref<640x128xf32, #tpu.memory_space<hbm>>) target_semaphore(%arg10 : memref<!tpu.dma_semaphore, #tpu.memory_space<semaphore_mem>>)
    %dma_wait3A_18 = arith.constant 0 : i32
    %dma_wait3A_19 = tpu.memref_slice %arg6[%add3A, %dma_wait3A_18] : memref<20480x128xf32, #tpu.memory_space<hbm>> -> memref<640x128xf32, #tpu.memory_space<hbm>>
    %dma_wait3A_20 = arith.constant 0 : i32
    %dma_wait3A_21 = tpu.memref_slice %arg9[%mul3A_0, %dma_wait3A_20] : memref<10240x128xf32, #tpu.memory_space<vmem_shared>> -> memref<640x128xf32, #tpu.memory_space<vmem_shared>>
    tpu.wait_dma2 semaphore(%arg10 : memref<!tpu.dma_semaphore, #tpu.memory_space<semaphore_mem>>) src(%dma_wait3A_21 : memref<640x128xf32, #tpu.memory_space<vmem_shared>>) dst(%dma_wait3A_19 : memref<640x128xf32, #tpu.memory_space<hbm>>)
    return
  }
}

#map = affine_map<(d0, d1) -> (0, 0)>
module attributes {stable_mosaic.version = 14 : i64} {
  func.func @body_fn(%arg0: i32, %arg1: i32, %arg2: memref<20000x128xf32, #tpu.memory_space<hbm>>, %arg3: memref<1x163840xi32, #tpu.memory_space<hbm>>, %arg4: memref<1x163840xi32, #tpu.memory_space<hbm>>, %arg5: memref<10240x128xf32, #tpu.memory_space<hbm>>, %arg6: memref<20480x128xf32, #tpu.memory_space<hbm>>, %arg7: memref<128xi32, #tpu.memory_space<vmem>>, %arg8: memref<128x128xf32, #tpu.memory_space<vmem>>, %arg9: memref<10240x128xf32, #tpu.memory_space<vmem_shared>>, %arg10: memref<!tpu.dma_semaphore, #tpu.memory_space<semaphore_mem>>) attributes {dimension_semantics = [#tpu.dimension_semantics<core_parallel>, #tpu.dimension_semantics<subcore_parallel>], iteration_bounds = array<i64: 2, 16>, scalar_prefetch = 0 : i64, scratch_operands = 4 : i64, tpu.core_type = #tpu.core_type<sc_vector_subcore>, window_params = [{transform_indices = #map}, {transform_indices = #map}, {transform_indices = #map}, {transform_indices = #map}, {transform_indices = #map}]} {
    %mul3A = arith.constant 640 : i32
    %mul3A_0 = arith.muli %arg1, %mul3A : i32
    %dma_start3A = arith.constant 0 : i32
    %dma_start3A_1 = tpu.memref_slice %arg9[%mul3A_0, %dma_start3A] : memref<10240x128xf32, #tpu.memory_space<vmem_shared>> -> memref<640x128xf32, #tpu.memory_space<vmem_shared>>
    %dma_start3A_2 = arith.constant 0 : i32
    %dma_start3A_3 = tpu.memref_slice %arg5[%mul3A_0, %dma_start3A_2] : memref<10240x128xf32, #tpu.memory_space<hbm>> -> memref<640x128xf32, #tpu.memory_space<hbm>>
    tpu.enqueue_dma source(%dma_start3A_3 : memref<640x128xf32, #tpu.memory_space<hbm>>) target(%dma_start3A_1 : memref<640x128xf32, #tpu.memory_space<vmem_shared>>) target_semaphore(%arg10 : memref<!tpu.dma_semaphore, #tpu.memory_space<semaphore_mem>>)
    %dma_wait3A = arith.constant 0 : i32
    %dma_wait3A_4 = tpu.memref_slice %arg9[%mul3A_0, %dma_wait3A] : memref<10240x128xf32, #tpu.memory_space<vmem_shared>> -> memref<640x128xf32, #tpu.memory_space<vmem_shared>>
    %dma_wait3A_5 = arith.constant 0 : i32
    %dma_wait3A_6 = tpu.memref_slice %arg5[%mul3A_0, %dma_wait3A_5] : memref<10240x128xf32, #tpu.memory_space<hbm>> -> memref<640x128xf32, #tpu.memory_space<hbm>>
    tpu.wait_dma2 semaphore(%arg10 : memref<!tpu.dma_semaphore, #tpu.memory_space<semaphore_mem>>) src(%dma_wait3A_6 : memref<640x128xf32, #tpu.memory_space<hbm>>) dst(%dma_wait3A_4 : memref<640x128xf32, #tpu.memory_space<vmem_shared>>)
    %barrier3A = arith.constant 0 : index
    tpu.barrier barrier_id(%barrier3A)
    %mul3A_7 = arith.constant 10000 : i32
    %mul3A_8 = arith.muli %arg0, %mul3A_7 : i32
    %mul3A_9 = arith.constant 80 : i32
    %mul3A_10 = arith.muli %arg1, %mul3A_9 : i32
    "tpu.region"() ({
      %run_scoped3A = memref.alloca() : memref<2x1x128xi32, #tpu.memory_space<vmem>>
      %run_scoped3A_22 = tpu.sem_alloc : memref<2x!tpu.dma_semaphore, #tpu.memory_space<semaphore_mem>>
      %run_scoped3A_23 = memref.alloca() : memref<2x1x128xi32, #tpu.memory_space<vmem>>
      %run_scoped3A_24 = tpu.sem_alloc : memref<2x!tpu.dma_semaphore, #tpu.memory_space<semaphore_mem>>
      %add3A_25 = arith.constant 0 : i32
      %add3A_26 = arith.addi %add3A_25, %mul3A_10 : i32
      %select_n3A = arith.constant true
      %select_n3A_27 = arith.constant 0 : i32
      %select_n3A_28 = arith.constant -1 : i32
      %select_n3A_29 = arith.select %select_n3A, %select_n3A_28, %select_n3A_27 : i32
      %eq3A = arith.constant -1 : i32
      %eq3A_30 = arith.cmpi eq, %select_n3A_29, %eq3A : i32
      %select_n3A_31 = arith.constant 79 : i32
      %select_n3A_32 = arith.select %eq3A_30, %select_n3A_31, %select_n3A_29 : i32
      %add3A_33 = arith.addi %select_n3A_32, %mul3A_10 : i32
      %select_n3A_34 = arith.constant true
      %select_n3A_35 = arith.constant 0 : i32
      %select_n3A_36 = arith.constant 1 : i32
      %select_n3A_37 = arith.select %select_n3A_34, %select_n3A_36, %select_n3A_35 : i32
      %eq3A_38 = arith.constant 80 : i32
      %eq3A_39 = arith.cmpi eq, %select_n3A_37, %eq3A_38 : i32
      %select_n3A_40 = arith.constant 0 : i32
      %select_n3A_41 = arith.select %eq3A_39, %select_n3A_40, %select_n3A_37 : i32
      %add3A_42 = arith.addi %select_n3A_41, %mul3A_10 : i32
      %add3A_43 = arith.constant 1 : i32
      %add3A_44 = arith.addi %select_n3A_41, %add3A_43 : i32
      %select_n3A_45 = arith.constant true
      %select_n3A_46 = arith.select %select_n3A_45, %add3A_44, %select_n3A_41 : i32
      %eq3A_47 = arith.constant 80 : i32
      %eq3A_48 = arith.cmpi eq, %select_n3A_46, %eq3A_47 : i32
      %select_n3A_49 = arith.constant 0 : i32
      %select_n3A_50 = arith.select %eq3A_48, %select_n3A_49, %select_n3A_46 : i32
      %add3A_51 = arith.addi %select_n3A_50, %mul3A_10 : i32
      "tpu.trace_start"() <{level = 10 : i32, message = "ep_initialize_0"}> : () -> ()
      %rem3A = arith.constant 0 : i32
      %rem3A_52 = arith.constant 2 : i32
      %rem3A_53 = arith.remui %rem3A, %rem3A_52 : i32
      %mul3A_54 = arith.constant 128 : i32
      %mul3A_55 = arith.muli %mul3A_54, %add3A_26 : i32
      %dma_start3A_56 = arith.constant 0 : i32
      %dma_start3A_57 = arith.constant 0 : i32
      %dma_start3A_58 = tpu.memref_slice %run_scoped3A[%rem3A_53, %dma_start3A_56, %dma_start3A_57] : memref<2x1x128xi32, #tpu.memory_space<vmem>> -> memref<1x1x128xi32, #tpu.memory_space<vmem>>
      %dma_start3A_59 = tpu.memref_squeeze %dma_start3A_58 : memref<1x1x128xi32, #tpu.memory_space<vmem>> -> memref<1x128xi32, #tpu.memory_space<vmem>>
      %dma_start3A_60 = arith.constant 0 : i32
      %dma_start3A_61 = tpu.memref_slice %arg3[%dma_start3A_60, %mul3A_55] : memref<1x163840xi32, #tpu.memory_space<hbm>> -> memref<1x128xi32, #tpu.memory_space<hbm>>
      %dma_start3A_62 = tpu.memref_slice %run_scoped3A_22[%rem3A_53] : memref<2x!tpu.dma_semaphore, #tpu.memory_space<semaphore_mem>> -> memref<1x!tpu.dma_semaphore, #tpu.memory_space<semaphore_mem>>
      %dma_start3A_63 = tpu.memref_squeeze %dma_start3A_62 : memref<1x!tpu.dma_semaphore, #tpu.memory_space<semaphore_mem>> -> memref<!tpu.dma_semaphore, #tpu.memory_space<semaphore_mem>>
      %dma_start3A_64 = arith.constant 0 : i32
      %dma_start3A_65 = arith.constant 0 : i32
      %dma_start3A_66 = tpu.memref_slice %run_scoped3A[%rem3A_53, %dma_start3A_64, %dma_start3A_65] : memref<2x1x128xi32, #tpu.memory_space<vmem>> -> memref<1x1x128xi32, #tpu.memory_space<vmem>>
      %dma_start3A_67 = tpu.memref_squeeze %dma_start3A_66 : memref<1x1x128xi32, #tpu.memory_space<vmem>> -> memref<1x128xi32, #tpu.memory_space<vmem>>
      %dma_start3A_68 = arith.constant 0 : i32
      %dma_start3A_69 = tpu.memref_slice %arg3[%dma_start3A_68, %mul3A_55] : memref<1x163840xi32, #tpu.memory_space<hbm>> -> memref<1x128xi32, #tpu.memory_space<hbm>>
      tpu.enqueue_dma source(%dma_start3A_69 : memref<1x128xi32, #tpu.memory_space<hbm>>) target(%dma_start3A_67 : memref<1x128xi32, #tpu.memory_space<vmem>>) target_semaphore(%dma_start3A_63 : memref<!tpu.dma_semaphore, #tpu.memory_space<semaphore_mem>>)
      %add3A_70 = arith.constant 0 : i32
      %add3A_71 = arith.constant 1 : i32
      %add3A_72 = arith.addi %add3A_70, %add3A_71 : i32
      %select_n3A_73 = arith.constant true
      %select_n3A_74 = arith.constant 0 : i32
      %select_n3A_75 = arith.select %select_n3A_73, %add3A_72, %select_n3A_74 : i32
      %rem3A_76 = arith.constant 0 : i32
      %rem3A_77 = arith.constant 2 : i32
      %rem3A_78 = arith.remui %rem3A_76, %rem3A_77 : i32
      %mul3A_79 = arith.constant 128 : i32
      %mul3A_80 = arith.muli %mul3A_79, %add3A_26 : i32
      %dma_start3A_81 = arith.constant 0 : i32
      %dma_start3A_82 = arith.constant 0 : i32
      %dma_start3A_83 = tpu.memref_slice %run_scoped3A_23[%rem3A_78, %dma_start3A_81, %dma_start3A_82] : memref<2x1x128xi32, #tpu.memory_space<vmem>> -> memref<1x1x128xi32, #tpu.memory_space<vmem>>
      %dma_start3A_84 = tpu.memref_squeeze %dma_start3A_83 : memref<1x1x128xi32, #tpu.memory_space<vmem>> -> memref<1x128xi32, #tpu.memory_space<vmem>>
      %dma_start3A_85 = arith.constant 0 : i32
      %dma_start3A_86 = tpu.memref_slice %arg4[%dma_start3A_85, %mul3A_80] : memref<1x163840xi32, #tpu.memory_space<hbm>> -> memref<1x128xi32, #tpu.memory_space<hbm>>
      %dma_start3A_87 = tpu.memref_slice %run_scoped3A_24[%rem3A_78] : memref<2x!tpu.dma_semaphore, #tpu.memory_space<semaphore_mem>> -> memref<1x!tpu.dma_semaphore, #tpu.memory_space<semaphore_mem>>
      %dma_start3A_88 = tpu.memref_squeeze %dma_start3A_87 : memref<1x!tpu.dma_semaphore, #tpu.memory_space<semaphore_mem>> -> memref<!tpu.dma_semaphore, #tpu.memory_space<semaphore_mem>>
      %dma_start3A_89 = arith.constant 0 : i32
      %dma_start3A_90 = arith.constant 0 : i32
      %dma_start3A_91 = tpu.memref_slice %run_scoped3A_23[%rem3A_78, %dma_start3A_89, %dma_start3A_90] : memref<2x1x128xi32, #tpu.memory_space<vmem>> -> memref<1x1x128xi32, #tpu.memory_space<vmem>>
      %dma_start3A_92 = tpu.memref_squeeze %dma_start3A_91 : memref<1x1x128xi32, #tpu.memory_space<vmem>> -> memref<1x128xi32, #tpu.memory_space<vmem>>
      %dma_start3A_93 = arith.constant 0 : i32
      %dma_start3A_94 = tpu.memref_slice %arg4[%dma_start3A_93, %mul3A_80] : memref<1x163840xi32, #tpu.memory_space<hbm>> -> memref<1x128xi32, #tpu.memory_space<hbm>>
      tpu.enqueue_dma source(%dma_start3A_94 : memref<1x128xi32, #tpu.memory_space<hbm>>) target(%dma_start3A_92 : memref<1x128xi32, #tpu.memory_space<vmem>>) target_semaphore(%dma_start3A_88 : memref<!tpu.dma_semaphore, #tpu.memory_space<semaphore_mem>>)
      %add3A_95 = arith.constant 0 : i32
      %add3A_96 = arith.constant 1 : i32
      %add3A_97 = arith.addi %add3A_95, %add3A_96 : i32
      %select_n3A_98 = arith.constant true
      %select_n3A_99 = arith.constant 0 : i32
      %select_n3A_100 = arith.select %select_n3A_98, %add3A_97, %select_n3A_99 : i32
      "tpu.trace_stop"() : () -> ()
      %scan3A = arith.constant 0 : i32
      %scan3A_101 = arith.constant 0 : i32
      %scan3A_102 = arith.constant 0 : i32
      %scan3A_103 = arith.constant 0 : i32
      %scan3A_104 = arith.constant 80 : i32
      %scan3A_105 = arith.addi %scan3A_103, %scan3A_104 : i32
      %scan3A_106 = arith.constant 1 : i32
      %scan3A_107:5 = scf.for %scan3A_144 = %scan3A_103 to %scan3A_105 step %scan3A_106 iter_args(%scan3A_145 = %select_n3A_75, %scan3A_146 = %scan3A, %scan3A_147 = %select_n3A_100, %scan3A_148 = %scan3A_101, %scan3A_149 = %scan3A_102) -> (i32, i32, i32, i32, i32)  : i32 {
        %eq3A_150 = arith.constant 0 : i32
        %eq3A_151 = arith.cmpi eq, %scan3A_144, %eq3A_150 : i32
        %eq3A_152 = arith.constant 79 : i32
        %eq3A_153 = arith.cmpi eq, %scan3A_144, %eq3A_152 : i32
        %add3A_154 = arith.addi %scan3A_149, %mul3A_10 : i32
        %sub3A_155 = arith.constant 1 : i32
        %sub3A_156 = arith.subi %scan3A_149, %sub3A_155 : i32
        %select_n3A_157 = arith.constant true
        %select_n3A_158 = arith.select %select_n3A_157, %sub3A_156, %scan3A_149 : i32
        %eq3A_159 = arith.constant -1 : i32
        %eq3A_160 = arith.cmpi eq, %select_n3A_158, %eq3A_159 : i32
        %select_n3A_161 = arith.constant 79 : i32
        %select_n3A_162 = arith.select %eq3A_160, %select_n3A_161, %select_n3A_158 : i32
        %add3A_163 = arith.addi %select_n3A_162, %mul3A_10 : i32
        %add3A_164 = arith.constant 1 : i32
        %add3A_165 = arith.addi %scan3A_149, %add3A_164 : i32
        %select_n3A_166 = arith.constant true
        %select_n3A_167 = arith.select %select_n3A_166, %add3A_165, %scan3A_149 : i32
        %eq3A_168 = arith.constant 80 : i32
        %eq3A_169 = arith.cmpi eq, %select_n3A_167, %eq3A_168 : i32
        %select_n3A_170 = arith.constant 0 : i32
        %select_n3A_171 = arith.select %eq3A_169, %select_n3A_170, %select_n3A_167 : i32
        %add3A_172 = arith.addi %select_n3A_171, %mul3A_10 : i32
        %add3A_173 = arith.constant 1 : i32
        %add3A_174 = arith.addi %select_n3A_171, %add3A_173 : i32
        %select_n3A_175 = arith.constant true
        %select_n3A_176 = arith.select %select_n3A_175, %add3A_174, %select_n3A_171 : i32
        %eq3A_177 = arith.constant 80 : i32
        %eq3A_178 = arith.cmpi eq, %select_n3A_176, %eq3A_177 : i32
        %select_n3A_179 = arith.constant 0 : i32
        %select_n3A_180 = arith.select %eq3A_178, %select_n3A_179, %select_n3A_176 : i32
        %add3A_181 = arith.addi %select_n3A_180, %mul3A_10 : i32
        %ne3A = arith.cmpi ne, %add3A_154, %add3A_172 : i32
        %or3A = arith.constant false
        %or3A_182 = arith.ori %or3A, %ne3A : i1
        %ge3A = arith.constant 79 : i32
        %ge3A_183 = arith.cmpi sge, %scan3A_144, %ge3A : i32
        %not3A = arith.constant true
        %not3A_184 = arith.xori %ge3A_183, %not3A : i1
        %and3A = arith.andi %or3A_182, %not3A_184 : i1
        %convert_element_type3A = arith.extui %and3A : i1 to i32
        %cond3A = arith.constant 0 : i32
        %cond3A_185 = arith.cmpi ne, %convert_element_type3A, %cond3A : i32
        scf.if %cond3A_185 {
          "tpu.trace_start"() <{level = 10 : i32, message = "ep_copy_in"}> : () -> ()
          %rem3A_293 = arith.constant 2 : i32
          %rem3A_294 = arith.remui %scan3A_145, %rem3A_293 : i32
          %mul3A_295 = arith.constant 128 : i32
          %mul3A_296 = arith.muli %mul3A_295, %add3A_172 : i32
          %dma_start3A_297 = arith.constant 0 : i32
          %dma_start3A_298 = arith.constant 0 : i32
          %dma_start3A_299 = tpu.memref_slice %run_scoped3A[%rem3A_294, %dma_start3A_297, %dma_start3A_298] : memref<2x1x128xi32, #tpu.memory_space<vmem>> -> memref<1x1x128xi32, #tpu.memory_space<vmem>>
          %dma_start3A_300 = tpu.memref_squeeze %dma_start3A_299 : memref<1x1x128xi32, #tpu.memory_space<vmem>> -> memref<1x128xi32, #tpu.memory_space<vmem>>
          %dma_start3A_301 = arith.constant 0 : i32
          %dma_start3A_302 = tpu.memref_slice %arg3[%dma_start3A_301, %mul3A_296] : memref<1x163840xi32, #tpu.memory_space<hbm>> -> memref<1x128xi32, #tpu.memory_space<hbm>>
          %dma_start3A_303 = tpu.memref_slice %run_scoped3A_22[%rem3A_294] : memref<2x!tpu.dma_semaphore, #tpu.memory_space<semaphore_mem>> -> memref<1x!tpu.dma_semaphore, #tpu.memory_space<semaphore_mem>>
          %dma_start3A_304 = tpu.memref_squeeze %dma_start3A_303 : memref<1x!tpu.dma_semaphore, #tpu.memory_space<semaphore_mem>> -> memref<!tpu.dma_semaphore, #tpu.memory_space<semaphore_mem>>
          %dma_start3A_305 = arith.constant 0 : i32
          %dma_start3A_306 = arith.constant 0 : i32
          %dma_start3A_307 = tpu.memref_slice %run_scoped3A[%rem3A_294, %dma_start3A_305, %dma_start3A_306] : memref<2x1x128xi32, #tpu.memory_space<vmem>> -> memref<1x1x128xi32, #tpu.memory_space<vmem>>
          %dma_start3A_308 = tpu.memref_squeeze %dma_start3A_307 : memref<1x1x128xi32, #tpu.memory_space<vmem>> -> memref<1x128xi32, #tpu.memory_space<vmem>>
          %dma_start3A_309 = arith.constant 0 : i32
          %dma_start3A_310 = tpu.memref_slice %arg3[%dma_start3A_309, %mul3A_296] : memref<1x163840xi32, #tpu.memory_space<hbm>> -> memref<1x128xi32, #tpu.memory_space<hbm>>
          tpu.enqueue_dma source(%dma_start3A_310 : memref<1x128xi32, #tpu.memory_space<hbm>>) target(%dma_start3A_308 : memref<1x128xi32, #tpu.memory_space<vmem>>) target_semaphore(%dma_start3A_304 : memref<!tpu.dma_semaphore, #tpu.memory_space<semaphore_mem>>)
          "tpu.trace_stop"() : () -> ()
        } else {
        }
        %and3A_186 = arith.constant true
        %and3A_187 = arith.andi %and3A, %and3A_186 : i1
        %add3A_188 = arith.constant 1 : i32
        %add3A_189 = arith.addi %scan3A_145, %add3A_188 : i32
        %select_n3A_190 = arith.select %and3A_187, %add3A_189, %scan3A_145 : i32
        %ne3A_191 = arith.cmpi ne, %add3A_154, %add3A_172 : i32
        %or3A_192 = arith.constant false
        %or3A_193 = arith.ori %or3A_192, %ne3A_191 : i1
        %ge3A_194 = arith.constant 79 : i32
        %ge3A_195 = arith.cmpi sge, %scan3A_144, %ge3A_194 : i32
        %not3A_196 = arith.constant true
        %not3A_197 = arith.xori %ge3A_195, %not3A_196 : i1
        %and3A_198 = arith.andi %or3A_193, %not3A_197 : i1
        %convert_element_type3A_199 = arith.extui %and3A_198 : i1 to i32
        %cond3A_200 = arith.constant 0 : i32
        %cond3A_201 = arith.cmpi ne, %convert_element_type3A_199, %cond3A_200 : i32
        scf.if %cond3A_201 {
          "tpu.trace_start"() <{level = 10 : i32, message = "ep_copy_in"}> : () -> ()
          %rem3A_293 = arith.constant 2 : i32
          %rem3A_294 = arith.remui %scan3A_147, %rem3A_293 : i32
          %mul3A_295 = arith.constant 128 : i32
          %mul3A_296 = arith.muli %mul3A_295, %add3A_172 : i32
          %dma_start3A_297 = arith.constant 0 : i32
          %dma_start3A_298 = arith.constant 0 : i32
          %dma_start3A_299 = tpu.memref_slice %run_scoped3A_23[%rem3A_294, %dma_start3A_297, %dma_start3A_298] : memref<2x1x128xi32, #tpu.memory_space<vmem>> -> memref<1x1x128xi32, #tpu.memory_space<vmem>>
          %dma_start3A_300 = tpu.memref_squeeze %dma_start3A_299 : memref<1x1x128xi32, #tpu.memory_space<vmem>> -> memref<1x128xi32, #tpu.memory_space<vmem>>
          %dma_start3A_301 = arith.constant 0 : i32
          %dma_start3A_302 = tpu.memref_slice %arg4[%dma_start3A_301, %mul3A_296] : memref<1x163840xi32, #tpu.memory_space<hbm>> -> memref<1x128xi32, #tpu.memory_space<hbm>>
          %dma_start3A_303 = tpu.memref_slice %run_scoped3A_24[%rem3A_294] : memref<2x!tpu.dma_semaphore, #tpu.memory_space<semaphore_mem>> -> memref<1x!tpu.dma_semaphore, #tpu.memory_space<semaphore_mem>>
          %dma_start3A_304 = tpu.memref_squeeze %dma_start3A_303 : memref<1x!tpu.dma_semaphore, #tpu.memory_space<semaphore_mem>> -> memref<!tpu.dma_semaphore, #tpu.memory_space<semaphore_mem>>
          %dma_start3A_305 = arith.constant 0 : i32
          %dma_start3A_306 = arith.constant 0 : i32
          %dma_start3A_307 = tpu.memref_slice %run_scoped3A_23[%rem3A_294, %dma_start3A_305, %dma_start3A_306] : memref<2x1x128xi32, #tpu.memory_space<vmem>> -> memref<1x1x128xi32, #tpu.memory_space<vmem>>
          %dma_start3A_308 = tpu.memref_squeeze %dma_start3A_307 : memref<1x1x128xi32, #tpu.memory_space<vmem>> -> memref<1x128xi32, #tpu.memory_space<vmem>>
          %dma_start3A_309 = arith.constant 0 : i32
          %dma_start3A_310 = tpu.memref_slice %arg4[%dma_start3A_309, %mul3A_296] : memref<1x163840xi32, #tpu.memory_space<hbm>> -> memref<1x128xi32, #tpu.memory_space<hbm>>
          tpu.enqueue_dma source(%dma_start3A_310 : memref<1x128xi32, #tpu.memory_space<hbm>>) target(%dma_start3A_308 : memref<1x128xi32, #tpu.memory_space<vmem>>) target_semaphore(%dma_start3A_304 : memref<!tpu.dma_semaphore, #tpu.memory_space<semaphore_mem>>)
          "tpu.trace_stop"() : () -> ()
        } else {
        }
        %and3A_202 = arith.constant true
        %and3A_203 = arith.andi %and3A_198, %and3A_202 : i1
        %add3A_204 = arith.constant 1 : i32
        %add3A_205 = arith.addi %scan3A_147, %add3A_204 : i32
        %select_n3A_206 = arith.select %and3A_203, %add3A_205, %scan3A_147 : i32
        %ne3A_207 = arith.cmpi ne, %add3A_154, %add3A_163 : i32
        %or3A_208 = arith.constant false
        %or3A_209 = arith.ori %or3A_208, %ne3A_207 : i1
        %or3A_210 = arith.ori %or3A_209, %eq3A_151 : i1
        %convert_element_type3A_211 = arith.extui %or3A_210 : i1 to i32
        %cond3A_212 = arith.constant 0 : i32
        %cond3A_213 = arith.cmpi ne, %convert_element_type3A_211, %cond3A_212 : i32
        scf.if %cond3A_213 {
          "tpu.trace_start"() <{level = 10 : i32, message = "ep_wait_in"}> : () -> ()
          %mul3A_293 = arith.constant 128 : i32
          %mul3A_294 = arith.muli %mul3A_293, %add3A_154 : i32
          %rem3A_295 = arith.constant 2 : i32
          %rem3A_296 = arith.remui %scan3A_146, %rem3A_295 : i32
          %dma_wait3A_297 = arith.constant 0 : i32
          %dma_wait3A_298 = arith.constant 0 : i32
          %dma_wait3A_299 = tpu.memref_slice %run_scoped3A[%rem3A_296, %dma_wait3A_297, %dma_wait3A_298] : memref<2x1x128xi32, #tpu.memory_space<vmem>> -> memref<1x1x128xi32, #tpu.memory_space<vmem>>
          %dma_wait3A_300 = tpu.memref_squeeze %dma_wait3A_299 : memref<1x1x128xi32, #tpu.memory_space<vmem>> -> memref<1x128xi32, #tpu.memory_space<vmem>>
          %dma_wait3A_301 = arith.constant 0 : i32
          %dma_wait3A_302 = tpu.memref_slice %arg3[%dma_wait3A_301, %mul3A_294] : memref<1x163840xi32, #tpu.memory_space<hbm>> -> memref<1x128xi32, #tpu.memory_space<hbm>>
          %dma_wait3A_303 = tpu.memref_slice %run_scoped3A_22[%rem3A_296] : memref<2x!tpu.dma_semaphore, #tpu.memory_space<semaphore_mem>> -> memref<1x!tpu.dma_semaphore, #tpu.memory_space<semaphore_mem>>
          %dma_wait3A_304 = tpu.memref_squeeze %dma_wait3A_303 : memref<1x!tpu.dma_semaphore, #tpu.memory_space<semaphore_mem>> -> memref<!tpu.dma_semaphore, #tpu.memory_space<semaphore_mem>>
          %dma_wait3A_305 = arith.constant 0 : i32
          %dma_wait3A_306 = arith.constant 0 : i32
          %dma_wait3A_307 = tpu.memref_slice %run_scoped3A[%rem3A_296, %dma_wait3A_305, %dma_wait3A_306] : memref<2x1x128xi32, #tpu.memory_space<vmem>> -> memref<1x1x128xi32, #tpu.memory_space<vmem>>
          %dma_wait3A_308 = tpu.memref_squeeze %dma_wait3A_307 : memref<1x1x128xi32, #tpu.memory_space<vmem>> -> memref<1x128xi32, #tpu.memory_space<vmem>>
          %dma_wait3A_309 = arith.constant 0 : i32
          %dma_wait3A_310 = tpu.memref_slice %arg3[%dma_wait3A_309, %mul3A_294] : memref<1x163840xi32, #tpu.memory_space<hbm>> -> memref<1x128xi32, #tpu.memory_space<hbm>>
          tpu.wait_dma2 semaphore(%dma_wait3A_304 : memref<!tpu.dma_semaphore, #tpu.memory_space<semaphore_mem>>) src(%dma_wait3A_310 : memref<1x128xi32, #tpu.memory_space<hbm>>) dst(%dma_wait3A_308 : memref<1x128xi32, #tpu.memory_space<vmem>>)
          "tpu.trace_stop"() : () -> ()
        } else {
        }
        %ne3A_214 = arith.cmpi ne, %add3A_154, %add3A_163 : i32
        %or3A_215 = arith.constant false
        %or3A_216 = arith.ori %or3A_215, %ne3A_214 : i1
        %or3A_217 = arith.ori %or3A_216, %eq3A_151 : i1
        %convert_element_type3A_218 = arith.extui %or3A_217 : i1 to i32
        %cond3A_219 = arith.constant 0 : i32
        %cond3A_220 = arith.cmpi ne, %convert_element_type3A_218, %cond3A_219 : i32
        scf.if %cond3A_220 {
          "tpu.trace_start"() <{level = 10 : i32, message = "ep_wait_in"}> : () -> ()
          %mul3A_293 = arith.constant 128 : i32
          %mul3A_294 = arith.muli %mul3A_293, %add3A_154 : i32
          %rem3A_295 = arith.constant 2 : i32
          %rem3A_296 = arith.remui %scan3A_148, %rem3A_295 : i32
          %dma_wait3A_297 = arith.constant 0 : i32
          %dma_wait3A_298 = arith.constant 0 : i32
          %dma_wait3A_299 = tpu.memref_slice %run_scoped3A_23[%rem3A_296, %dma_wait3A_297, %dma_wait3A_298] : memref<2x1x128xi32, #tpu.memory_space<vmem>> -> memref<1x1x128xi32, #tpu.memory_space<vmem>>
          %dma_wait3A_300 = tpu.memref_squeeze %dma_wait3A_299 : memref<1x1x128xi32, #tpu.memory_space<vmem>> -> memref<1x128xi32, #tpu.memory_space<vmem>>
          %dma_wait3A_301 = arith.constant 0 : i32
          %dma_wait3A_302 = tpu.memref_slice %arg4[%dma_wait3A_301, %mul3A_294] : memref<1x163840xi32, #tpu.memory_space<hbm>> -> memref<1x128xi32, #tpu.memory_space<hbm>>
          %dma_wait3A_303 = tpu.memref_slice %run_scoped3A_24[%rem3A_296] : memref<2x!tpu.dma_semaphore, #tpu.memory_space<semaphore_mem>> -> memref<1x!tpu.dma_semaphore, #tpu.memory_space<semaphore_mem>>
          %dma_wait3A_304 = tpu.memref_squeeze %dma_wait3A_303 : memref<1x!tpu.dma_semaphore, #tpu.memory_space<semaphore_mem>> -> memref<!tpu.dma_semaphore, #tpu.memory_space<semaphore_mem>>
          %dma_wait3A_305 = arith.constant 0 : i32
          %dma_wait3A_306 = arith.constant 0 : i32
          %dma_wait3A_307 = tpu.memref_slice %run_scoped3A_23[%rem3A_296, %dma_wait3A_305, %dma_wait3A_306] : memref<2x1x128xi32, #tpu.memory_space<vmem>> -> memref<1x1x128xi32, #tpu.memory_space<vmem>>
          %dma_wait3A_308 = tpu.memref_squeeze %dma_wait3A_307 : memref<1x1x128xi32, #tpu.memory_space<vmem>> -> memref<1x128xi32, #tpu.memory_space<vmem>>
          %dma_wait3A_309 = arith.constant 0 : i32
          %dma_wait3A_310 = tpu.memref_slice %arg4[%dma_wait3A_309, %mul3A_294] : memref<1x163840xi32, #tpu.memory_space<hbm>> -> memref<1x128xi32, #tpu.memory_space<hbm>>
          tpu.wait_dma2 semaphore(%dma_wait3A_304 : memref<!tpu.dma_semaphore, #tpu.memory_space<semaphore_mem>>) src(%dma_wait3A_310 : memref<1x128xi32, #tpu.memory_space<hbm>>) dst(%dma_wait3A_308 : memref<1x128xi32, #tpu.memory_space<vmem>>)
          "tpu.trace_stop"() : () -> ()
        } else {
        }
        %rem3A_221 = arith.constant 2 : i32
        %rem3A_222 = arith.remui %scan3A_146, %rem3A_221 : i32
        %rem3A_223 = arith.constant 2 : i32
        %rem3A_224 = arith.remui %scan3A_148, %rem3A_223 : i32
        "tpu.trace_start"() <{level = 10 : i32, message = "ep_run_kernel"}> : () -> ()
        %scan3A_225 = arith.constant 0 : i32
        %scan3A_226 = arith.constant 8 : i32
        %scan3A_227 = arith.addi %scan3A_225, %scan3A_226 : i32
        %scan3A_228 = arith.constant 1 : i32
        scf.for %scan3A_293 = %scan3A_225 to %scan3A_227 step %scan3A_228  : i32 {
          %mul3A_294 = arith.constant 16 : i32
          %mul3A_295 = arith.muli %scan3A_293, %mul3A_294 : i32
          %add3A_296 = arith.constant 0 : i32
          %add3A_297 = arith.addi %add3A_296, %mul3A_295 : i32
          %get3A = arith.constant 0 : i32
          %get3A_298 = arith.constant 0 : i32
          %get3A_299 = arith.constant 0 : i32
          %get3A_300 = tpu.memref_slice %run_scoped3A[%rem3A_222, %get3A_298, %get3A_299] : memref<2x1x128xi32, #tpu.memory_space<vmem>> -> memref<1x1x128xi32, #tpu.memory_space<vmem>>
          %get3A_301 = tpu.memref_squeeze %get3A_300 : memref<1x1x128xi32, #tpu.memory_space<vmem>> -> memref<1x128xi32, #tpu.memory_space<vmem>>
          %get3A_302 = arith.index_cast %get3A : i32 to index
          %get3A_303 = arith.index_cast %add3A_297 : i32 to index
          %get3A_304 = tpu.vector_load %get3A_301[%get3A_302, %get3A_303] {strides = array<i32>} : memref<1x128xi32, #tpu.memory_space<vmem>>, vector<1x16xi32>,
          %get3A_305 = vector.shape_cast %get3A_304 : vector<1x16xi32> to vector<16xi32>
          %add3A_306 = vector.broadcast %mul3A_8 : i32 to vector<16xi32>
          %add3A_307 = arith.addi %get3A_305, %add3A_306 : vector<16xi32>
          %swap3A = arith.index_cast %add3A_297 : i32 to index
          %swap3A_308 = tpu.vector_load %arg7[%swap3A] {strides = array<i32>} : memref<128xi32, #tpu.memory_space<vmem>>, vector<16xi32>,
          %swap3A_309 = vector.shape_cast %swap3A_308 : vector<16xi32> to vector<16xi32>
          %swap3A_310 = vector.shape_cast %add3A_307 : vector<16xi32> to vector<16xi32>
          tpu.vector_store %arg7[%swap3A], %swap3A_310 {strides = array<i32>} : memref<128xi32, #tpu.memory_space<vmem>>, vector<16xi32>,
        }
        %scan3A_229 = arith.constant 8 : i32
        "tpu.region"() ({
          %run_scoped3A_293 = tpu.sem_alloc : memref<!tpu.dma_semaphore, #tpu.memory_space<semaphore_mem>>
          %dma_start3A_294 = arith.constant 0 : i32
          %dma_start3A_295 = arith.constant 0 : i32
          %dma_start3A_296 = tpu.memref_slice %arg2[%dma_start3A_294, %dma_start3A_295] : memref<20000x128xf32, #tpu.memory_space<hbm>> -> memref<20000x128xf32, #tpu.memory_space<hbm>>
          tpu.enqueue_indirect_dma source(%dma_start3A_296 : memref<20000x128xf32, #tpu.memory_space<hbm>>) target(%arg8 : memref<128x128xf32, #tpu.memory_space<vmem>>) offsets(%arg7 : memref<128xi32, #tpu.memory_space<vmem>>) semaphore(%run_scoped3A_293 : memref<!tpu.dma_semaphore, #tpu.memory_space<semaphore_mem>>)
          %dma_wait3A_297 = arith.constant 0 : i32
          %dma_wait3A_298 = arith.constant 0 : i32
          %dma_wait3A_299 = tpu.memref_slice %arg2[%dma_wait3A_297, %dma_wait3A_298] : memref<20000x128xf32, #tpu.memory_space<hbm>> -> memref<20000x128xf32, #tpu.memory_space<hbm>>
          tpu.wait_indirect_dma semaphore(%run_scoped3A_293 : memref<!tpu.dma_semaphore, #tpu.memory_space<semaphore_mem>>) src(%dma_wait3A_299 : memref<20000x128xf32, #tpu.memory_space<hbm>>) dst(%arg8 : memref<128x128xf32, #tpu.memory_space<vmem>>)
          tpu.yield
        }) : () -> ()
        %run_scoped3A_230 = arith.constant 0 : i32
        "tpu.region"() ({
          %run_scoped3A_293 = tpu.sem_alloc : memref<!tpu.dma_semaphore, #tpu.memory_space<semaphore_mem>>
          %dma_start3A_294 = arith.constant 0 : i32
          %dma_start3A_295 = arith.constant 0 : i32
          %dma_start3A_296 = tpu.memref_slice %run_scoped3A_23[%rem3A_224, %dma_start3A_294, %dma_start3A_295] : memref<2x1x128xi32, #tpu.memory_space<vmem>> -> memref<1x1x128xi32, #tpu.memory_space<vmem>>
          %dma_start3A_297 = tpu.memref_squeeze %dma_start3A_296 : memref<1x1x128xi32, #tpu.memory_space<vmem>> -> memref<1x128xi32, #tpu.memory_space<vmem>>
          %dma_start3A_298 = arith.constant 0 : i32
          %dma_start3A_299 = tpu.memref_slice %dma_start3A_297[%run_scoped3A_230, %dma_start3A_298] : memref<1x128xi32, #tpu.memory_space<vmem>> -> memref<1x128xi32, #tpu.memory_space<vmem>>
          %dma_start3A_300 = tpu.memref_squeeze %dma_start3A_299 : memref<1x128xi32, #tpu.memory_space<vmem>> -> memref<128xi32, #tpu.memory_space<vmem>>
          %dma_start3A_301 = arith.constant 0 : i32
          %dma_start3A_302 = arith.constant 0 : i32
          %dma_start3A_303 = tpu.memref_slice %arg9[%dma_start3A_301, %dma_start3A_302] : memref<10240x128xf32, #tpu.memory_space<vmem_shared>> -> memref<10240x128xf32, #tpu.memory_space<vmem_shared>>
          tpu.enqueue_indirect_dma source(%arg8 : memref<128x128xf32, #tpu.memory_space<vmem>>) target(%dma_start3A_303 : memref<10240x128xf32, #tpu.memory_space<vmem_shared>>) offsets(%dma_start3A_300 : memref<128xi32, #tpu.memory_space<vmem>>) semaphore(%run_scoped3A_293 : memref<!tpu.dma_semaphore, #tpu.memory_space<semaphore_mem>>) {add = true}
          %dma_wait3A_304 = arith.constant 0 : i32
          %dma_wait3A_305 = arith.constant 0 : i32
          %dma_wait3A_306 = tpu.memref_slice %run_scoped3A_23[%rem3A_224, %dma_wait3A_304, %dma_wait3A_305] : memref<2x1x128xi32, #tpu.memory_space<vmem>> -> memref<1x1x128xi32, #tpu.memory_space<vmem>>
          %dma_wait3A_307 = tpu.memref_squeeze %dma_wait3A_306 : memref<1x1x128xi32, #tpu.memory_space<vmem>> -> memref<1x128xi32, #tpu.memory_space<vmem>>
          %dma_wait3A_308 = arith.constant 0 : i32
          %dma_wait3A_309 = tpu.memref_slice %dma_wait3A_307[%run_scoped3A_230, %dma_wait3A_308] : memref<1x128xi32, #tpu.memory_space<vmem>> -> memref<1x128xi32, #tpu.memory_space<vmem>>
          %dma_wait3A_310 = tpu.memref_squeeze %dma_wait3A_309 : memref<1x128xi32, #tpu.memory_space<vmem>> -> memref<128xi32, #tpu.memory_space<vmem>>
          %dma_wait3A_311 = arith.constant 0 : i32
          %dma_wait3A_312 = arith.constant 0 : i32
          %dma_wait3A_313 = tpu.memref_slice %arg9[%dma_wait3A_311, %dma_wait3A_312] : memref<10240x128xf32, #tpu.memory_space<vmem_shared>> -> memref<10240x128xf32, #tpu.memory_space<vmem_shared>>
          tpu.wait_indirect_dma semaphore(%run_scoped3A_293 : memref<!tpu.dma_semaphore, #tpu.memory_space<semaphore_mem>>) src(%arg8 : memref<128x128xf32, #tpu.memory_space<vmem>>) dst(%dma_wait3A_313 : memref<10240x128xf32, #tpu.memory_space<vmem_shared>>)
          tpu.yield
        }) : () -> ()
        "tpu.trace_stop"() : () -> ()
        %ne3A_231 = arith.cmpi ne, %add3A_154, %add3A_172 : i32
        %or3A_232 = arith.constant false
        %or3A_233 = arith.ori %or3A_232, %ne3A_231 : i1
        %or3A_234 = arith.ori %or3A_233, %eq3A_153 : i1
        %convert_element_type3A_235 = arith.extui %or3A_234 : i1 to i32
        %cond3A_236 = arith.constant 0 : i32
        %cond3A_237 = arith.cmpi ne, %convert_element_type3A_235, %cond3A_236 : i32
        scf.if %cond3A_237 {
        } else {
        }
        %and3A_238 = arith.constant false
        %and3A_239 = arith.andi %or3A_234, %and3A_238 : i1
        %ne3A_240 = arith.cmpi ne, %add3A_154, %add3A_172 : i32
        %or3A_241 = arith.constant false
        %or3A_242 = arith.ori %or3A_241, %ne3A_240 : i1
        %or3A_243 = arith.ori %or3A_242, %eq3A_153 : i1
        %convert_element_type3A_244 = arith.extui %or3A_243 : i1 to i32
        %cond3A_245 = arith.constant 0 : i32
        %cond3A_246 = arith.cmpi ne, %convert_element_type3A_244, %cond3A_245 : i32
        scf.if %cond3A_246 {
        } else {
        }
        %and3A_247 = arith.constant false
        %and3A_248 = arith.andi %or3A_243, %and3A_247 : i1
        %ne3A_249 = arith.cmpi ne, %add3A_154, %add3A_163 : i32
        %or3A_250 = arith.constant false
        %or3A_251 = arith.ori %or3A_250, %ne3A_249 : i1
        %not3A_252 = arith.constant true
        %not3A_253 = arith.xori %eq3A_151, %not3A_252 : i1
        %and3A_254 = arith.andi %or3A_251, %not3A_253 : i1
        %convert_element_type3A_255 = arith.extui %and3A_254 : i1 to i32
        %cond3A_256 = arith.constant 0 : i32
        %cond3A_257 = arith.cmpi ne, %convert_element_type3A_255, %cond3A_256 : i32
        scf.if %cond3A_257 {
        } else {
        }
        %and3A_258 = arith.constant false
        %and3A_259 = arith.andi %and3A_254, %and3A_258 : i1
        %ne3A_260 = arith.cmpi ne, %add3A_154, %add3A_163 : i32
        %or3A_261 = arith.constant false
        %or3A_262 = arith.ori %or3A_261, %ne3A_260 : i1
        %not3A_263 = arith.constant true
        %not3A_264 = arith.xori %eq3A_151, %not3A_263 : i1
        %and3A_265 = arith.andi %or3A_262, %not3A_264 : i1
        %convert_element_type3A_266 = arith.extui %and3A_265 : i1 to i32
        %cond3A_267 = arith.constant 0 : i32
        %cond3A_268 = arith.cmpi ne, %convert_element_type3A_266, %cond3A_267 : i32
        scf.if %cond3A_268 {
        } else {
        }
        %and3A_269 = arith.constant false
        %and3A_270 = arith.andi %and3A_265, %and3A_269 : i1
        %ne3A_271 = arith.cmpi ne, %add3A_154, %add3A_172 : i32
        %or3A_272 = arith.constant false
        %or3A_273 = arith.ori %or3A_272, %ne3A_271 : i1
        %or3A_274 = arith.ori %or3A_273, %eq3A_153 : i1
        %add3A_275 = arith.constant 1 : i32
        %add3A_276 = arith.addi %scan3A_146, %add3A_275 : i32
        %select_n3A_277 = arith.select %or3A_274, %add3A_276, %scan3A_146 : i32
        %ne3A_278 = arith.cmpi ne, %add3A_154, %add3A_172 : i32
        %or3A_279 = arith.constant false
        %or3A_280 = arith.ori %or3A_279, %ne3A_278 : i1
        %or3A_281 = arith.ori %or3A_280, %eq3A_153 : i1
        %add3A_282 = arith.constant 1 : i32
        %add3A_283 = arith.addi %scan3A_148, %add3A_282 : i32
        %select_n3A_284 = arith.select %or3A_281, %add3A_283, %scan3A_148 : i32
        %add3A_285 = arith.constant 1 : i32
        %add3A_286 = arith.addi %scan3A_149, %add3A_285 : i32
        %select_n3A_287 = arith.constant true
        %select_n3A_288 = arith.select %select_n3A_287, %add3A_286, %scan3A_149 : i32
        %eq3A_289 = arith.constant 80 : i32
        %eq3A_290 = arith.cmpi eq, %select_n3A_288, %eq3A_289 : i32
        %select_n3A_291 = arith.constant 0 : i32
        %select_n3A_292 = arith.select %eq3A_290, %select_n3A_291, %select_n3A_288 : i32
        scf.yield %select_n3A_190, %select_n3A_277, %select_n3A_206, %select_n3A_284, %select_n3A_292 : i32, i32, i32, i32, i32
      }
      %scan3A_108 = arith.constant 80 : i32
      %sub3A = arith.constant 1 : i32
      %sub3A_109 = arith.subi %scan3A_107#4, %sub3A : i32
      %select_n3A_110 = arith.constant true
      %select_n3A_111 = arith.select %select_n3A_110, %sub3A_109, %scan3A_107#4 : i32
      %eq3A_112 = arith.constant -1 : i32
      %eq3A_113 = arith.cmpi eq, %select_n3A_111, %eq3A_112 : i32
      %select_n3A_114 = arith.constant 79 : i32
      %select_n3A_115 = arith.select %eq3A_113, %select_n3A_114, %select_n3A_111 : i32
      %add3A_116 = arith.addi %select_n3A_115, %mul3A_10 : i32
      %sub3A_117 = arith.constant 1 : i32
      %sub3A_118 = arith.subi %select_n3A_115, %sub3A_117 : i32
      %select_n3A_119 = arith.constant true
      %select_n3A_120 = arith.select %select_n3A_119, %sub3A_118, %select_n3A_115 : i32
      %eq3A_121 = arith.constant -1 : i32
      %eq3A_122 = arith.cmpi eq, %select_n3A_120, %eq3A_121 : i32
      %select_n3A_123 = arith.constant 79 : i32
      %select_n3A_124 = arith.select %eq3A_122, %select_n3A_123, %select_n3A_120 : i32
      %add3A_125 = arith.addi %select_n3A_124, %mul3A_10 : i32
      %add3A_126 = arith.constant 1 : i32
      %add3A_127 = arith.addi %select_n3A_115, %add3A_126 : i32
      %select_n3A_128 = arith.constant true
      %select_n3A_129 = arith.select %select_n3A_128, %add3A_127, %select_n3A_115 : i32
      %eq3A_130 = arith.constant 80 : i32
      %eq3A_131 = arith.cmpi eq, %select_n3A_129, %eq3A_130 : i32
      %select_n3A_132 = arith.constant 0 : i32
      %select_n3A_133 = arith.select %eq3A_131, %select_n3A_132, %select_n3A_129 : i32
      %add3A_134 = arith.addi %select_n3A_133, %mul3A_10 : i32
      %add3A_135 = arith.constant 1 : i32
      %add3A_136 = arith.addi %select_n3A_133, %add3A_135 : i32
      %select_n3A_137 = arith.constant true
      %select_n3A_138 = arith.select %select_n3A_137, %add3A_136, %select_n3A_133 : i32
      %eq3A_139 = arith.constant 80 : i32
      %eq3A_140 = arith.cmpi eq, %select_n3A_138, %eq3A_139 : i32
      %select_n3A_141 = arith.constant 0 : i32
      %select_n3A_142 = arith.select %eq3A_140, %select_n3A_141, %select_n3A_138 : i32
      %add3A_143 = arith.addi %select_n3A_142, %mul3A_10 : i32
      tpu.yield
    }) : () -> ()
    %barrier3A_11 = arith.constant 0 : index
    tpu.barrier barrier_id(%barrier3A_11)
    %mul3A_12 = arith.constant 10240 : i32
    %mul3A_13 = arith.muli %arg0, %mul3A_12 : i32
    %add3A = arith.addi %mul3A_13, %mul3A_0 : i32
    %dma_start3A_14 = arith.constant 0 : i32
    %dma_start3A_15 = tpu.memref_slice %arg6[%add3A, %dma_start3A_14] : memref<20480x128xf32, #tpu.memory_space<hbm>> -> memref<640x128xf32, #tpu.memory_space<hbm>>
    %dma_start3A_16 = arith.constant 0 : i32
    %dma_start3A_17 = tpu.memref_slice %arg9[%mul3A_0, %dma_start3A_16] : memref<10240x128xf32, #tpu.memory_space<vmem_shared>> -> memref<640x128xf32, #tpu.memory_space<vmem_shared>>
    tpu.enqueue_dma source(%dma_start3A_17 : memref<640x128xf32, #tpu.memory_space<vmem_shared>>) target(%dma_start3A_15 : memref<640x128xf32, #tpu.memory_space<hbm>>) target_semaphore(%arg10 : memref<!tpu.dma_semaphore, #tpu.memory_space<semaphore_mem>>)
    %dma_wait3A_18 = arith.constant 0 : i32
    %dma_wait3A_19 = tpu.memref_slice %arg6[%add3A, %dma_wait3A_18] : memref<20480x128xf32, #tpu.memory_space<hbm>> -> memref<640x128xf32, #tpu.memory_space<hbm>>
    %dma_wait3A_20 = arith.constant 0 : i32
    %dma_wait3A_21 = tpu.memref_slice %arg9[%mul3A_0, %dma_wait3A_20] : memref<10240x128xf32, #tpu.memory_space<vmem_shared>> -> memref<640x128xf32, #tpu.memory_space<vmem_shared>>
    tpu.wait_dma2 semaphore(%arg10 : memref<!tpu.dma_semaphore, #tpu.memory_space<semaphore_mem>>) src(%dma_wait3A_21 : memref<640x128xf32, #tpu.memory_space<vmem_shared>>) dst(%dma_wait3A_19 : memref<640x128xf32, #tpu.memory_space<hbm>>)
    return
  }
}

#map = affine_map<(d0, d1) -> (0, 0)>
module attributes {stable_mosaic.version = 14 : i64} {
  func.func @body_fn(%arg0: i32, %arg1: i32, %arg2: memref<10000x128xf32, #tpu.memory_space<hbm>>, %arg3: memref<1x163840xi32, #tpu.memory_space<hbm>>, %arg4: memref<1x163840xi32, #tpu.memory_space<hbm>>, %arg5: memref<10240x128xf32, #tpu.memory_space<hbm>>, %arg6: memref<20480x128xf32, #tpu.memory_space<hbm>>, %arg7: memref<128xi32, #tpu.memory_space<vmem>>, %arg8: memref<128x128xf32, #tpu.memory_space<vmem>>, %arg9: memref<10240x128xf32, #tpu.memory_space<vmem_shared>>, %arg10: memref<!tpu.dma_semaphore, #tpu.memory_space<semaphore_mem>>) attributes {dimension_semantics = [#tpu.dimension_semantics<core_parallel>, #tpu.dimension_semantics<subcore_parallel>], iteration_bounds = array<i64: 2, 16>, scalar_prefetch = 0 : i64, scratch_operands = 4 : i64, tpu.core_type = #tpu.core_type<sc_vector_subcore>, window_params = [{transform_indices = #map}, {transform_indices = #map}, {transform_indices = #map}, {transform_indices = #map}, {transform_indices = #map}]} {
    %mul3A = arith.constant 640 : i32
    %mul3A_0 = arith.muli %arg1, %mul3A : i32
    %dma_start3A = arith.constant 0 : i32
    %dma_start3A_1 = tpu.memref_slice %arg9[%mul3A_0, %dma_start3A] : memref<10240x128xf32, #tpu.memory_space<vmem_shared>> -> memref<640x128xf32, #tpu.memory_space<vmem_shared>>
    %dma_start3A_2 = arith.constant 0 : i32
    %dma_start3A_3 = tpu.memref_slice %arg5[%mul3A_0, %dma_start3A_2] : memref<10240x128xf32, #tpu.memory_space<hbm>> -> memref<640x128xf32, #tpu.memory_space<hbm>>
    tpu.enqueue_dma source(%dma_start3A_3 : memref<640x128xf32, #tpu.memory_space<hbm>>) target(%dma_start3A_1 : memref<640x128xf32, #tpu.memory_space<vmem_shared>>) target_semaphore(%arg10 : memref<!tpu.dma_semaphore, #tpu.memory_space<semaphore_mem>>)
    %dma_wait3A = arith.constant 0 : i32
    %dma_wait3A_4 = tpu.memref_slice %arg9[%mul3A_0, %dma_wait3A] : memref<10240x128xf32, #tpu.memory_space<vmem_shared>> -> memref<640x128xf32, #tpu.memory_space<vmem_shared>>
    %dma_wait3A_5 = arith.constant 0 : i32
    %dma_wait3A_6 = tpu.memref_slice %arg5[%mul3A_0, %dma_wait3A_5] : memref<10240x128xf32, #tpu.memory_space<hbm>> -> memref<640x128xf32, #tpu.memory_space<hbm>>
    tpu.wait_dma2 semaphore(%arg10 : memref<!tpu.dma_semaphore, #tpu.memory_space<semaphore_mem>>) src(%dma_wait3A_6 : memref<640x128xf32, #tpu.memory_space<hbm>>) dst(%dma_wait3A_4 : memref<640x128xf32, #tpu.memory_space<vmem_shared>>)
    %barrier3A = arith.constant 0 : index
    tpu.barrier barrier_id(%barrier3A)
    %mul3A_7 = arith.constant 10000 : i32
    %mul3A_8 = arith.muli %arg0, %mul3A_7 : i32
    %mul3A_9 = arith.constant 1 : i32
    %mul3A_10 = arith.muli %arg1, %mul3A_9 : i32
    %add3A = arith.constant 0 : i32
    %add3A_11 = arith.addi %add3A, %mul3A_10 : i32
    %mul3A_12 = arith.constant 16 : i32
    %mul3A_13 = arith.muli %arg0, %mul3A_12 : i32
    %add3A_14 = arith.addi %add3A_11, %mul3A_13 : i32
    %mul3A_15 = arith.constant 40 : i32
    %mul3A_16 = arith.muli %add3A_14, %mul3A_15 : i32
    "tpu.region"() ({
      %run_scoped3A = memref.alloca() : memref<2x1x128xi32, #tpu.memory_space<vmem>>
      %run_scoped3A_29 = tpu.sem_alloc : memref<2x!tpu.dma_semaphore, #tpu.memory_space<semaphore_mem>>
      %run_scoped3A_30 = memref.alloca() : memref<2x1x128xi32, #tpu.memory_space<vmem>>
      %run_scoped3A_31 = tpu.sem_alloc : memref<2x!tpu.dma_semaphore, #tpu.memory_space<semaphore_mem>>
      %add3A_32 = arith.constant 0 : i32
      %add3A_33 = arith.addi %add3A_32, %mul3A_16 : i32
      %select_n3A = arith.constant true
      %select_n3A_34 = arith.constant 0 : i32
      %select_n3A_35 = arith.constant -1 : i32
      %select_n3A_36 = arith.select %select_n3A, %select_n3A_35, %select_n3A_34 : i32
      %eq3A = arith.constant -1 : i32
      %eq3A_37 = arith.cmpi eq, %select_n3A_36, %eq3A : i32
      %select_n3A_38 = arith.constant 39 : i32
      %select_n3A_39 = arith.select %eq3A_37, %select_n3A_38, %select_n3A_36 : i32
      %add3A_40 = arith.addi %select_n3A_39, %mul3A_16 : i32
      %select_n3A_41 = arith.constant true
      %select_n3A_42 = arith.constant 0 : i32
      %select_n3A_43 = arith.constant 1 : i32
      %select_n3A_44 = arith.select %select_n3A_41, %select_n3A_43, %select_n3A_42 : i32
      %eq3A_45 = arith.constant 40 : i32
      %eq3A_46 = arith.cmpi eq, %select_n3A_44, %eq3A_45 : i32
      %select_n3A_47 = arith.constant 0 : i32
      %select_n3A_48 = arith.select %eq3A_46, %select_n3A_47, %select_n3A_44 : i32
      %add3A_49 = arith.addi %select_n3A_48, %mul3A_16 : i32
      %add3A_50 = arith.constant 1 : i32
      %add3A_51 = arith.addi %select_n3A_48, %add3A_50 : i32
      %select_n3A_52 = arith.constant true
      %select_n3A_53 = arith.select %select_n3A_52, %add3A_51, %select_n3A_48 : i32
      %eq3A_54 = arith.constant 40 : i32
      %eq3A_55 = arith.cmpi eq, %select_n3A_53, %eq3A_54 : i32
      %select_n3A_56 = arith.constant 0 : i32
      %select_n3A_57 = arith.select %eq3A_55, %select_n3A_56, %select_n3A_53 : i32
      %add3A_58 = arith.addi %select_n3A_57, %mul3A_16 : i32
      "tpu.trace_start"() <{level = 10 : i32, message = "ep_initialize_0"}> : () -> ()
      %rem3A = arith.constant 0 : i32
      %rem3A_59 = arith.constant 2 : i32
      %rem3A_60 = arith.remui %rem3A, %rem3A_59 : i32
      %mul3A_61 = arith.constant 128 : i32
      %mul3A_62 = arith.muli %mul3A_61, %add3A_33 : i32
      %dma_start3A_63 = arith.constant 0 : i32
      %dma_start3A_64 = arith.constant 0 : i32
      %dma_start3A_65 = tpu.memref_slice %run_scoped3A[%rem3A_60, %dma_start3A_63, %dma_start3A_64] : memref<2x1x128xi32, #tpu.memory_space<vmem>> -> memref<1x1x128xi32, #tpu.memory_space<vmem>>
      %dma_start3A_66 = tpu.memref_squeeze %dma_start3A_65 : memref<1x1x128xi32, #tpu.memory_space<vmem>> -> memref<1x128xi32, #tpu.memory_space<vmem>>
      %dma_start3A_67 = arith.constant 0 : i32
      %dma_start3A_68 = tpu.memref_slice %arg3[%dma_start3A_67, %mul3A_62] : memref<1x163840xi32, #tpu.memory_space<hbm>> -> memref<1x128xi32, #tpu.memory_space<hbm>>
      %dma_start3A_69 = tpu.memref_slice %run_scoped3A_29[%rem3A_60] : memref<2x!tpu.dma_semaphore, #tpu.memory_space<semaphore_mem>> -> memref<1x!tpu.dma_semaphore, #tpu.memory_space<semaphore_mem>>
      %dma_start3A_70 = tpu.memref_squeeze %dma_start3A_69 : memref<1x!tpu.dma_semaphore, #tpu.memory_space<semaphore_mem>> -> memref<!tpu.dma_semaphore, #tpu.memory_space<semaphore_mem>>
      %dma_start3A_71 = arith.constant 0 : i32
      %dma_start3A_72 = arith.constant 0 : i32
      %dma_start3A_73 = tpu.memref_slice %run_scoped3A[%rem3A_60, %dma_start3A_71, %dma_start3A_72] : memref<2x1x128xi32, #tpu.memory_space<vmem>> -> memref<1x1x128xi32, #tpu.memory_space<vmem>>
      %dma_start3A_74 = tpu.memref_squeeze %dma_start3A_73 : memref<1x1x128xi32, #tpu.memory_space<vmem>> -> memref<1x128xi32, #tpu.memory_space<vmem>>
      %dma_start3A_75 = arith.constant 0 : i32
      %dma_start3A_76 = tpu.memref_slice %arg3[%dma_start3A_75, %mul3A_62] : memref<1x163840xi32, #tpu.memory_space<hbm>> -> memref<1x128xi32, #tpu.memory_space<hbm>>
      tpu.enqueue_dma source(%dma_start3A_76 : memref<1x128xi32, #tpu.memory_space<hbm>>) target(%dma_start3A_74 : memref<1x128xi32, #tpu.memory_space<vmem>>) target_semaphore(%dma_start3A_70 : memref<!tpu.dma_semaphore, #tpu.memory_space<semaphore_mem>>)
      %add3A_77 = arith.constant 0 : i32
      %add3A_78 = arith.constant 1 : i32
      %add3A_79 = arith.addi %add3A_77, %add3A_78 : i32
      %select_n3A_80 = arith.constant true
      %select_n3A_81 = arith.constant 0 : i32
      %select_n3A_82 = arith.select %select_n3A_80, %add3A_79, %select_n3A_81 : i32
      %rem3A_83 = arith.constant 0 : i32
      %rem3A_84 = arith.constant 2 : i32
      %rem3A_85 = arith.remui %rem3A_83, %rem3A_84 : i32
      %mul3A_86 = arith.constant 128 : i32
      %mul3A_87 = arith.muli %mul3A_86, %add3A_33 : i32
      %dma_start3A_88 = arith.constant 0 : i32
      %dma_start3A_89 = arith.constant 0 : i32
      %dma_start3A_90 = tpu.memref_slice %run_scoped3A_30[%rem3A_85, %dma_start3A_88, %dma_start3A_89] : memref<2x1x128xi32, #tpu.memory_space<vmem>> -> memref<1x1x128xi32, #tpu.memory_space<vmem>>
      %dma_start3A_91 = tpu.memref_squeeze %dma_start3A_90 : memref<1x1x128xi32, #tpu.memory_space<vmem>> -> memref<1x128xi32, #tpu.memory_space<vmem>>
      %dma_start3A_92 = arith.constant 0 : i32
      %dma_start3A_93 = tpu.memref_slice %arg4[%dma_start3A_92, %mul3A_87] : memref<1x163840xi32, #tpu.memory_space<hbm>> -> memref<1x128xi32, #tpu.memory_space<hbm>>
      %dma_start3A_94 = tpu.memref_slice %run_scoped3A_31[%rem3A_85] : memref<2x!tpu.dma_semaphore, #tpu.memory_space<semaphore_mem>> -> memref<1x!tpu.dma_semaphore, #tpu.memory_space<semaphore_mem>>
      %dma_start3A_95 = tpu.memref_squeeze %dma_start3A_94 : memref<1x!tpu.dma_semaphore, #tpu.memory_space<semaphore_mem>> -> memref<!tpu.dma_semaphore, #tpu.memory_space<semaphore_mem>>
      %dma_start3A_96 = arith.constant 0 : i32
      %dma_start3A_97 = arith.constant 0 : i32
      %dma_start3A_98 = tpu.memref_slice %run_scoped3A_30[%rem3A_85, %dma_start3A_96, %dma_start3A_97] : memref<2x1x128xi32, #tpu.memory_space<vmem>> -> memref<1x1x128xi32, #tpu.memory_space<vmem>>
      %dma_start3A_99 = tpu.memref_squeeze %dma_start3A_98 : memref<1x1x128xi32, #tpu.memory_space<vmem>> -> memref<1x128xi32, #tpu.memory_space<vmem>>
      %dma_start3A_100 = arith.constant 0 : i32
      %dma_start3A_101 = tpu.memref_slice %arg4[%dma_start3A_100, %mul3A_87] : memref<1x163840xi32, #tpu.memory_space<hbm>> -> memref<1x128xi32, #tpu.memory_space<hbm>>
      tpu.enqueue_dma source(%dma_start3A_101 : memref<1x128xi32, #tpu.memory_space<hbm>>) target(%dma_start3A_99 : memref<1x128xi32, #tpu.memory_space<vmem>>) target_semaphore(%dma_start3A_95 : memref<!tpu.dma_semaphore, #tpu.memory_space<semaphore_mem>>)
      %add3A_102 = arith.constant 0 : i32
      %add3A_103 = arith.constant 1 : i32
      %add3A_104 = arith.addi %add3A_102, %add3A_103 : i32
      %select_n3A_105 = arith.constant true
      %select_n3A_106 = arith.constant 0 : i32
      %select_n3A_107 = arith.select %select_n3A_105, %add3A_104, %select_n3A_106 : i32
      "tpu.trace_stop"() : () -> ()
      %scan3A = arith.constant 0 : i32
      %scan3A_108 = arith.constant 0 : i32
      %scan3A_109 = arith.constant 0 : i32
      %scan3A_110 = arith.constant 0 : i32
      %scan3A_111 = arith.constant 40 : i32
      %scan3A_112 = arith.addi %scan3A_110, %scan3A_111 : i32
      %scan3A_113 = arith.constant 1 : i32
      %scan3A_114:5 = scf.for %scan3A_151 = %scan3A_110 to %scan3A_112 step %scan3A_113 iter_args(%scan3A_152 = %select_n3A_82, %scan3A_153 = %scan3A, %scan3A_154 = %select_n3A_107, %scan3A_155 = %scan3A_108, %scan3A_156 = %scan3A_109) -> (i32, i32, i32, i32, i32)  : i32 {
        %eq3A_157 = arith.constant 0 : i32
        %eq3A_158 = arith.cmpi eq, %scan3A_151, %eq3A_157 : i32
        %eq3A_159 = arith.constant 39 : i32
        %eq3A_160 = arith.cmpi eq, %scan3A_151, %eq3A_159 : i32
        %add3A_161 = arith.addi %scan3A_156, %mul3A_16 : i32
        %sub3A_162 = arith.constant 1 : i32
        %sub3A_163 = arith.subi %scan3A_156, %sub3A_162 : i32
        %select_n3A_164 = arith.constant true
        %select_n3A_165 = arith.select %select_n3A_164, %sub3A_163, %scan3A_156 : i32
        %eq3A_166 = arith.constant -1 : i32
        %eq3A_167 = arith.cmpi eq, %select_n3A_165, %eq3A_166 : i32
        %select_n3A_168 = arith.constant 39 : i32
        %select_n3A_169 = arith.select %eq3A_167, %select_n3A_168, %select_n3A_165 : i32
        %add3A_170 = arith.addi %select_n3A_169, %mul3A_16 : i32
        %add3A_171 = arith.constant 1 : i32
        %add3A_172 = arith.addi %scan3A_156, %add3A_171 : i32
        %select_n3A_173 = arith.constant true
        %select_n3A_174 = arith.select %select_n3A_173, %add3A_172, %scan3A_156 : i32
        %eq3A_175 = arith.constant 40 : i32
        %eq3A_176 = arith.cmpi eq, %select_n3A_174, %eq3A_175 : i32
        %select_n3A_177 = arith.constant 0 : i32
        %select_n3A_178 = arith.select %eq3A_176, %select_n3A_177, %select_n3A_174 : i32
        %add3A_179 = arith.addi %select_n3A_178, %mul3A_16 : i32
        %add3A_180 = arith.constant 1 : i32
        %add3A_181 = arith.addi %select_n3A_178, %add3A_180 : i32
        %select_n3A_182 = arith.constant true
        %select_n3A_183 = arith.select %select_n3A_182, %add3A_181, %select_n3A_178 : i32
        %eq3A_184 = arith.constant 40 : i32
        %eq3A_185 = arith.cmpi eq, %select_n3A_183, %eq3A_184 : i32
        %select_n3A_186 = arith.constant 0 : i32
        %select_n3A_187 = arith.select %eq3A_185, %select_n3A_186, %select_n3A_183 : i32
        %add3A_188 = arith.addi %select_n3A_187, %mul3A_16 : i32
        %ne3A = arith.cmpi ne, %add3A_161, %add3A_179 : i32
        %or3A = arith.constant false
        %or3A_189 = arith.ori %or3A, %ne3A : i1
        %ge3A = arith.constant 39 : i32
        %ge3A_190 = arith.cmpi sge, %scan3A_151, %ge3A : i32
        %not3A = arith.constant true
        %not3A_191 = arith.xori %ge3A_190, %not3A : i1
        %and3A = arith.andi %or3A_189, %not3A_191 : i1
        %convert_element_type3A = arith.extui %and3A : i1 to i32
        %cond3A = arith.constant 0 : i32
        %cond3A_192 = arith.cmpi ne, %convert_element_type3A, %cond3A : i32
        scf.if %cond3A_192 {
          "tpu.trace_start"() <{level = 10 : i32, message = "ep_copy_in"}> : () -> ()
          %rem3A_296 = arith.constant 2 : i32
          %rem3A_297 = arith.remui %scan3A_152, %rem3A_296 : i32
          %mul3A_298 = arith.constant 128 : i32
          %mul3A_299 = arith.muli %mul3A_298, %add3A_179 : i32
          %dma_start3A_300 = arith.constant 0 : i32
          %dma_start3A_301 = arith.constant 0 : i32
          %dma_start3A_302 = tpu.memref_slice %run_scoped3A[%rem3A_297, %dma_start3A_300, %dma_start3A_301] : memref<2x1x128xi32, #tpu.memory_space<vmem>> -> memref<1x1x128xi32, #tpu.memory_space<vmem>>
          %dma_start3A_303 = tpu.memref_squeeze %dma_start3A_302 : memref<1x1x128xi32, #tpu.memory_space<vmem>> -> memref<1x128xi32, #tpu.memory_space<vmem>>
          %dma_start3A_304 = arith.constant 0 : i32
          %dma_start3A_305 = tpu.memref_slice %arg3[%dma_start3A_304, %mul3A_299] : memref<1x163840xi32, #tpu.memory_space<hbm>> -> memref<1x128xi32, #tpu.memory_space<hbm>>
          %dma_start3A_306 = tpu.memref_slice %run_scoped3A_29[%rem3A_297] : memref<2x!tpu.dma_semaphore, #tpu.memory_space<semaphore_mem>> -> memref<1x!tpu.dma_semaphore, #tpu.memory_space<semaphore_mem>>
          %dma_start3A_307 = tpu.memref_squeeze %dma_start3A_306 : memref<1x!tpu.dma_semaphore, #tpu.memory_space<semaphore_mem>> -> memref<!tpu.dma_semaphore, #tpu.memory_space<semaphore_mem>>
          %dma_start3A_308 = arith.constant 0 : i32
          %dma_start3A_309 = arith.constant 0 : i32
          %dma_start3A_310 = tpu.memref_slice %run_scoped3A[%rem3A_297, %dma_start3A_308, %dma_start3A_309] : memref<2x1x128xi32, #tpu.memory_space<vmem>> -> memref<1x1x128xi32, #tpu.memory_space<vmem>>
          %dma_start3A_311 = tpu.memref_squeeze %dma_start3A_310 : memref<1x1x128xi32, #tpu.memory_space<vmem>> -> memref<1x128xi32, #tpu.memory_space<vmem>>
          %dma_start3A_312 = arith.constant 0 : i32
          %dma_start3A_313 = tpu.memref_slice %arg3[%dma_start3A_312, %mul3A_299] : memref<1x163840xi32, #tpu.memory_space<hbm>> -> memref<1x128xi32, #tpu.memory_space<hbm>>
          tpu.enqueue_dma source(%dma_start3A_313 : memref<1x128xi32, #tpu.memory_space<hbm>>) target(%dma_start3A_311 : memref<1x128xi32, #tpu.memory_space<vmem>>) target_semaphore(%dma_start3A_307 : memref<!tpu.dma_semaphore, #tpu.memory_space<semaphore_mem>>)
          "tpu.trace_stop"() : () -> ()
        } else {
        }
        %and3A_193 = arith.constant true
        %and3A_194 = arith.andi %and3A, %and3A_193 : i1
        %add3A_195 = arith.constant 1 : i32
        %add3A_196 = arith.addi %scan3A_152, %add3A_195 : i32
        %select_n3A_197 = arith.select %and3A_194, %add3A_196, %scan3A_152 : i32
        %ne3A_198 = arith.cmpi ne, %add3A_161, %add3A_179 : i32
        %or3A_199 = arith.constant false
        %or3A_200 = arith.ori %or3A_199, %ne3A_198 : i1
        %ge3A_201 = arith.constant 39 : i32
        %ge3A_202 = arith.cmpi sge, %scan3A_151, %ge3A_201 : i32
        %not3A_203 = arith.constant true
        %not3A_204 = arith.xori %ge3A_202, %not3A_203 : i1
        %and3A_205 = arith.andi %or3A_200, %not3A_204 : i1
        %convert_element_type3A_206 = arith.extui %and3A_205 : i1 to i32
        %cond3A_207 = arith.constant 0 : i32
        %cond3A_208 = arith.cmpi ne, %convert_element_type3A_206, %cond3A_207 : i32
        scf.if %cond3A_208 {
          "tpu.trace_start"() <{level = 10 : i32, message = "ep_copy_in"}> : () -> ()
          %rem3A_296 = arith.constant 2 : i32
          %rem3A_297 = arith.remui %scan3A_154, %rem3A_296 : i32
          %mul3A_298 = arith.constant 128 : i32
          %mul3A_299 = arith.muli %mul3A_298, %add3A_179 : i32
          %dma_start3A_300 = arith.constant 0 : i32
          %dma_start3A_301 = arith.constant 0 : i32
          %dma_start3A_302 = tpu.memref_slice %run_scoped3A_30[%rem3A_297, %dma_start3A_300, %dma_start3A_301] : memref<2x1x128xi32, #tpu.memory_space<vmem>> -> memref<1x1x128xi32, #tpu.memory_space<vmem>>
          %dma_start3A_303 = tpu.memref_squeeze %dma_start3A_302 : memref<1x1x128xi32, #tpu.memory_space<vmem>> -> memref<1x128xi32, #tpu.memory_space<vmem>>
          %dma_start3A_304 = arith.constant 0 : i32
          %dma_start3A_305 = tpu.memref_slice %arg4[%dma_start3A_304, %mul3A_299] : memref<1x163840xi32, #tpu.memory_space<hbm>> -> memref<1x128xi32, #tpu.memory_space<hbm>>
          %dma_start3A_306 = tpu.memref_slice %run_scoped3A_31[%rem3A_297] : memref<2x!tpu.dma_semaphore, #tpu.memory_space<semaphore_mem>> -> memref<1x!tpu.dma_semaphore, #tpu.memory_space<semaphore_mem>>
          %dma_start3A_307 = tpu.memref_squeeze %dma_start3A_306 : memref<1x!tpu.dma_semaphore, #tpu.memory_space<semaphore_mem>> -> memref<!tpu.dma_semaphore, #tpu.memory_space<semaphore_mem>>
          %dma_start3A_308 = arith.constant 0 : i32
          %dma_start3A_309 = arith.constant 0 : i32
          %dma_start3A_310 = tpu.memref_slice %run_scoped3A_30[%rem3A_297, %dma_start3A_308, %dma_start3A_309] : memref<2x1x128xi32, #tpu.memory_space<vmem>> -> memref<1x1x128xi32, #tpu.memory_space<vmem>>
          %dma_start3A_311 = tpu.memref_squeeze %dma_start3A_310 : memref<1x1x128xi32, #tpu.memory_space<vmem>> -> memref<1x128xi32, #tpu.memory_space<vmem>>
          %dma_start3A_312 = arith.constant 0 : i32
          %dma_start3A_313 = tpu.memref_slice %arg4[%dma_start3A_312, %mul3A_299] : memref<1x163840xi32, #tpu.memory_space<hbm>> -> memref<1x128xi32, #tpu.memory_space<hbm>>
          tpu.enqueue_dma source(%dma_start3A_313 : memref<1x128xi32, #tpu.memory_space<hbm>>) target(%dma_start3A_311 : memref<1x128xi32, #tpu.memory_space<vmem>>) target_semaphore(%dma_start3A_307 : memref<!tpu.dma_semaphore, #tpu.memory_space<semaphore_mem>>)
          "tpu.trace_stop"() : () -> ()
        } else {
        }
        %and3A_209 = arith.constant true
        %and3A_210 = arith.andi %and3A_205, %and3A_209 : i1
        %add3A_211 = arith.constant 1 : i32
        %add3A_212 = arith.addi %scan3A_154, %add3A_211 : i32
        %select_n3A_213 = arith.select %and3A_210, %add3A_212, %scan3A_154 : i32
        %ne3A_214 = arith.cmpi ne, %add3A_161, %add3A_170 : i32
        %or3A_215 = arith.constant false
        %or3A_216 = arith.ori %or3A_215, %ne3A_214 : i1
        %or3A_217 = arith.ori %or3A_216, %eq3A_158 : i1
        %convert_element_type3A_218 = arith.extui %or3A_217 : i1 to i32
        %cond3A_219 = arith.constant 0 : i32
        %cond3A_220 = arith.cmpi ne, %convert_element_type3A_218, %cond3A_219 : i32
        scf.if %cond3A_220 {
          "tpu.trace_start"() <{level = 10 : i32, message = "ep_wait_in"}> : () -> ()
          %mul3A_296 = arith.constant 128 : i32
          %mul3A_297 = arith.muli %mul3A_296, %add3A_161 : i32
          %rem3A_298 = arith.constant 2 : i32
          %rem3A_299 = arith.remui %scan3A_153, %rem3A_298 : i32
          %dma_wait3A_300 = arith.constant 0 : i32
          %dma_wait3A_301 = arith.constant 0 : i32
          %dma_wait3A_302 = tpu.memref_slice %run_scoped3A[%rem3A_299, %dma_wait3A_300, %dma_wait3A_301] : memref<2x1x128xi32, #tpu.memory_space<vmem>> -> memref<1x1x128xi32, #tpu.memory_space<vmem>>
          %dma_wait3A_303 = tpu.memref_squeeze %dma_wait3A_302 : memref<1x1x128xi32, #tpu.memory_space<vmem>> -> memref<1x128xi32, #tpu.memory_space<vmem>>
          %dma_wait3A_304 = arith.constant 0 : i32
          %dma_wait3A_305 = tpu.memref_slice %arg3[%dma_wait3A_304, %mul3A_297] : memref<1x163840xi32, #tpu.memory_space<hbm>> -> memref<1x128xi32, #tpu.memory_space<hbm>>
          %dma_wait3A_306 = tpu.memref_slice %run_scoped3A_29[%rem3A_299] : memref<2x!tpu.dma_semaphore, #tpu.memory_space<semaphore_mem>> -> memref<1x!tpu.dma_semaphore, #tpu.memory_space<semaphore_mem>>
          %dma_wait3A_307 = tpu.memref_squeeze %dma_wait3A_306 : memref<1x!tpu.dma_semaphore, #tpu.memory_space<semaphore_mem>> -> memref<!tpu.dma_semaphore, #tpu.memory_space<semaphore_mem>>
          %dma_wait3A_308 = arith.constant 0 : i32
          %dma_wait3A_309 = arith.constant 0 : i32
          %dma_wait3A_310 = tpu.memref_slice %run_scoped3A[%rem3A_299, %dma_wait3A_308, %dma_wait3A_309] : memref<2x1x128xi32, #tpu.memory_space<vmem>> -> memref<1x1x128xi32, #tpu.memory_space<vmem>>
          %dma_wait3A_311 = tpu.memref_squeeze %dma_wait3A_310 : memref<1x1x128xi32, #tpu.memory_space<vmem>> -> memref<1x128xi32, #tpu.memory_space<vmem>>
          %dma_wait3A_312 = arith.constant 0 : i32
          %dma_wait3A_313 = tpu.memref_slice %arg3[%dma_wait3A_312, %mul3A_297] : memref<1x163840xi32, #tpu.memory_space<hbm>> -> memref<1x128xi32, #tpu.memory_space<hbm>>
          tpu.wait_dma2 semaphore(%dma_wait3A_307 : memref<!tpu.dma_semaphore, #tpu.memory_space<semaphore_mem>>) src(%dma_wait3A_313 : memref<1x128xi32, #tpu.memory_space<hbm>>) dst(%dma_wait3A_311 : memref<1x128xi32, #tpu.memory_space<vmem>>)
          "tpu.trace_stop"() : () -> ()
        } else {
        }
        %ne3A_221 = arith.cmpi ne, %add3A_161, %add3A_170 : i32
        %or3A_222 = arith.constant false
        %or3A_223 = arith.ori %or3A_222, %ne3A_221 : i1
        %or3A_224 = arith.ori %or3A_223, %eq3A_158 : i1
        %convert_element_type3A_225 = arith.extui %or3A_224 : i1 to i32
        %cond3A_226 = arith.constant 0 : i32
        %cond3A_227 = arith.cmpi ne, %convert_element_type3A_225, %cond3A_226 : i32
        scf.if %cond3A_227 {
          "tpu.trace_start"() <{level = 10 : i32, message = "ep_wait_in"}> : () -> ()
          %mul3A_296 = arith.constant 128 : i32
          %mul3A_297 = arith.muli %mul3A_296, %add3A_161 : i32
          %rem3A_298 = arith.constant 2 : i32
          %rem3A_299 = arith.remui %scan3A_155, %rem3A_298 : i32
          %dma_wait3A_300 = arith.constant 0 : i32
          %dma_wait3A_301 = arith.constant 0 : i32
          %dma_wait3A_302 = tpu.memref_slice %run_scoped3A_30[%rem3A_299, %dma_wait3A_300, %dma_wait3A_301] : memref<2x1x128xi32, #tpu.memory_space<vmem>> -> memref<1x1x128xi32, #tpu.memory_space<vmem>>
          %dma_wait3A_303 = tpu.memref_squeeze %dma_wait3A_302 : memref<1x1x128xi32, #tpu.memory_space<vmem>> -> memref<1x128xi32, #tpu.memory_space<vmem>>
          %dma_wait3A_304 = arith.constant 0 : i32
          %dma_wait3A_305 = tpu.memref_slice %arg4[%dma_wait3A_304, %mul3A_297] : memref<1x163840xi32, #tpu.memory_space<hbm>> -> memref<1x128xi32, #tpu.memory_space<hbm>>
          %dma_wait3A_306 = tpu.memref_slice %run_scoped3A_31[%rem3A_299] : memref<2x!tpu.dma_semaphore, #tpu.memory_space<semaphore_mem>> -> memref<1x!tpu.dma_semaphore, #tpu.memory_space<semaphore_mem>>
          %dma_wait3A_307 = tpu.memref_squeeze %dma_wait3A_306 : memref<1x!tpu.dma_semaphore, #tpu.memory_space<semaphore_mem>> -> memref<!tpu.dma_semaphore, #tpu.memory_space<semaphore_mem>>
          %dma_wait3A_308 = arith.constant 0 : i32
          %dma_wait3A_309 = arith.constant 0 : i32
          %dma_wait3A_310 = tpu.memref_slice %run_scoped3A_30[%rem3A_299, %dma_wait3A_308, %dma_wait3A_309] : memref<2x1x128xi32, #tpu.memory_space<vmem>> -> memref<1x1x128xi32, #tpu.memory_space<vmem>>
          %dma_wait3A_311 = tpu.memref_squeeze %dma_wait3A_310 : memref<1x1x128xi32, #tpu.memory_space<vmem>> -> memref<1x128xi32, #tpu.memory_space<vmem>>
          %dma_wait3A_312 = arith.constant 0 : i32
          %dma_wait3A_313 = tpu.memref_slice %arg4[%dma_wait3A_312, %mul3A_297] : memref<1x163840xi32, #tpu.memory_space<hbm>> -> memref<1x128xi32, #tpu.memory_space<hbm>>
          tpu.wait_dma2 semaphore(%dma_wait3A_307 : memref<!tpu.dma_semaphore, #tpu.memory_space<semaphore_mem>>) src(%dma_wait3A_313 : memref<1x128xi32, #tpu.memory_space<hbm>>) dst(%dma_wait3A_311 : memref<1x128xi32, #tpu.memory_space<vmem>>)
          "tpu.trace_stop"() : () -> ()
        } else {
        }
        %rem3A_228 = arith.constant 2 : i32
        %rem3A_229 = arith.remui %scan3A_153, %rem3A_228 : i32
        %rem3A_230 = arith.constant 2 : i32
        %rem3A_231 = arith.remui %scan3A_155, %rem3A_230 : i32
        %run_scoped3A_232 = arith.constant 0 : i32
        "tpu.trace_start"() <{level = 10 : i32, message = "ep_run_kernel"}> : () -> ()
        "tpu.region"() ({
          %run_scoped3A_296 = tpu.sem_alloc : memref<!tpu.dma_semaphore, #tpu.memory_space<semaphore_mem>>
          %dma_start3A_297 = arith.constant 0 : i32
          %dma_start3A_298 = arith.constant 0 : i32
          %dma_start3A_299 = tpu.memref_slice %run_scoped3A[%rem3A_229, %dma_start3A_297, %dma_start3A_298] : memref<2x1x128xi32, #tpu.memory_space<vmem>> -> memref<1x1x128xi32, #tpu.memory_space<vmem>>
          %dma_start3A_300 = tpu.memref_squeeze %dma_start3A_299 : memref<1x1x128xi32, #tpu.memory_space<vmem>> -> memref<1x128xi32, #tpu.memory_space<vmem>>
          %dma_start3A_301 = arith.constant 0 : i32
          %dma_start3A_302 = tpu.memref_slice %dma_start3A_300[%run_scoped3A_232, %dma_start3A_301] : memref<1x128xi32, #tpu.memory_space<vmem>> -> memref<1x128xi32, #tpu.memory_space<vmem>>
          %dma_start3A_303 = tpu.memref_squeeze %dma_start3A_302 : memref<1x128xi32, #tpu.memory_space<vmem>> -> memref<128xi32, #tpu.memory_space<vmem>>
          %dma_start3A_304 = arith.constant 0 : i32
          %dma_start3A_305 = arith.constant 0 : i32
          %dma_start3A_306 = tpu.memref_slice %arg2[%dma_start3A_304, %dma_start3A_305] : memref<10000x128xf32, #tpu.memory_space<hbm>> -> memref<10000x128xf32, #tpu.memory_space<hbm>>
          tpu.enqueue_indirect_dma source(%dma_start3A_306 : memref<10000x128xf32, #tpu.memory_space<hbm>>) target(%arg8 : memref<128x128xf32, #tpu.memory_space<vmem>>) offsets(%dma_start3A_303 : memref<128xi32, #tpu.memory_space<vmem>>) semaphore(%run_scoped3A_296 : memref<!tpu.dma_semaphore, #tpu.memory_space<semaphore_mem>>)
          %dma_wait3A_307 = arith.constant 0 : i32
          %dma_wait3A_308 = arith.constant 0 : i32
          %dma_wait3A_309 = tpu.memref_slice %run_scoped3A[%rem3A_229, %dma_wait3A_307, %dma_wait3A_308] : memref<2x1x128xi32, #tpu.memory_space<vmem>> -> memref<1x1x128xi32, #tpu.memory_space<vmem>>
          %dma_wait3A_310 = tpu.memref_squeeze %dma_wait3A_309 : memref<1x1x128xi32, #tpu.memory_space<vmem>> -> memref<1x128xi32, #tpu.memory_space<vmem>>
          %dma_wait3A_311 = arith.constant 0 : i32
          %dma_wait3A_312 = tpu.memref_slice %dma_wait3A_310[%run_scoped3A_232, %dma_wait3A_311] : memref<1x128xi32, #tpu.memory_space<vmem>> -> memref<1x128xi32, #tpu.memory_space<vmem>>
          %dma_wait3A_313 = tpu.memref_squeeze %dma_wait3A_312 : memref<1x128xi32, #tpu.memory_space<vmem>> -> memref<128xi32, #tpu.memory_space<vmem>>
          %dma_wait3A_314 = arith.constant 0 : i32
          %dma_wait3A_315 = arith.constant 0 : i32
          %dma_wait3A_316 = tpu.memref_slice %arg2[%dma_wait3A_314, %dma_wait3A_315] : memref<10000x128xf32, #tpu.memory_space<hbm>> -> memref<10000x128xf32, #tpu.memory_space<hbm>>
          tpu.wait_indirect_dma semaphore(%run_scoped3A_296 : memref<!tpu.dma_semaphore, #tpu.memory_space<semaphore_mem>>) src(%dma_wait3A_316 : memref<10000x128xf32, #tpu.memory_space<hbm>>) dst(%arg8 : memref<128x128xf32, #tpu.memory_space<vmem>>)
          tpu.yield
        }) : () -> ()
        %run_scoped3A_233 = arith.constant 0 : i32
        "tpu.region"() ({
          %run_scoped3A_296 = tpu.sem_alloc : memref<!tpu.dma_semaphore, #tpu.memory_space<semaphore_mem>>
          %dma_start3A_297 = arith.constant 0 : i32
          %dma_start3A_298 = arith.constant 0 : i32
          %dma_start3A_299 = tpu.memref_slice %run_scoped3A_30[%rem3A_231, %dma_start3A_297, %dma_start3A_298] : memref<2x1x128xi32, #tpu.memory_space<vmem>> -> memref<1x1x128xi32, #tpu.memory_space<vmem>>
          %dma_start3A_300 = tpu.memref_squeeze %dma_start3A_299 : memref<1x1x128xi32, #tpu.memory_space<vmem>> -> memref<1x128xi32, #tpu.memory_space<vmem>>
          %dma_start3A_301 = arith.constant 0 : i32
          %dma_start3A_302 = tpu.memref_slice %dma_start3A_300[%run_scoped3A_233, %dma_start3A_301] : memref<1x128xi32, #tpu.memory_space<vmem>> -> memref<1x128xi32, #tpu.memory_space<vmem>>
          %dma_start3A_303 = tpu.memref_squeeze %dma_start3A_302 : memref<1x128xi32, #tpu.memory_space<vmem>> -> memref<128xi32, #tpu.memory_space<vmem>>
          %dma_start3A_304 = arith.constant 0 : i32
          %dma_start3A_305 = arith.constant 0 : i32
          %dma_start3A_306 = tpu.memref_slice %arg9[%dma_start3A_304, %dma_start3A_305] : memref<10240x128xf32, #tpu.memory_space<vmem_shared>> -> memref<10240x128xf32, #tpu.memory_space<vmem_shared>>
          tpu.enqueue_indirect_dma source(%arg8 : memref<128x128xf32, #tpu.memory_space<vmem>>) target(%dma_start3A_306 : memref<10240x128xf32, #tpu.memory_space<vmem_shared>>) offsets(%dma_start3A_303 : memref<128xi32, #tpu.memory_space<vmem>>) semaphore(%run_scoped3A_296 : memref<!tpu.dma_semaphore, #tpu.memory_space<semaphore_mem>>) {add = true}
          %dma_wait3A_307 = arith.constant 0 : i32
          %dma_wait3A_308 = arith.constant 0 : i32
          %dma_wait3A_309 = tpu.memref_slice %run_scoped3A_30[%rem3A_231, %dma_wait3A_307, %dma_wait3A_308] : memref<2x1x128xi32, #tpu.memory_space<vmem>> -> memref<1x1x128xi32, #tpu.memory_space<vmem>>
          %dma_wait3A_310 = tpu.memref_squeeze %dma_wait3A_309 : memref<1x1x128xi32, #tpu.memory_space<vmem>> -> memref<1x128xi32, #tpu.memory_space<vmem>>
          %dma_wait3A_311 = arith.constant 0 : i32
          %dma_wait3A_312 = tpu.memref_slice %dma_wait3A_310[%run_scoped3A_233, %dma_wait3A_311] : memref<1x128xi32, #tpu.memory_space<vmem>> -> memref<1x128xi32, #tpu.memory_space<vmem>>
          %dma_wait3A_313 = tpu.memref_squeeze %dma_wait3A_312 : memref<1x128xi32, #tpu.memory_space<vmem>> -> memref<128xi32, #tpu.memory_space<vmem>>
          %dma_wait3A_314 = arith.constant 0 : i32
          %dma_wait3A_315 = arith.constant 0 : i32
          %dma_wait3A_316 = tpu.memref_slice %arg9[%dma_wait3A_314, %dma_wait3A_315] : memref<10240x128xf32, #tpu.memory_space<vmem_shared>> -> memref<10240x128xf32, #tpu.memory_space<vmem_shared>>
          tpu.wait_indirect_dma semaphore(%run_scoped3A_296 : memref<!tpu.dma_semaphore, #tpu.memory_space<semaphore_mem>>) src(%arg8 : memref<128x128xf32, #tpu.memory_space<vmem>>) dst(%dma_wait3A_316 : memref<10240x128xf32, #tpu.memory_space<vmem_shared>>)
          tpu.yield
        }) : () -> ()
        "tpu.trace_stop"() : () -> ()
        %ne3A_234 = arith.cmpi ne, %add3A_161, %add3A_179 : i32
        %or3A_235 = arith.constant false
        %or3A_236 = arith.ori %or3A_235, %ne3A_234 : i1
        %or3A_237 = arith.ori %or3A_236, %eq3A_160 : i1
        %convert_element_type3A_238 = arith.extui %or3A_237 : i1 to i32
        %cond3A_239 = arith.constant 0 : i32
        %cond3A_240 = arith.cmpi ne, %convert_element_type3A_238, %cond3A_239 : i32
        scf.if %cond3A_240 {
        } else {
        }
        %and3A_241 = arith.constant false
        %and3A_242 = arith.andi %or3A_237, %and3A_241 : i1
        %ne3A_243 = arith.cmpi ne, %add3A_161, %add3A_179 : i32
        %or3A_244 = arith.constant false
        %or3A_245 = arith.ori %or3A_244, %ne3A_243 : i1
        %or3A_246 = arith.ori %or3A_245, %eq3A_160 : i1
        %convert_element_type3A_247 = arith.extui %or3A_246 : i1 to i32
        %cond3A_248 = arith.constant 0 : i32
        %cond3A_249 = arith.cmpi ne, %convert_element_type3A_247, %cond3A_248 : i32
        scf.if %cond3A_249 {
        } else {
        }
        %and3A_250 = arith.constant false
        %and3A_251 = arith.andi %or3A_246, %and3A_250 : i1
        %ne3A_252 = arith.cmpi ne, %add3A_161, %add3A_170 : i32
        %or3A_253 = arith.constant false
        %or3A_254 = arith.ori %or3A_253, %ne3A_252 : i1
        %not3A_255 = arith.constant true
        %not3A_256 = arith.xori %eq3A_158, %not3A_255 : i1
        %and3A_257 = arith.andi %or3A_254, %not3A_256 : i1
        %convert_element_type3A_258 = arith.extui %and3A_257 : i1 to i32
        %cond3A_259 = arith.constant 0 : i32
        %cond3A_260 = arith.cmpi ne, %convert_element_type3A_258, %cond3A_259 : i32
        scf.if %cond3A_260 {
        } else {
        }
        %and3A_261 = arith.constant false
        %and3A_262 = arith.andi %and3A_257, %and3A_261 : i1
        %ne3A_263 = arith.cmpi ne, %add3A_161, %add3A_170 : i32
        %or3A_264 = arith.constant false
        %or3A_265 = arith.ori %or3A_264, %ne3A_263 : i1
        %not3A_266 = arith.constant true
        %not3A_267 = arith.xori %eq3A_158, %not3A_266 : i1
        %and3A_268 = arith.andi %or3A_265, %not3A_267 : i1
        %convert_element_type3A_269 = arith.extui %and3A_268 : i1 to i32
        %cond3A_270 = arith.constant 0 : i32
        %cond3A_271 = arith.cmpi ne, %convert_element_type3A_269, %cond3A_270 : i32
        scf.if %cond3A_271 {
        } else {
        }
        %and3A_272 = arith.constant false
        %and3A_273 = arith.andi %and3A_268, %and3A_272 : i1
        %ne3A_274 = arith.cmpi ne, %add3A_161, %add3A_179 : i32
        %or3A_275 = arith.constant false
        %or3A_276 = arith.ori %or3A_275, %ne3A_274 : i1
        %or3A_277 = arith.ori %or3A_276, %eq3A_160 : i1
        %add3A_278 = arith.constant 1 : i32
        %add3A_279 = arith.addi %scan3A_153, %add3A_278 : i32
        %select_n3A_280 = arith.select %or3A_277, %add3A_279, %scan3A_153 : i32
        %ne3A_281 = arith.cmpi ne, %add3A_161, %add3A_179 : i32
        %or3A_282 = arith.constant false
        %or3A_283 = arith.ori %or3A_282, %ne3A_281 : i1
        %or3A_284 = arith.ori %or3A_283, %eq3A_160 : i1
        %add3A_285 = arith.constant 1 : i32
        %add3A_286 = arith.addi %scan3A_155, %add3A_285 : i32
        %select_n3A_287 = arith.select %or3A_284, %add3A_286, %scan3A_155 : i32
        %add3A_288 = arith.constant 1 : i32
        %add3A_289 = arith.addi %scan3A_156, %add3A_288 : i32
        %select_n3A_290 = arith.constant true
        %select_n3A_291 = arith.select %select_n3A_290, %add3A_289, %scan3A_156 : i32
        %eq3A_292 = arith.constant 40 : i32
        %eq3A_293 = arith.cmpi eq, %select_n3A_291, %eq3A_292 : i32
        %select_n3A_294 = arith.constant 0 : i32
        %select_n3A_295 = arith.select %eq3A_293, %select_n3A_294, %select_n3A_291 : i32
        scf.yield %select_n3A_197, %select_n3A_280, %select_n3A_213, %select_n3A_287, %select_n3A_295 : i32, i32, i32, i32, i32
      }
      %scan3A_115 = arith.constant 40 : i32
      %sub3A = arith.constant 1 : i32
      %sub3A_116 = arith.subi %scan3A_114#4, %sub3A : i32
      %select_n3A_117 = arith.constant true
      %select_n3A_118 = arith.select %select_n3A_117, %sub3A_116, %scan3A_114#4 : i32
      %eq3A_119 = arith.constant -1 : i32
      %eq3A_120 = arith.cmpi eq, %select_n3A_118, %eq3A_119 : i32
      %select_n3A_121 = arith.constant 39 : i32
      %select_n3A_122 = arith.select %eq3A_120, %select_n3A_121, %select_n3A_118 : i32
      %add3A_123 = arith.addi %select_n3A_122, %mul3A_16 : i32
      %sub3A_124 = arith.constant 1 : i32
      %sub3A_125 = arith.subi %select_n3A_122, %sub3A_124 : i32
      %select_n3A_126 = arith.constant true
      %select_n3A_127 = arith.select %select_n3A_126, %sub3A_125, %select_n3A_122 : i32
      %eq3A_128 = arith.constant -1 : i32
      %eq3A_129 = arith.cmpi eq, %select_n3A_127, %eq3A_128 : i32
      %select_n3A_130 = arith.constant 39 : i32
      %select_n3A_131 = arith.select %eq3A_129, %select_n3A_130, %select_n3A_127 : i32
      %add3A_132 = arith.addi %select_n3A_131, %mul3A_16 : i32
      %add3A_133 = arith.constant 1 : i32
      %add3A_134 = arith.addi %select_n3A_122, %add3A_133 : i32
      %select_n3A_135 = arith.constant true
      %select_n3A_136 = arith.select %select_n3A_135, %add3A_134, %select_n3A_122 : i32
      %eq3A_137 = arith.constant 40 : i32
      %eq3A_138 = arith.cmpi eq, %select_n3A_136, %eq3A_137 : i32
      %select_n3A_139 = arith.constant 0 : i32
      %select_n3A_140 = arith.select %eq3A_138, %select_n3A_139, %select_n3A_136 : i32
      %add3A_141 = arith.addi %select_n3A_140, %mul3A_16 : i32
      %add3A_142 = arith.constant 1 : i32
      %add3A_143 = arith.addi %select_n3A_140, %add3A_142 : i32
      %select_n3A_144 = arith.constant true
      %select_n3A_145 = arith.select %select_n3A_144, %add3A_143, %select_n3A_140 : i32
      %eq3A_146 = arith.constant 40 : i32
      %eq3A_147 = arith.cmpi eq, %select_n3A_145, %eq3A_146 : i32
      %select_n3A_148 = arith.constant 0 : i32
      %select_n3A_149 = arith.select %eq3A_147, %select_n3A_148, %select_n3A_145 : i32
      %add3A_150 = arith.addi %select_n3A_149, %mul3A_16 : i32
      tpu.yield
    }) : () -> ()
    %barrier3A_17 = arith.constant 0 : index
    tpu.barrier barrier_id(%barrier3A_17)
    %mul3A_18 = arith.constant 10240 : i32
    %mul3A_19 = arith.muli %arg0, %mul3A_18 : i32
    %add3A_20 = arith.addi %mul3A_19, %mul3A_0 : i32
    %dma_start3A_21 = arith.constant 0 : i32
    %dma_start3A_22 = tpu.memref_slice %arg6[%add3A_20, %dma_start3A_21] : memref<20480x128xf32, #tpu.memory_space<hbm>> -> memref<640x128xf32, #tpu.memory_space<hbm>>
    %dma_start3A_23 = arith.constant 0 : i32
    %dma_start3A_24 = tpu.memref_slice %arg9[%mul3A_0, %dma_start3A_23] : memref<10240x128xf32, #tpu.memory_space<vmem_shared>> -> memref<640x128xf32, #tpu.memory_space<vmem_shared>>
    tpu.enqueue_dma source(%dma_start3A_24 : memref<640x128xf32, #tpu.memory_space<vmem_shared>>) target(%dma_start3A_22 : memref<640x128xf32, #tpu.memory_space<hbm>>) target_semaphore(%arg10 : memref<!tpu.dma_semaphore, #tpu.memory_space<semaphore_mem>>)
    %dma_wait3A_25 = arith.constant 0 : i32
    %dma_wait3A_26 = tpu.memref_slice %arg6[%add3A_20, %dma_wait3A_25] : memref<20480x128xf32, #tpu.memory_space<hbm>> -> memref<640x128xf32, #tpu.memory_space<hbm>>
    %dma_wait3A_27 = arith.constant 0 : i32
    %dma_wait3A_28 = tpu.memref_slice %arg9[%mul3A_0, %dma_wait3A_27] : memref<10240x128xf32, #tpu.memory_space<vmem_shared>> -> memref<640x128xf32, #tpu.memory_space<vmem_shared>>
    tpu.wait_dma2 semaphore(%arg10 : memref<!tpu.dma_semaphore, #tpu.memory_space<semaphore_mem>>) src(%dma_wait3A_28 : memref<640x128xf32, #tpu.memory_space<vmem_shared>>) dst(%dma_wait3A_26 : memref<640x128xf32, #tpu.memory_space<hbm>>)
    return
  }
}

#map = affine_map<(d0, d1) -> (0, 0)>
module attributes {stable_mosaic.version = 14 : i64} {
  func.func @body_fn(%arg0: i32, %arg1: i32, %arg2: memref<10000x128xf32, #tpu.memory_space<hbm>>, %arg3: memref<1x163840xi32, #tpu.memory_space<hbm>>, %arg4: memref<1x163840xi32, #tpu.memory_space<hbm>>, %arg5: memref<10240x128xf32, #tpu.memory_space<hbm>>, %arg6: memref<20480x128xf32, #tpu.memory_space<hbm>>, %arg7: memref<128xi32, #tpu.memory_space<vmem>>, %arg8: memref<128x128xf32, #tpu.memory_space<vmem>>, %arg9: memref<10240x128xf32, #tpu.memory_space<vmem_shared>>, %arg10: memref<!tpu.dma_semaphore, #tpu.memory_space<semaphore_mem>>) attributes {dimension_semantics = [#tpu.dimension_semantics<core_parallel>, #tpu.dimension_semantics<subcore_parallel>], iteration_bounds = array<i64: 2, 16>, scalar_prefetch = 0 : i64, scratch_operands = 4 : i64, tpu.core_type = #tpu.core_type<sc_vector_subcore>, window_params = [{transform_indices = #map}, {transform_indices = #map}, {transform_indices = #map}, {transform_indices = #map}, {transform_indices = #map}]} {
    %mul3A = arith.constant 640 : i32
    %mul3A_0 = arith.muli %arg1, %mul3A : i32
    %dma_start3A = arith.constant 0 : i32
    %dma_start3A_1 = tpu.memref_slice %arg9[%mul3A_0, %dma_start3A] : memref<10240x128xf32, #tpu.memory_space<vmem_shared>> -> memref<640x128xf32, #tpu.memory_space<vmem_shared>>
    %dma_start3A_2 = arith.constant 0 : i32
    %dma_start3A_3 = tpu.memref_slice %arg5[%mul3A_0, %dma_start3A_2] : memref<10240x128xf32, #tpu.memory_space<hbm>> -> memref<640x128xf32, #tpu.memory_space<hbm>>
    tpu.enqueue_dma source(%dma_start3A_3 : memref<640x128xf32, #tpu.memory_space<hbm>>) target(%dma_start3A_1 : memref<640x128xf32, #tpu.memory_space<vmem_shared>>) target_semaphore(%arg10 : memref<!tpu.dma_semaphore, #tpu.memory_space<semaphore_mem>>)
    %dma_wait3A = arith.constant 0 : i32
    %dma_wait3A_4 = tpu.memref_slice %arg9[%mul3A_0, %dma_wait3A] : memref<10240x128xf32, #tpu.memory_space<vmem_shared>> -> memref<640x128xf32, #tpu.memory_space<vmem_shared>>
    %dma_wait3A_5 = arith.constant 0 : i32
    %dma_wait3A_6 = tpu.memref_slice %arg5[%mul3A_0, %dma_wait3A_5] : memref<10240x128xf32, #tpu.memory_space<hbm>> -> memref<640x128xf32, #tpu.memory_space<hbm>>
    tpu.wait_dma2 semaphore(%arg10 : memref<!tpu.dma_semaphore, #tpu.memory_space<semaphore_mem>>) src(%dma_wait3A_6 : memref<640x128xf32, #tpu.memory_space<hbm>>) dst(%dma_wait3A_4 : memref<640x128xf32, #tpu.memory_space<vmem_shared>>)
    %barrier3A = arith.constant 0 : index
    tpu.barrier barrier_id(%barrier3A)
    %mul3A_7 = arith.constant 10000 : i32
    %mul3A_8 = arith.muli %arg0, %mul3A_7 : i32
    %mul3A_9 = arith.constant 1 : i32
    %mul3A_10 = arith.muli %arg1, %mul3A_9 : i32
    %add3A = arith.constant 0 : i32
    %add3A_11 = arith.addi %add3A, %mul3A_10 : i32
    %mul3A_12 = arith.constant 16 : i32
    %mul3A_13 = arith.muli %arg0, %mul3A_12 : i32
    %add3A_14 = arith.addi %add3A_11, %mul3A_13 : i32
    %mul3A_15 = arith.constant 40 : i32
    %mul3A_16 = arith.muli %add3A_14, %mul3A_15 : i32
    "tpu.region"() ({
      %run_scoped3A = memref.alloca() : memref<2x1x128xi32, #tpu.memory_space<vmem>>
      %run_scoped3A_29 = tpu.sem_alloc : memref<2x!tpu.dma_semaphore, #tpu.memory_space<semaphore_mem>>
      %run_scoped3A_30 = memref.alloca() : memref<2x1x128xi32, #tpu.memory_space<vmem>>
      %run_scoped3A_31 = tpu.sem_alloc : memref<2x!tpu.dma_semaphore, #tpu.memory_space<semaphore_mem>>
      %add3A_32 = arith.constant 0 : i32
      %add3A_33 = arith.addi %add3A_32, %mul3A_16 : i32
      %select_n3A = arith.constant true
      %select_n3A_34 = arith.constant 0 : i32
      %select_n3A_35 = arith.constant -1 : i32
      %select_n3A_36 = arith.select %select_n3A, %select_n3A_35, %select_n3A_34 : i32
      %eq3A = arith.constant -1 : i32
      %eq3A_37 = arith.cmpi eq, %select_n3A_36, %eq3A : i32
      %select_n3A_38 = arith.constant 39 : i32
      %select_n3A_39 = arith.select %eq3A_37, %select_n3A_38, %select_n3A_36 : i32
      %add3A_40 = arith.addi %select_n3A_39, %mul3A_16 : i32
      %select_n3A_41 = arith.constant true
      %select_n3A_42 = arith.constant 0 : i32
      %select_n3A_43 = arith.constant 1 : i32
      %select_n3A_44 = arith.select %select_n3A_41, %select_n3A_43, %select_n3A_42 : i32
      %eq3A_45 = arith.constant 40 : i32
      %eq3A_46 = arith.cmpi eq, %select_n3A_44, %eq3A_45 : i32
      %select_n3A_47 = arith.constant 0 : i32
      %select_n3A_48 = arith.select %eq3A_46, %select_n3A_47, %select_n3A_44 : i32
      %add3A_49 = arith.addi %select_n3A_48, %mul3A_16 : i32
      %add3A_50 = arith.constant 1 : i32
      %add3A_51 = arith.addi %select_n3A_48, %add3A_50 : i32
      %select_n3A_52 = arith.constant true
      %select_n3A_53 = arith.select %select_n3A_52, %add3A_51, %select_n3A_48 : i32
      %eq3A_54 = arith.constant 40 : i32
      %eq3A_55 = arith.cmpi eq, %select_n3A_53, %eq3A_54 : i32
      %select_n3A_56 = arith.constant 0 : i32
      %select_n3A_57 = arith.select %eq3A_55, %select_n3A_56, %select_n3A_53 : i32
      %add3A_58 = arith.addi %select_n3A_57, %mul3A_16 : i32
      "tpu.trace_start"() <{level = 10 : i32, message = "ep_initialize_0"}> : () -> ()
      %rem3A = arith.constant 0 : i32
      %rem3A_59 = arith.constant 2 : i32
      %rem3A_60 = arith.remui %rem3A, %rem3A_59 : i32
      %mul3A_61 = arith.constant 128 : i32
      %mul3A_62 = arith.muli %mul3A_61, %add3A_33 : i32
      %dma_start3A_63 = arith.constant 0 : i32
      %dma_start3A_64 = arith.constant 0 : i32
      %dma_start3A_65 = tpu.memref_slice %run_scoped3A[%rem3A_60, %dma_start3A_63, %dma_start3A_64] : memref<2x1x128xi32, #tpu.memory_space<vmem>> -> memref<1x1x128xi32, #tpu.memory_space<vmem>>
      %dma_start3A_66 = tpu.memref_squeeze %dma_start3A_65 : memref<1x1x128xi32, #tpu.memory_space<vmem>> -> memref<1x128xi32, #tpu.memory_space<vmem>>
      %dma_start3A_67 = arith.constant 0 : i32
      %dma_start3A_68 = tpu.memref_slice %arg3[%dma_start3A_67, %mul3A_62] : memref<1x163840xi32, #tpu.memory_space<hbm>> -> memref<1x128xi32, #tpu.memory_space<hbm>>
      %dma_start3A_69 = tpu.memref_slice %run_scoped3A_29[%rem3A_60] : memref<2x!tpu.dma_semaphore, #tpu.memory_space<semaphore_mem>> -> memref<1x!tpu.dma_semaphore, #tpu.memory_space<semaphore_mem>>
      %dma_start3A_70 = tpu.memref_squeeze %dma_start3A_69 : memref<1x!tpu.dma_semaphore, #tpu.memory_space<semaphore_mem>> -> memref<!tpu.dma_semaphore, #tpu.memory_space<semaphore_mem>>
      %dma_start3A_71 = arith.constant 0 : i32
      %dma_start3A_72 = arith.constant 0 : i32
      %dma_start3A_73 = tpu.memref_slice %run_scoped3A[%rem3A_60, %dma_start3A_71, %dma_start3A_72] : memref<2x1x128xi32, #tpu.memory_space<vmem>> -> memref<1x1x128xi32, #tpu.memory_space<vmem>>
      %dma_start3A_74 = tpu.memref_squeeze %dma_start3A_73 : memref<1x1x128xi32, #tpu.memory_space<vmem>> -> memref<1x128xi32, #tpu.memory_space<vmem>>
      %dma_start3A_75 = arith.constant 0 : i32
      %dma_start3A_76 = tpu.memref_slice %arg3[%dma_start3A_75, %mul3A_62] : memref<1x163840xi32, #tpu.memory_space<hbm>> -> memref<1x128xi32, #tpu.memory_space<hbm>>
      tpu.enqueue_dma source(%dma_start3A_76 : memref<1x128xi32, #tpu.memory_space<hbm>>) target(%dma_start3A_74 : memref<1x128xi32, #tpu.memory_space<vmem>>) target_semaphore(%dma_start3A_70 : memref<!tpu.dma_semaphore, #tpu.memory_space<semaphore_mem>>)
      %add3A_77 = arith.constant 0 : i32
      %add3A_78 = arith.constant 1 : i32
      %add3A_79 = arith.addi %add3A_77, %add3A_78 : i32
      %select_n3A_80 = arith.constant true
      %select_n3A_81 = arith.constant 0 : i32
      %select_n3A_82 = arith.select %select_n3A_80, %add3A_79, %select_n3A_81 : i32
      %rem3A_83 = arith.constant 0 : i32
      %rem3A_84 = arith.constant 2 : i32
      %rem3A_85 = arith.remui %rem3A_83, %rem3A_84 : i32
      %mul3A_86 = arith.constant 128 : i32
      %mul3A_87 = arith.muli %mul3A_86, %add3A_33 : i32
      %dma_start3A_88 = arith.constant 0 : i32
      %dma_start3A_89 = arith.constant 0 : i32
      %dma_start3A_90 = tpu.memref_slice %run_scoped3A_30[%rem3A_85, %dma_start3A_88, %dma_start3A_89] : memref<2x1x128xi32, #tpu.memory_space<vmem>> -> memref<1x1x128xi32, #tpu.memory_space<vmem>>
      %dma_start3A_91 = tpu.memref_squeeze %dma_start3A_90 : memref<1x1x128xi32, #tpu.memory_space<vmem>> -> memref<1x128xi32, #tpu.memory_space<vmem>>
      %dma_start3A_92 = arith.constant 0 : i32
      %dma_start3A_93 = tpu.memref_slice %arg4[%dma_start3A_92, %mul3A_87] : memref<1x163840xi32, #tpu.memory_space<hbm>> -> memref<1x128xi32, #tpu.memory_space<hbm>>
      %dma_start3A_94 = tpu.memref_slice %run_scoped3A_31[%rem3A_85] : memref<2x!tpu.dma_semaphore, #tpu.memory_space<semaphore_mem>> -> memref<1x!tpu.dma_semaphore, #tpu.memory_space<semaphore_mem>>
      %dma_start3A_95 = tpu.memref_squeeze %dma_start3A_94 : memref<1x!tpu.dma_semaphore, #tpu.memory_space<semaphore_mem>> -> memref<!tpu.dma_semaphore, #tpu.memory_space<semaphore_mem>>
      %dma_start3A_96 = arith.constant 0 : i32
      %dma_start3A_97 = arith.constant 0 : i32
      %dma_start3A_98 = tpu.memref_slice %run_scoped3A_30[%rem3A_85, %dma_start3A_96, %dma_start3A_97] : memref<2x1x128xi32, #tpu.memory_space<vmem>> -> memref<1x1x128xi32, #tpu.memory_space<vmem>>
      %dma_start3A_99 = tpu.memref_squeeze %dma_start3A_98 : memref<1x1x128xi32, #tpu.memory_space<vmem>> -> memref<1x128xi32, #tpu.memory_space<vmem>>
      %dma_start3A_100 = arith.constant 0 : i32
      %dma_start3A_101 = tpu.memref_slice %arg4[%dma_start3A_100, %mul3A_87] : memref<1x163840xi32, #tpu.memory_space<hbm>> -> memref<1x128xi32, #tpu.memory_space<hbm>>
      tpu.enqueue_dma source(%dma_start3A_101 : memref<1x128xi32, #tpu.memory_space<hbm>>) target(%dma_start3A_99 : memref<1x128xi32, #tpu.memory_space<vmem>>) target_semaphore(%dma_start3A_95 : memref<!tpu.dma_semaphore, #tpu.memory_space<semaphore_mem>>)
      %add3A_102 = arith.constant 0 : i32
      %add3A_103 = arith.constant 1 : i32
      %add3A_104 = arith.addi %add3A_102, %add3A_103 : i32
      %select_n3A_105 = arith.constant true
      %select_n3A_106 = arith.constant 0 : i32
      %select_n3A_107 = arith.select %select_n3A_105, %add3A_104, %select_n3A_106 : i32
      "tpu.trace_stop"() : () -> ()
      %scan3A = arith.constant 0 : i32
      %scan3A_108 = arith.constant 0 : i32
      %scan3A_109 = arith.constant 0 : i32
      %scan3A_110 = arith.constant 0 : i32
      %scan3A_111 = arith.constant 40 : i32
      %scan3A_112 = arith.addi %scan3A_110, %scan3A_111 : i32
      %scan3A_113 = arith.constant 1 : i32
      %scan3A_114:5 = scf.for %scan3A_151 = %scan3A_110 to %scan3A_112 step %scan3A_113 iter_args(%scan3A_152 = %select_n3A_82, %scan3A_153 = %scan3A, %scan3A_154 = %select_n3A_107, %scan3A_155 = %scan3A_108, %scan3A_156 = %scan3A_109) -> (i32, i32, i32, i32, i32)  : i32 {
        %eq3A_157 = arith.constant 0 : i32
        %eq3A_158 = arith.cmpi eq, %scan3A_151, %eq3A_157 : i32
        %eq3A_159 = arith.constant 39 : i32
        %eq3A_160 = arith.cmpi eq, %scan3A_151, %eq3A_159 : i32
        %add3A_161 = arith.addi %scan3A_156, %mul3A_16 : i32
        %sub3A_162 = arith.constant 1 : i32
        %sub3A_163 = arith.subi %scan3A_156, %sub3A_162 : i32
        %select_n3A_164 = arith.constant true
        %select_n3A_165 = arith.select %select_n3A_164, %sub3A_163, %scan3A_156 : i32
        %eq3A_166 = arith.constant -1 : i32
        %eq3A_167 = arith.cmpi eq, %select_n3A_165, %eq3A_166 : i32
        %select_n3A_168 = arith.constant 39 : i32
        %select_n3A_169 = arith.select %eq3A_167, %select_n3A_168, %select_n3A_165 : i32
        %add3A_170 = arith.addi %select_n3A_169, %mul3A_16 : i32
        %add3A_171 = arith.constant 1 : i32
        %add3A_172 = arith.addi %scan3A_156, %add3A_171 : i32
        %select_n3A_173 = arith.constant true
        %select_n3A_174 = arith.select %select_n3A_173, %add3A_172, %scan3A_156 : i32
        %eq3A_175 = arith.constant 40 : i32
        %eq3A_176 = arith.cmpi eq, %select_n3A_174, %eq3A_175 : i32
        %select_n3A_177 = arith.constant 0 : i32
        %select_n3A_178 = arith.select %eq3A_176, %select_n3A_177, %select_n3A_174 : i32
        %add3A_179 = arith.addi %select_n3A_178, %mul3A_16 : i32
        %add3A_180 = arith.constant 1 : i32
        %add3A_181 = arith.addi %select_n3A_178, %add3A_180 : i32
        %select_n3A_182 = arith.constant true
        %select_n3A_183 = arith.select %select_n3A_182, %add3A_181, %select_n3A_178 : i32
        %eq3A_184 = arith.constant 40 : i32
        %eq3A_185 = arith.cmpi eq, %select_n3A_183, %eq3A_184 : i32
        %select_n3A_186 = arith.constant 0 : i32
        %select_n3A_187 = arith.select %eq3A_185, %select_n3A_186, %select_n3A_183 : i32
        %add3A_188 = arith.addi %select_n3A_187, %mul3A_16 : i32
        %ne3A = arith.cmpi ne, %add3A_161, %add3A_179 : i32
        %or3A = arith.constant false
        %or3A_189 = arith.ori %or3A, %ne3A : i1
        %ge3A = arith.constant 39 : i32
        %ge3A_190 = arith.cmpi sge, %scan3A_151, %ge3A : i32
        %not3A = arith.constant true
        %not3A_191 = arith.xori %ge3A_190, %not3A : i1
        %and3A = arith.andi %or3A_189, %not3A_191 : i1
        %convert_element_type3A = arith.extui %and3A : i1 to i32
        %cond3A = arith.constant 0 : i32
        %cond3A_192 = arith.cmpi ne, %convert_element_type3A, %cond3A : i32
        scf.if %cond3A_192 {
          "tpu.trace_start"() <{level = 10 : i32, message = "ep_copy_in"}> : () -> ()
          %rem3A_296 = arith.constant 2 : i32
          %rem3A_297 = arith.remui %scan3A_152, %rem3A_296 : i32
          %mul3A_298 = arith.constant 128 : i32
          %mul3A_299 = arith.muli %mul3A_298, %add3A_179 : i32
          %dma_start3A_300 = arith.constant 0 : i32
          %dma_start3A_301 = arith.constant 0 : i32
          %dma_start3A_302 = tpu.memref_slice %run_scoped3A[%rem3A_297, %dma_start3A_300, %dma_start3A_301] : memref<2x1x128xi32, #tpu.memory_space<vmem>> -> memref<1x1x128xi32, #tpu.memory_space<vmem>>
          %dma_start3A_303 = tpu.memref_squeeze %dma_start3A_302 : memref<1x1x128xi32, #tpu.memory_space<vmem>> -> memref<1x128xi32, #tpu.memory_space<vmem>>
          %dma_start3A_304 = arith.constant 0 : i32
          %dma_start3A_305 = tpu.memref_slice %arg3[%dma_start3A_304, %mul3A_299] : memref<1x163840xi32, #tpu.memory_space<hbm>> -> memref<1x128xi32, #tpu.memory_space<hbm>>
          %dma_start3A_306 = tpu.memref_slice %run_scoped3A_29[%rem3A_297] : memref<2x!tpu.dma_semaphore, #tpu.memory_space<semaphore_mem>> -> memref<1x!tpu.dma_semaphore, #tpu.memory_space<semaphore_mem>>
          %dma_start3A_307 = tpu.memref_squeeze %dma_start3A_306 : memref<1x!tpu.dma_semaphore, #tpu.memory_space<semaphore_mem>> -> memref<!tpu.dma_semaphore, #tpu.memory_space<semaphore_mem>>
          %dma_start3A_308 = arith.constant 0 : i32
          %dma_start3A_309 = arith.constant 0 : i32
          %dma_start3A_310 = tpu.memref_slice %run_scoped3A[%rem3A_297, %dma_start3A_308, %dma_start3A_309] : memref<2x1x128xi32, #tpu.memory_space<vmem>> -> memref<1x1x128xi32, #tpu.memory_space<vmem>>
          %dma_start3A_311 = tpu.memref_squeeze %dma_start3A_310 : memref<1x1x128xi32, #tpu.memory_space<vmem>> -> memref<1x128xi32, #tpu.memory_space<vmem>>
          %dma_start3A_312 = arith.constant 0 : i32
          %dma_start3A_313 = tpu.memref_slice %arg3[%dma_start3A_312, %mul3A_299] : memref<1x163840xi32, #tpu.memory_space<hbm>> -> memref<1x128xi32, #tpu.memory_space<hbm>>
          tpu.enqueue_dma source(%dma_start3A_313 : memref<1x128xi32, #tpu.memory_space<hbm>>) target(%dma_start3A_311 : memref<1x128xi32, #tpu.memory_space<vmem>>) target_semaphore(%dma_start3A_307 : memref<!tpu.dma_semaphore, #tpu.memory_space<semaphore_mem>>)
          "tpu.trace_stop"() : () -> ()
        } else {
        }
        %and3A_193 = arith.constant true
        %and3A_194 = arith.andi %and3A, %and3A_193 : i1
        %add3A_195 = arith.constant 1 : i32
        %add3A_196 = arith.addi %scan3A_152, %add3A_195 : i32
        %select_n3A_197 = arith.select %and3A_194, %add3A_196, %scan3A_152 : i32
        %ne3A_198 = arith.cmpi ne, %add3A_161, %add3A_179 : i32
        %or3A_199 = arith.constant false
        %or3A_200 = arith.ori %or3A_199, %ne3A_198 : i1
        %ge3A_201 = arith.constant 39 : i32
        %ge3A_202 = arith.cmpi sge, %scan3A_151, %ge3A_201 : i32
        %not3A_203 = arith.constant true
        %not3A_204 = arith.xori %ge3A_202, %not3A_203 : i1
        %and3A_205 = arith.andi %or3A_200, %not3A_204 : i1
        %convert_element_type3A_206 = arith.extui %and3A_205 : i1 to i32
        %cond3A_207 = arith.constant 0 : i32
        %cond3A_208 = arith.cmpi ne, %convert_element_type3A_206, %cond3A_207 : i32
        scf.if %cond3A_208 {
          "tpu.trace_start"() <{level = 10 : i32, message = "ep_copy_in"}> : () -> ()
          %rem3A_296 = arith.constant 2 : i32
          %rem3A_297 = arith.remui %scan3A_154, %rem3A_296 : i32
          %mul3A_298 = arith.constant 128 : i32
          %mul3A_299 = arith.muli %mul3A_298, %add3A_179 : i32
          %dma_start3A_300 = arith.constant 0 : i32
          %dma_start3A_301 = arith.constant 0 : i32
          %dma_start3A_302 = tpu.memref_slice %run_scoped3A_30[%rem3A_297, %dma_start3A_300, %dma_start3A_301] : memref<2x1x128xi32, #tpu.memory_space<vmem>> -> memref<1x1x128xi32, #tpu.memory_space<vmem>>
          %dma_start3A_303 = tpu.memref_squeeze %dma_start3A_302 : memref<1x1x128xi32, #tpu.memory_space<vmem>> -> memref<1x128xi32, #tpu.memory_space<vmem>>
          %dma_start3A_304 = arith.constant 0 : i32
          %dma_start3A_305 = tpu.memref_slice %arg4[%dma_start3A_304, %mul3A_299] : memref<1x163840xi32, #tpu.memory_space<hbm>> -> memref<1x128xi32, #tpu.memory_space<hbm>>
          %dma_start3A_306 = tpu.memref_slice %run_scoped3A_31[%rem3A_297] : memref<2x!tpu.dma_semaphore, #tpu.memory_space<semaphore_mem>> -> memref<1x!tpu.dma_semaphore, #tpu.memory_space<semaphore_mem>>
          %dma_start3A_307 = tpu.memref_squeeze %dma_start3A_306 : memref<1x!tpu.dma_semaphore, #tpu.memory_space<semaphore_mem>> -> memref<!tpu.dma_semaphore, #tpu.memory_space<semaphore_mem>>
          %dma_start3A_308 = arith.constant 0 : i32
          %dma_start3A_309 = arith.constant 0 : i32
          %dma_start3A_310 = tpu.memref_slice %run_scoped3A_30[%rem3A_297, %dma_start3A_308, %dma_start3A_309] : memref<2x1x128xi32, #tpu.memory_space<vmem>> -> memref<1x1x128xi32, #tpu.memory_space<vmem>>
          %dma_start3A_311 = tpu.memref_squeeze %dma_start3A_310 : memref<1x1x128xi32, #tpu.memory_space<vmem>> -> memref<1x128xi32, #tpu.memory_space<vmem>>
          %dma_start3A_312 = arith.constant 0 : i32
          %dma_start3A_313 = tpu.memref_slice %arg4[%dma_start3A_312, %mul3A_299] : memref<1x163840xi32, #tpu.memory_space<hbm>> -> memref<1x128xi32, #tpu.memory_space<hbm>>
          tpu.enqueue_dma source(%dma_start3A_313 : memref<1x128xi32, #tpu.memory_space<hbm>>) target(%dma_start3A_311 : memref<1x128xi32, #tpu.memory_space<vmem>>) target_semaphore(%dma_start3A_307 : memref<!tpu.dma_semaphore, #tpu.memory_space<semaphore_mem>>)
          "tpu.trace_stop"() : () -> ()
        } else {
        }
        %and3A_209 = arith.constant true
        %and3A_210 = arith.andi %and3A_205, %and3A_209 : i1
        %add3A_211 = arith.constant 1 : i32
        %add3A_212 = arith.addi %scan3A_154, %add3A_211 : i32
        %select_n3A_213 = arith.select %and3A_210, %add3A_212, %scan3A_154 : i32
        %ne3A_214 = arith.cmpi ne, %add3A_161, %add3A_170 : i32
        %or3A_215 = arith.constant false
        %or3A_216 = arith.ori %or3A_215, %ne3A_214 : i1
        %or3A_217 = arith.ori %or3A_216, %eq3A_158 : i1
        %convert_element_type3A_218 = arith.extui %or3A_217 : i1 to i32
        %cond3A_219 = arith.constant 0 : i32
        %cond3A_220 = arith.cmpi ne, %convert_element_type3A_218, %cond3A_219 : i32
        scf.if %cond3A_220 {
          "tpu.trace_start"() <{level = 10 : i32, message = "ep_wait_in"}> : () -> ()
          %mul3A_296 = arith.constant 128 : i32
          %mul3A_297 = arith.muli %mul3A_296, %add3A_161 : i32
          %rem3A_298 = arith.constant 2 : i32
          %rem3A_299 = arith.remui %scan3A_153, %rem3A_298 : i32
          %dma_wait3A_300 = arith.constant 0 : i32
          %dma_wait3A_301 = arith.constant 0 : i32
          %dma_wait3A_302 = tpu.memref_slice %run_scoped3A[%rem3A_299, %dma_wait3A_300, %dma_wait3A_301] : memref<2x1x128xi32, #tpu.memory_space<vmem>> -> memref<1x1x128xi32, #tpu.memory_space<vmem>>
          %dma_wait3A_303 = tpu.memref_squeeze %dma_wait3A_302 : memref<1x1x128xi32, #tpu.memory_space<vmem>> -> memref<1x128xi32, #tpu.memory_space<vmem>>
          %dma_wait3A_304 = arith.constant 0 : i32
          %dma_wait3A_305 = tpu.memref_slice %arg3[%dma_wait3A_304, %mul3A_297] : memref<1x163840xi32, #tpu.memory_space<hbm>> -> memref<1x128xi32, #tpu.memory_space<hbm>>
          %dma_wait3A_306 = tpu.memref_slice %run_scoped3A_29[%rem3A_299] : memref<2x!tpu.dma_semaphore, #tpu.memory_space<semaphore_mem>> -> memref<1x!tpu.dma_semaphore, #tpu.memory_space<semaphore_mem>>
          %dma_wait3A_307 = tpu.memref_squeeze %dma_wait3A_306 : memref<1x!tpu.dma_semaphore, #tpu.memory_space<semaphore_mem>> -> memref<!tpu.dma_semaphore, #tpu.memory_space<semaphore_mem>>
          %dma_wait3A_308 = arith.constant 0 : i32
          %dma_wait3A_309 = arith.constant 0 : i32
          %dma_wait3A_310 = tpu.memref_slice %run_scoped3A[%rem3A_299, %dma_wait3A_308, %dma_wait3A_309] : memref<2x1x128xi32, #tpu.memory_space<vmem>> -> memref<1x1x128xi32, #tpu.memory_space<vmem>>
          %dma_wait3A_311 = tpu.memref_squeeze %dma_wait3A_310 : memref<1x1x128xi32, #tpu.memory_space<vmem>> -> memref<1x128xi32, #tpu.memory_space<vmem>>
          %dma_wait3A_312 = arith.constant 0 : i32
          %dma_wait3A_313 = tpu.memref_slice %arg3[%dma_wait3A_312, %mul3A_297] : memref<1x163840xi32, #tpu.memory_space<hbm>> -> memref<1x128xi32, #tpu.memory_space<hbm>>
          tpu.wait_dma2 semaphore(%dma_wait3A_307 : memref<!tpu.dma_semaphore, #tpu.memory_space<semaphore_mem>>) src(%dma_wait3A_313 : memref<1x128xi32, #tpu.memory_space<hbm>>) dst(%dma_wait3A_311 : memref<1x128xi32, #tpu.memory_space<vmem>>)
          "tpu.trace_stop"() : () -> ()
        } else {
        }
        %ne3A_221 = arith.cmpi ne, %add3A_161, %add3A_170 : i32
        %or3A_222 = arith.constant false
        %or3A_223 = arith.ori %or3A_222, %ne3A_221 : i1
        %or3A_224 = arith.ori %or3A_223, %eq3A_158 : i1
        %convert_element_type3A_225 = arith.extui %or3A_224 : i1 to i32
        %cond3A_226 = arith.constant 0 : i32
        %cond3A_227 = arith.cmpi ne, %convert_element_type3A_225, %cond3A_226 : i32
        scf.if %cond3A_227 {
          "tpu.trace_start"() <{level = 10 : i32, message = "ep_wait_in"}> : () -> ()
          %mul3A_296 = arith.constant 128 : i32
          %mul3A_297 = arith.muli %mul3A_296, %add3A_161 : i32
          %rem3A_298 = arith.constant 2 : i32
          %rem3A_299 = arith.remui %scan3A_155, %rem3A_298 : i32
          %dma_wait3A_300 = arith.constant 0 : i32
          %dma_wait3A_301 = arith.constant 0 : i32
          %dma_wait3A_302 = tpu.memref_slice %run_scoped3A_30[%rem3A_299, %dma_wait3A_300, %dma_wait3A_301] : memref<2x1x128xi32, #tpu.memory_space<vmem>> -> memref<1x1x128xi32, #tpu.memory_space<vmem>>
          %dma_wait3A_303 = tpu.memref_squeeze %dma_wait3A_302 : memref<1x1x128xi32, #tpu.memory_space<vmem>> -> memref<1x128xi32, #tpu.memory_space<vmem>>
          %dma_wait3A_304 = arith.constant 0 : i32
          %dma_wait3A_305 = tpu.memref_slice %arg4[%dma_wait3A_304, %mul3A_297] : memref<1x163840xi32, #tpu.memory_space<hbm>> -> memref<1x128xi32, #tpu.memory_space<hbm>>
          %dma_wait3A_306 = tpu.memref_slice %run_scoped3A_31[%rem3A_299] : memref<2x!tpu.dma_semaphore, #tpu.memory_space<semaphore_mem>> -> memref<1x!tpu.dma_semaphore, #tpu.memory_space<semaphore_mem>>
          %dma_wait3A_307 = tpu.memref_squeeze %dma_wait3A_306 : memref<1x!tpu.dma_semaphore, #tpu.memory_space<semaphore_mem>> -> memref<!tpu.dma_semaphore, #tpu.memory_space<semaphore_mem>>
          %dma_wait3A_308 = arith.constant 0 : i32
          %dma_wait3A_309 = arith.constant 0 : i32
          %dma_wait3A_310 = tpu.memref_slice %run_scoped3A_30[%rem3A_299, %dma_wait3A_308, %dma_wait3A_309] : memref<2x1x128xi32, #tpu.memory_space<vmem>> -> memref<1x1x128xi32, #tpu.memory_space<vmem>>
          %dma_wait3A_311 = tpu.memref_squeeze %dma_wait3A_310 : memref<1x1x128xi32, #tpu.memory_space<vmem>> -> memref<1x128xi32, #tpu.memory_space<vmem>>
          %dma_wait3A_312 = arith.constant 0 : i32
          %dma_wait3A_313 = tpu.memref_slice %arg4[%dma_wait3A_312, %mul3A_297] : memref<1x163840xi32, #tpu.memory_space<hbm>> -> memref<1x128xi32, #tpu.memory_space<hbm>>
          tpu.wait_dma2 semaphore(%dma_wait3A_307 : memref<!tpu.dma_semaphore, #tpu.memory_space<semaphore_mem>>) src(%dma_wait3A_313 : memref<1x128xi32, #tpu.memory_space<hbm>>) dst(%dma_wait3A_311 : memref<1x128xi32, #tpu.memory_space<vmem>>)
          "tpu.trace_stop"() : () -> ()
        } else {
        }
        %rem3A_228 = arith.constant 2 : i32
        %rem3A_229 = arith.remui %scan3A_153, %rem3A_228 : i32
        %rem3A_230 = arith.constant 2 : i32
        %rem3A_231 = arith.remui %scan3A_155, %rem3A_230 : i32
        %run_scoped3A_232 = arith.constant 0 : i32
        "tpu.trace_start"() <{level = 10 : i32, message = "ep_run_kernel"}> : () -> ()
        "tpu.region"() ({
          %run_scoped3A_296 = tpu.sem_alloc : memref<!tpu.dma_semaphore, #tpu.memory_space<semaphore_mem>>
          %dma_start3A_297 = arith.constant 0 : i32
          %dma_start3A_298 = arith.constant 0 : i32
          %dma_start3A_299 = tpu.memref_slice %run_scoped3A[%rem3A_229, %dma_start3A_297, %dma_start3A_298] : memref<2x1x128xi32, #tpu.memory_space<vmem>> -> memref<1x1x128xi32, #tpu.memory_space<vmem>>
          %dma_start3A_300 = tpu.memref_squeeze %dma_start3A_299 : memref<1x1x128xi32, #tpu.memory_space<vmem>> -> memref<1x128xi32, #tpu.memory_space<vmem>>
          %dma_start3A_301 = arith.constant 0 : i32
          %dma_start3A_302 = tpu.memref_slice %dma_start3A_300[%run_scoped3A_232, %dma_start3A_301] : memref<1x128xi32, #tpu.memory_space<vmem>> -> memref<1x128xi32, #tpu.memory_space<vmem>>
          %dma_start3A_303 = tpu.memref_squeeze %dma_start3A_302 : memref<1x128xi32, #tpu.memory_space<vmem>> -> memref<128xi32, #tpu.memory_space<vmem>>
          %dma_start3A_304 = arith.constant 0 : i32
          %dma_start3A_305 = arith.constant 0 : i32
          %dma_start3A_306 = tpu.memref_slice %arg2[%dma_start3A_304, %dma_start3A_305] : memref<10000x128xf32, #tpu.memory_space<hbm>> -> memref<10000x128xf32, #tpu.memory_space<hbm>>
          tpu.enqueue_indirect_dma source(%dma_start3A_306 : memref<10000x128xf32, #tpu.memory_space<hbm>>) target(%arg8 : memref<128x128xf32, #tpu.memory_space<vmem>>) offsets(%dma_start3A_303 : memref<128xi32, #tpu.memory_space<vmem>>) semaphore(%run_scoped3A_296 : memref<!tpu.dma_semaphore, #tpu.memory_space<semaphore_mem>>)
          %dma_wait3A_307 = arith.constant 0 : i32
          %dma_wait3A_308 = arith.constant 0 : i32
          %dma_wait3A_309 = tpu.memref_slice %run_scoped3A[%rem3A_229, %dma_wait3A_307, %dma_wait3A_308] : memref<2x1x128xi32, #tpu.memory_space<vmem>> -> memref<1x1x128xi32, #tpu.memory_space<vmem>>
          %dma_wait3A_310 = tpu.memref_squeeze %dma_wait3A_309 : memref<1x1x128xi32, #tpu.memory_space<vmem>> -> memref<1x128xi32, #tpu.memory_space<vmem>>
          %dma_wait3A_311 = arith.constant 0 : i32
          %dma_wait3A_312 = tpu.memref_slice %dma_wait3A_310[%run_scoped3A_232, %dma_wait3A_311] : memref<1x128xi32, #tpu.memory_space<vmem>> -> memref<1x128xi32, #tpu.memory_space<vmem>>
          %dma_wait3A_313 = tpu.memref_squeeze %dma_wait3A_312 : memref<1x128xi32, #tpu.memory_space<vmem>> -> memref<128xi32, #tpu.memory_space<vmem>>
          %dma_wait3A_314 = arith.constant 0 : i32
          %dma_wait3A_315 = arith.constant 0 : i32
          %dma_wait3A_316 = tpu.memref_slice %arg2[%dma_wait3A_314, %dma_wait3A_315] : memref<10000x128xf32, #tpu.memory_space<hbm>> -> memref<10000x128xf32, #tpu.memory_space<hbm>>
          tpu.wait_indirect_dma semaphore(%run_scoped3A_296 : memref<!tpu.dma_semaphore, #tpu.memory_space<semaphore_mem>>) src(%dma_wait3A_316 : memref<10000x128xf32, #tpu.memory_space<hbm>>) dst(%arg8 : memref<128x128xf32, #tpu.memory_space<vmem>>)
          tpu.yield
        }) : () -> ()
        %run_scoped3A_233 = arith.constant 0 : i32
        "tpu.region"() ({
          %run_scoped3A_296 = tpu.sem_alloc : memref<!tpu.dma_semaphore, #tpu.memory_space<semaphore_mem>>
          %dma_start3A_297 = arith.constant 0 : i32
          %dma_start3A_298 = arith.constant 0 : i32
          %dma_start3A_299 = tpu.memref_slice %run_scoped3A_30[%rem3A_231, %dma_start3A_297, %dma_start3A_298] : memref<2x1x128xi32, #tpu.memory_space<vmem>> -> memref<1x1x128xi32, #tpu.memory_space<vmem>>
          %dma_start3A_300 = tpu.memref_squeeze %dma_start3A_299 : memref<1x1x128xi32, #tpu.memory_space<vmem>> -> memref<1x128xi32, #tpu.memory_space<vmem>>
          %dma_start3A_301 = arith.constant 0 : i32
          %dma_start3A_302 = tpu.memref_slice %dma_start3A_300[%run_scoped3A_233, %dma_start3A_301] : memref<1x128xi32, #tpu.memory_space<vmem>> -> memref<1x128xi32, #tpu.memory_space<vmem>>
          %dma_start3A_303 = tpu.memref_squeeze %dma_start3A_302 : memref<1x128xi32, #tpu.memory_space<vmem>> -> memref<128xi32, #tpu.memory_space<vmem>>
          %dma_start3A_304 = arith.constant 0 : i32
          %dma_start3A_305 = arith.constant 0 : i32
          %dma_start3A_306 = tpu.memref_slice %arg9[%dma_start3A_304, %dma_start3A_305] : memref<10240x128xf32, #tpu.memory_space<vmem_shared>> -> memref<10240x128xf32, #tpu.memory_space<vmem_shared>>
          tpu.enqueue_indirect_dma source(%arg8 : memref<128x128xf32, #tpu.memory_space<vmem>>) target(%dma_start3A_306 : memref<10240x128xf32, #tpu.memory_space<vmem_shared>>) offsets(%dma_start3A_303 : memref<128xi32, #tpu.memory_space<vmem>>) semaphore(%run_scoped3A_296 : memref<!tpu.dma_semaphore, #tpu.memory_space<semaphore_mem>>) {add = true}
          %dma_wait3A_307 = arith.constant 0 : i32
          %dma_wait3A_308 = arith.constant 0 : i32
          %dma_wait3A_309 = tpu.memref_slice %run_scoped3A_30[%rem3A_231, %dma_wait3A_307, %dma_wait3A_308] : memref<2x1x128xi32, #tpu.memory_space<vmem>> -> memref<1x1x128xi32, #tpu.memory_space<vmem>>
          %dma_wait3A_310 = tpu.memref_squeeze %dma_wait3A_309 : memref<1x1x128xi32, #tpu.memory_space<vmem>> -> memref<1x128xi32, #tpu.memory_space<vmem>>
          %dma_wait3A_311 = arith.constant 0 : i32
          %dma_wait3A_312 = tpu.memref_slice %dma_wait3A_310[%run_scoped3A_233, %dma_wait3A_311] : memref<1x128xi32, #tpu.memory_space<vmem>> -> memref<1x128xi32, #tpu.memory_space<vmem>>
          %dma_wait3A_313 = tpu.memref_squeeze %dma_wait3A_312 : memref<1x128xi32, #tpu.memory_space<vmem>> -> memref<128xi32, #tpu.memory_space<vmem>>
          %dma_wait3A_314 = arith.constant 0 : i32
          %dma_wait3A_315 = arith.constant 0 : i32
          %dma_wait3A_316 = tpu.memref_slice %arg9[%dma_wait3A_314, %dma_wait3A_315] : memref<10240x128xf32, #tpu.memory_space<vmem_shared>> -> memref<10240x128xf32, #tpu.memory_space<vmem_shared>>
          tpu.wait_indirect_dma semaphore(%run_scoped3A_296 : memref<!tpu.dma_semaphore, #tpu.memory_space<semaphore_mem>>) src(%arg8 : memref<128x128xf32, #tpu.memory_space<vmem>>) dst(%dma_wait3A_316 : memref<10240x128xf32, #tpu.memory_space<vmem_shared>>)
          tpu.yield
        }) : () -> ()
        "tpu.trace_stop"() : () -> ()
        %ne3A_234 = arith.cmpi ne, %add3A_161, %add3A_179 : i32
        %or3A_235 = arith.constant false
        %or3A_236 = arith.ori %or3A_235, %ne3A_234 : i1
        %or3A_237 = arith.ori %or3A_236, %eq3A_160 : i1
        %convert_element_type3A_238 = arith.extui %or3A_237 : i1 to i32
        %cond3A_239 = arith.constant 0 : i32
        %cond3A_240 = arith.cmpi ne, %convert_element_type3A_238, %cond3A_239 : i32
        scf.if %cond3A_240 {
        } else {
        }
        %and3A_241 = arith.constant false
        %and3A_242 = arith.andi %or3A_237, %and3A_241 : i1
        %ne3A_243 = arith.cmpi ne, %add3A_161, %add3A_179 : i32
        %or3A_244 = arith.constant false
        %or3A_245 = arith.ori %or3A_244, %ne3A_243 : i1
        %or3A_246 = arith.ori %or3A_245, %eq3A_160 : i1
        %convert_element_type3A_247 = arith.extui %or3A_246 : i1 to i32
        %cond3A_248 = arith.constant 0 : i32
        %cond3A_249 = arith.cmpi ne, %convert_element_type3A_247, %cond3A_248 : i32
        scf.if %cond3A_249 {
        } else {
        }
        %and3A_250 = arith.constant false
        %and3A_251 = arith.andi %or3A_246, %and3A_250 : i1
        %ne3A_252 = arith.cmpi ne, %add3A_161, %add3A_170 : i32
        %or3A_253 = arith.constant false
        %or3A_254 = arith.ori %or3A_253, %ne3A_252 : i1
        %not3A_255 = arith.constant true
        %not3A_256 = arith.xori %eq3A_158, %not3A_255 : i1
        %and3A_257 = arith.andi %or3A_254, %not3A_256 : i1
        %convert_element_type3A_258 = arith.extui %and3A_257 : i1 to i32
        %cond3A_259 = arith.constant 0 : i32
        %cond3A_260 = arith.cmpi ne, %convert_element_type3A_258, %cond3A_259 : i32
        scf.if %cond3A_260 {
        } else {
        }
        %and3A_261 = arith.constant false
        %and3A_262 = arith.andi %and3A_257, %and3A_261 : i1
        %ne3A_263 = arith.cmpi ne, %add3A_161, %add3A_170 : i32
        %or3A_264 = arith.constant false
        %or3A_265 = arith.ori %or3A_264, %ne3A_263 : i1
        %not3A_266 = arith.constant true
        %not3A_267 = arith.xori %eq3A_158, %not3A_266 : i1
        %and3A_268 = arith.andi %or3A_265, %not3A_267 : i1
        %convert_element_type3A_269 = arith.extui %and3A_268 : i1 to i32
        %cond3A_270 = arith.constant 0 : i32
        %cond3A_271 = arith.cmpi ne, %convert_element_type3A_269, %cond3A_270 : i32
        scf.if %cond3A_271 {
        } else {
        }
        %and3A_272 = arith.constant false
        %and3A_273 = arith.andi %and3A_268, %and3A_272 : i1
        %ne3A_274 = arith.cmpi ne, %add3A_161, %add3A_179 : i32
        %or3A_275 = arith.constant false
        %or3A_276 = arith.ori %or3A_275, %ne3A_274 : i1
        %or3A_277 = arith.ori %or3A_276, %eq3A_160 : i1
        %add3A_278 = arith.constant 1 : i32
        %add3A_279 = arith.addi %scan3A_153, %add3A_278 : i32
        %select_n3A_280 = arith.select %or3A_277, %add3A_279, %scan3A_153 : i32
        %ne3A_281 = arith.cmpi ne, %add3A_161, %add3A_179 : i32
        %or3A_282 = arith.constant false
        %or3A_283 = arith.ori %or3A_282, %ne3A_281 : i1
        %or3A_284 = arith.ori %or3A_283, %eq3A_160 : i1
        %add3A_285 = arith.constant 1 : i32
        %add3A_286 = arith.addi %scan3A_155, %add3A_285 : i32
        %select_n3A_287 = arith.select %or3A_284, %add3A_286, %scan3A_155 : i32
        %add3A_288 = arith.constant 1 : i32
        %add3A_289 = arith.addi %scan3A_156, %add3A_288 : i32
        %select_n3A_290 = arith.constant true
        %select_n3A_291 = arith.select %select_n3A_290, %add3A_289, %scan3A_156 : i32
        %eq3A_292 = arith.constant 40 : i32
        %eq3A_293 = arith.cmpi eq, %select_n3A_291, %eq3A_292 : i32
        %select_n3A_294 = arith.constant 0 : i32
        %select_n3A_295 = arith.select %eq3A_293, %select_n3A_294, %select_n3A_291 : i32
        scf.yield %select_n3A_197, %select_n3A_280, %select_n3A_213, %select_n3A_287, %select_n3A_295 : i32, i32, i32, i32, i32
      }
      %scan3A_115 = arith.constant 40 : i32
      %sub3A = arith.constant 1 : i32
      %sub3A_116 = arith.subi %scan3A_114#4, %sub3A : i32
      %select_n3A_117 = arith.constant true
      %select_n3A_118 = arith.select %select_n3A_117, %sub3A_116, %scan3A_114#4 : i32
      %eq3A_119 = arith.constant -1 : i32
      %eq3A_120 = arith.cmpi eq, %select_n3A_118, %eq3A_119 : i32
      %select_n3A_121 = arith.constant 39 : i32
      %select_n3A_122 = arith.select %eq3A_120, %select_n3A_121, %select_n3A_118 : i32
      %add3A_123 = arith.addi %select_n3A_122, %mul3A_16 : i32
      %sub3A_124 = arith.constant 1 : i32
      %sub3A_125 = arith.subi %select_n3A_122, %sub3A_124 : i32
      %select_n3A_126 = arith.constant true
      %select_n3A_127 = arith.select %select_n3A_126, %sub3A_125, %select_n3A_122 : i32
      %eq3A_128 = arith.constant -1 : i32
      %eq3A_129 = arith.cmpi eq, %select_n3A_127, %eq3A_128 : i32
      %select_n3A_130 = arith.constant 39 : i32
      %select_n3A_131 = arith.select %eq3A_129, %select_n3A_130, %select_n3A_127 : i32
      %add3A_132 = arith.addi %select_n3A_131, %mul3A_16 : i32
      %add3A_133 = arith.constant 1 : i32
      %add3A_134 = arith.addi %select_n3A_122, %add3A_133 : i32
      %select_n3A_135 = arith.constant true
      %select_n3A_136 = arith.select %select_n3A_135, %add3A_134, %select_n3A_122 : i32
      %eq3A_137 = arith.constant 40 : i32
      %eq3A_138 = arith.cmpi eq, %select_n3A_136, %eq3A_137 : i32
      %select_n3A_139 = arith.constant 0 : i32
      %select_n3A_140 = arith.select %eq3A_138, %select_n3A_139, %select_n3A_136 : i32
      %add3A_141 = arith.addi %select_n3A_140, %mul3A_16 : i32
      %add3A_142 = arith.constant 1 : i32
      %add3A_143 = arith.addi %select_n3A_140, %add3A_142 : i32
      %select_n3A_144 = arith.constant true
      %select_n3A_145 = arith.select %select_n3A_144, %add3A_143, %select_n3A_140 : i32
      %eq3A_146 = arith.constant 40 : i32
      %eq3A_147 = arith.cmpi eq, %select_n3A_145, %eq3A_146 : i32
      %select_n3A_148 = arith.constant 0 : i32
      %select_n3A_149 = arith.select %eq3A_147, %select_n3A_148, %select_n3A_145 : i32
      %add3A_150 = arith.addi %select_n3A_149, %mul3A_16 : i32
      tpu.yield
    }) : () -> ()
    %barrier3A_17 = arith.constant 0 : index
    tpu.barrier barrier_id(%barrier3A_17)
    %mul3A_18 = arith.constant 10240 : i32
    %mul3A_19 = arith.muli %arg0, %mul3A_18 : i32
    %add3A_20 = arith.addi %mul3A_19, %mul3A_0 : i32
    %dma_start3A_21 = arith.constant 0 : i32
    %dma_start3A_22 = tpu.memref_slice %arg6[%add3A_20, %dma_start3A_21] : memref<20480x128xf32, #tpu.memory_space<hbm>> -> memref<640x128xf32, #tpu.memory_space<hbm>>
    %dma_start3A_23 = arith.constant 0 : i32
    %dma_start3A_24 = tpu.memref_slice %arg9[%mul3A_0, %dma_start3A_23] : memref<10240x128xf32, #tpu.memory_space<vmem_shared>> -> memref<640x128xf32, #tpu.memory_space<vmem_shared>>
    tpu.enqueue_dma source(%dma_start3A_24 : memref<640x128xf32, #tpu.memory_space<vmem_shared>>) target(%dma_start3A_22 : memref<640x128xf32, #tpu.memory_space<hbm>>) target_semaphore(%arg10 : memref<!tpu.dma_semaphore, #tpu.memory_space<semaphore_mem>>)
    %dma_wait3A_25 = arith.constant 0 : i32
    %dma_wait3A_26 = tpu.memref_slice %arg6[%add3A_20, %dma_wait3A_25] : memref<20480x128xf32, #tpu.memory_space<hbm>> -> memref<640x128xf32, #tpu.memory_space<hbm>>
    %dma_wait3A_27 = arith.constant 0 : i32
    %dma_wait3A_28 = tpu.memref_slice %arg9[%mul3A_0, %dma_wait3A_27] : memref<10240x128xf32, #tpu.memory_space<vmem_shared>> -> memref<640x128xf32, #tpu.memory_space<vmem_shared>>
    tpu.wait_dma2 semaphore(%arg10 : memref<!tpu.dma_semaphore, #tpu.memory_space<semaphore_mem>>) src(%dma_wait3A_28 : memref<640x128xf32, #tpu.memory_space<vmem_shared>>) dst(%dma_wait3A_26 : memref<640x128xf32, #tpu.memory_space<hbm>>)
    return
  }
}

module attributes {stable_mosaic.version = 14 : i64} {
  func.func @_l1_body(%arg0: i32, %arg1: memref<2000x256xf32, #tpu.memory_space<vmem>>, %arg2: memref<2x2000x128xf32, #tpu.memory_space<vmem>>, %arg3: memref<2x2000x128xf32, #tpu.memory_space<vmem>>, %arg4: memref<256x512xf32, #tpu.memory_space<vmem>>, %arg5: memref<256x512xf32, #tpu.memory_space<vmem>>, %arg6: memref<1x512xf32, #tpu.memory_space<vmem>>, %arg7: memref<2000x512xf32, #tpu.memory_space<vmem>>, %arg8: memref<1x512xf32, #tpu.memory_space<vmem>>, %arg9: memref<1x512xf32, #tpu.memory_space<vmem>>) attributes {dimension_semantics = [#tpu.dimension_semantics<arbitrary>], iteration_bounds = array<i64: 5>, scalar_prefetch = 0 : i64, scratch_operands = 0 : i64, tpu.core_type = #tpu.core_type<tc>, window_params = [{transform_indices = @transform_0, window_bounds = array<i64: 2000, 256>}, {transform_indices = @transform_1, window_bounds = array<i64: 2, 2000, 128>}, {transform_indices = @transform_2, window_bounds = array<i64: 2, 2000, 128>}, {pipeline_mode = #tpu.pipeline_mode<synchronous>, transform_indices = @transform_3, window_bounds = array<i64: 256, 512>}, {pipeline_mode = #tpu.pipeline_mode<synchronous>, transform_indices = @transform_4, window_bounds = array<i64: 256, 512>}, {pipeline_mode = #tpu.pipeline_mode<synchronous>, transform_indices = @transform_5, window_bounds = array<i64: 1, 512>}, {transform_indices = @transform_6, window_bounds = array<i64: 2000, 512>}, {pipeline_mode = #tpu.pipeline_mode<synchronous>, transform_indices = @transform_7, window_bounds = array<i64: 1, 512>}, {pipeline_mode = #tpu.pipeline_mode<synchronous>, transform_indices = @transform_8, window_bounds = array<i64: 1, 512>}]} {
    %get3A = arith.constant 0 : index
    %get3A_0 = arith.constant 0 : index
    %get3A_1 = arith.constant 0 : index
    %get3A_2 = vector.load %arg3[%get3A, %get3A_0, %get3A_1] : memref<2x2000x128xf32, #tpu.memory_space<vmem>>, vector<1x2000x128xf32>
    %get3A_3 = vector.shape_cast %get3A_2 : vector<1x2000x128xf32> to vector<2000x128xf32>
    %slice3A = vector.extract_strided_slice %get3A_3 {offsets = [0, 0], sizes = [2000, 1], strides = [1, 1]} : vector<2000x128xf32> to vector<2000x1xf32>
    %get3A_4 = arith.constant 1 : index
    %get3A_5 = arith.constant 0 : index
    %get3A_6 = arith.constant 0 : index
    %get3A_7 = vector.load %arg3[%get3A_4, %get3A_5, %get3A_6] : memref<2x2000x128xf32, #tpu.memory_space<vmem>>, vector<1x2000x128xf32>
    %get3A_8 = vector.shape_cast %get3A_7 : vector<1x2000x128xf32> to vector<2000x128xf32>
    %slice3A_9 = vector.extract_strided_slice %get3A_8 {offsets = [0, 0], sizes = [2000, 1], strides = [1, 1]} : vector<2000x128xf32> to vector<2000x1xf32>
    %add3A = arith.addf %slice3A, %slice3A_9 : vector<2000x1xf32>
    %max3A = arith.constant 1.000000e+00 : f32
    %max3A_10 = vector.broadcast %max3A : f32 to vector<2000x1xf32>
    %max3A_11 = arith.maximumf %add3A, %max3A_10 : vector<2000x1xf32>
    %div3A = arith.constant 1.000000e+00 : f32
    %div3A_12 = vector.broadcast %div3A : f32 to vector<2000x1xf32>
    %div3A_13 = arith.divf %div3A_12, %max3A_11 : vector<2000x1xf32>
    %get3A_14 = arith.constant 0 : index
    %get3A_15 = arith.constant 0 : index
    %get3A_16 = arith.constant 0 : index
    %get3A_17 = vector.load %arg2[%get3A_14, %get3A_15, %get3A_16] : memref<2x2000x128xf32, #tpu.memory_space<vmem>>, vector<1x2000x128xf32>
    %get3A_18 = vector.shape_cast %get3A_17 : vector<1x2000x128xf32> to vector<2000x128xf32>
    %get3A_19 = arith.constant 1 : index
    %get3A_20 = arith.constant 0 : index
    %get3A_21 = arith.constant 0 : index
    %get3A_22 = vector.load %arg2[%get3A_19, %get3A_20, %get3A_21] : memref<2x2000x128xf32, #tpu.memory_space<vmem>>, vector<1x2000x128xf32>
    %get3A_23 = vector.shape_cast %get3A_22 : vector<1x2000x128xf32> to vector<2000x128xf32>
    %concatenate3A = tpu.concatenate %get3A_18, %get3A_23 in 1 : vector<2000x128xf32>, vector<2000x128xf32> -> vector<2000x256xf32>
    %mul3A = vector.broadcast %div3A_13 : vector<2000x1xf32> to vector<2000x256xf32>
    %mul3A_24 = arith.mulf %concatenate3A, %mul3A : vector<2000x256xf32>
    %get3A_25 = arith.constant 0 : index
    %get3A_26 = arith.constant 0 : index
    %get3A_27 = vector.load %arg4[%get3A_25, %get3A_26] : memref<256x512xf32, #tpu.memory_space<vmem>>, vector<256x512xf32>
    %dot_general3A = arith.constant dense<0.000000e+00> : vector<2000x512xf32>
    %dot_general3A_28 = tpu.matmul %mul3A_24, %get3A_27, %dot_general3A {dimension_numbers = #tpu.dot_dimension_numbers<[1], [0], [0], [1], [0, 0, 1, 1], [], []>, transpose_lhs_hint = false} : vector<2000x256xf32>, vector<256x512xf32>, vector<2000x512xf32> -> vector<2000x512xf32>
    %get3A_29 = arith.constant 0 : index
    %get3A_30 = arith.constant 0 : index
    %get3A_31 = vector.load %arg1[%get3A_29, %get3A_30] : memref<2000x256xf32, #tpu.memory_space<vmem>>, vector<2000x256xf32>
    %get3A_32 = arith.constant 0 : index
    %get3A_33 = arith.constant 0 : index
    %get3A_34 = vector.load %arg5[%get3A_32, %get3A_33] : memref<256x512xf32, #tpu.memory_space<vmem>>, vector<256x512xf32>
    %dot_general3A_35 = arith.constant dense<0.000000e+00> : vector<2000x512xf32>
    %dot_general3A_36 = tpu.matmul %get3A_31, %get3A_34, %dot_general3A_35 {dimension_numbers = #tpu.dot_dimension_numbers<[1], [0], [0], [1], [0, 0, 1, 1], [], []>, transpose_lhs_hint = false} : vector<2000x256xf32>, vector<256x512xf32>, vector<2000x512xf32> -> vector<2000x512xf32>
    %add3A_37 = arith.addf %dot_general3A_28, %dot_general3A_36 : vector<2000x512xf32>
    %get3A_38 = arith.constant 0 : index
    %get3A_39 = arith.constant 0 : index
    %get3A_40 = vector.load %arg6[%get3A_38, %get3A_39] : memref<1x512xf32, #tpu.memory_space<vmem>>, vector<1x512xf32>
    %add3A_41 = vector.broadcast %get3A_40 : vector<1x512xf32> to vector<2000x512xf32>
    %add3A_42 = arith.addf %add3A_37, %add3A_41 : vector<2000x512xf32>
    %max3A_43 = arith.constant 0.000000e+00 : f32
    %max3A_44 = vector.broadcast %max3A_43 : f32 to vector<2000x512xf32>
    %max3A_45 = arith.maximumf %add3A_42, %max3A_44 : vector<2000x512xf32>
    %swap3A = arith.constant 0 : index
    %swap3A_46 = arith.constant 0 : index
    %swap3A_47 = vector.load %arg7[%swap3A, %swap3A_46] : memref<2000x512xf32, #tpu.memory_space<vmem>>, vector<2000x512xf32>
    tpu.vector_store %arg7[%swap3A, %swap3A_46], %max3A_45 {strides = array<i32>} : memref<2000x512xf32, #tpu.memory_space<vmem>>, vector<2000x512xf32>,
    %eq3A = arith.constant 0 : i32
    %eq3A_48 = arith.cmpi eq, %arg0, %eq3A : i32
    %convert_element_type3A = arith.extui %eq3A_48 : i1 to i32
    %cond3A = arith.constant 0 : i32
    %cond3A_49 = arith.cmpi ne, %convert_element_type3A, %cond3A : i32
    scf.if %cond3A_49 {
      %broadcast_in_dim3A_69 = arith.constant 0.000000e+00 : f32
      %broadcast_in_dim3A_70 = vector.broadcast %broadcast_in_dim3A_69 : f32 to vector<1x512xf32>
      %swap3A_71 = arith.constant 0 : index
      %swap3A_72 = arith.constant 0 : index
      %swap3A_73 = vector.load %arg8[%swap3A_71, %swap3A_72] : memref<1x512xf32, #tpu.memory_space<vmem>>, vector<1x512xf32>
      tpu.vector_store %arg8[%swap3A_71, %swap3A_72], %broadcast_in_dim3A_70 {strides = array<i32>} : memref<1x512xf32, #tpu.memory_space<vmem>>, vector<1x512xf32>,
      %broadcast_in_dim3A_74 = arith.constant 0.000000e+00 : f32
      %broadcast_in_dim3A_75 = vector.broadcast %broadcast_in_dim3A_74 : f32 to vector<1x512xf32>
      %swap3A_76 = arith.constant 0 : index
      %swap3A_77 = arith.constant 0 : index
      %swap3A_78 = vector.load %arg9[%swap3A_76, %swap3A_77] : memref<1x512xf32, #tpu.memory_space<vmem>>, vector<1x512xf32>
      tpu.vector_store %arg9[%swap3A_76, %swap3A_77], %broadcast_in_dim3A_75 {strides = array<i32>} : memref<1x512xf32, #tpu.memory_space<vmem>>, vector<1x512xf32>,
    } else {
    }
    %get3A_50 = arith.constant 0 : index
    %get3A_51 = arith.constant 0 : index
    %get3A_52 = vector.load %arg8[%get3A_50, %get3A_51] : memref<1x512xf32, #tpu.memory_space<vmem>>, vector<1x512xf32>
    %reduce_sum3A = arith.constant dense<0.000000e+00> : vector<512xf32>
    %reduce_sum3A_53 = vector.multi_reduction <add>, %max3A_45, %reduce_sum3A [0] : vector<2000x512xf32> to vector<512xf32>
    %broadcast_in_dim3A = vector.shape_cast %reduce_sum3A_53 : vector<512xf32> to vector<1x512xf32>
    %add3A_54 = arith.addf %get3A_52, %broadcast_in_dim3A : vector<1x512xf32>
    %swap3A_55 = arith.constant 0 : index
    %swap3A_56 = arith.constant 0 : index
    %swap3A_57 = vector.load %arg8[%swap3A_55, %swap3A_56] : memref<1x512xf32, #tpu.memory_space<vmem>>, vector<1x512xf32>
    tpu.vector_store %arg8[%swap3A_55, %swap3A_56], %add3A_54 {strides = array<i32>} : memref<1x512xf32, #tpu.memory_space<vmem>>, vector<1x512xf32>,
    %get3A_58 = arith.constant 0 : index
    %get3A_59 = arith.constant 0 : index
    %get3A_60 = vector.load %arg9[%get3A_58, %get3A_59] : memref<1x512xf32, #tpu.memory_space<vmem>>, vector<1x512xf32>
    %mul3A_61 = arith.mulf %max3A_45, %max3A_45 : vector<2000x512xf32>
    %reduce_sum3A_62 = arith.constant dense<0.000000e+00> : vector<512xf32>
    %reduce_sum3A_63 = vector.multi_reduction <add>, %mul3A_61, %reduce_sum3A_62 [0] : vector<2000x512xf32> to vector<512xf32>
    %broadcast_in_dim3A_64 = vector.shape_cast %reduce_sum3A_63 : vector<512xf32> to vector<1x512xf32>
    %add3A_65 = arith.addf %get3A_60, %broadcast_in_dim3A_64 : vector<1x512xf32>
    %swap3A_66 = arith.constant 0 : index
    %swap3A_67 = arith.constant 0 : index
    %swap3A_68 = vector.load %arg9[%swap3A_66, %swap3A_67] : memref<1x512xf32, #tpu.memory_space<vmem>>, vector<1x512xf32>
    tpu.vector_store %arg9[%swap3A_66, %swap3A_67], %add3A_65 {strides = array<i32>} : memref<1x512xf32, #tpu.memory_space<vmem>>, vector<1x512xf32>,
    return
  }
  func.func @transform_0(%arg0: i32) -> (i32, i32) {
    %c0_i32 = arith.constant 0 : i32
    %c0_i32_0 = arith.constant 0 : i32
    return %arg0, %c0_i32 : i32, i32
  }
  func.func @transform_1(%arg0: i32) -> (i32, i32, i32) {
    %c0_i32 = arith.constant 0 : i32
    %c0_i32_0 = arith.constant 0 : i32
    %c0_i32_1 = arith.constant 0 : i32
    return %c0_i32, %arg0, %c0_i32_0 : i32, i32, i32
  }
  func.func @transform_2(%arg0: i32) -> (i32, i32, i32) {
    %c0_i32 = arith.constant 0 : i32
    %c0_i32_0 = arith.constant 0 : i32
    %c0_i32_1 = arith.constant 0 : i32
    return %c0_i32, %arg0, %c0_i32_0 : i32, i32, i32
  }
  func.func @transform_3(%arg0: i32) -> (i32, i32) {
    %c0_i32 = arith.constant 0 : i32
    %c0_i32_0 = arith.constant 0 : i32
    %c0_i32_1 = arith.constant 0 : i32
    return %c0_i32, %c0_i32_0 : i32, i32
  }
  func.func @transform_4(%arg0: i32) -> (i32, i32) {
    %c0_i32 = arith.constant 0 : i32
    %c0_i32_0 = arith.constant 0 : i32
    %c0_i32_1 = arith.constant 0 : i32
    return %c0_i32, %c0_i32_0 : i32, i32
  }
  func.func @transform_5(%arg0: i32) -> (i32, i32) {
    %c0_i32 = arith.constant 0 : i32
    %c0_i32_0 = arith.constant 0 : i32
    %c0_i32_1 = arith.constant 0 : i32
    return %c0_i32, %c0_i32_0 : i32, i32
  }
  func.func @transform_6(%arg0: i32) -> (i32, i32) {
    %c0_i32 = arith.constant 0 : i32
    %c0_i32_0 = arith.constant 0 : i32
    return %arg0, %c0_i32 : i32, i32
  }
  func.func @transform_7(%arg0: i32) -> (i32, i32) {
    %c0_i32 = arith.constant 0 : i32
    %c0_i32_0 = arith.constant 0 : i32
    %c0_i32_1 = arith.constant 0 : i32
    return %c0_i32, %c0_i32_0 : i32, i32
  }
  func.func @transform_8(%arg0: i32) -> (i32, i32) {
    %c0_i32 = arith.constant 0 : i32
    %c0_i32_0 = arith.constant 0 : i32
    %c0_i32_1 = arith.constant 0 : i32
    return %c0_i32, %c0_i32_0 : i32, i32
  }
}

module attributes {stable_mosaic.version = 14 : i64} {
  func.func @_mm_body_split(%arg0: i32, %arg1: memref<2000x512xf32, #tpu.memory_space<vmem>>, %arg2: memref<1x512xf32, #tpu.memory_space<vmem>>, %arg3: memref<1x512xf32, #tpu.memory_space<vmem>>, %arg4: memref<1x512xf32, #tpu.memory_space<vmem>>, %arg5: memref<1x512xf32, #tpu.memory_space<vmem>>, %arg6: memref<512x256xf32, #tpu.memory_space<vmem>>, %arg7: memref<512x256xf32, #tpu.memory_space<vmem>>, %arg8: memref<2x2000x128xf32, #tpu.memory_space<vmem>>, %arg9: memref<2000x256xf32, #tpu.memory_space<vmem>>) attributes {dimension_semantics = [#tpu.dimension_semantics<arbitrary>], iteration_bounds = array<i64: 5>, scalar_prefetch = 0 : i64, scratch_operands = 0 : i64, tpu.core_type = #tpu.core_type<tc>, window_params = [{transform_indices = @transform_0, window_bounds = array<i64: 2000, 512>}, {pipeline_mode = #tpu.pipeline_mode<synchronous>, transform_indices = @transform_1, window_bounds = array<i64: 1, 512>}, {pipeline_mode = #tpu.pipeline_mode<synchronous>, transform_indices = @transform_2, window_bounds = array<i64: 1, 512>}, {pipeline_mode = #tpu.pipeline_mode<synchronous>, transform_indices = @transform_3, window_bounds = array<i64: 1, 512>}, {pipeline_mode = #tpu.pipeline_mode<synchronous>, transform_indices = @transform_4, window_bounds = array<i64: 1, 512>}, {pipeline_mode = #tpu.pipeline_mode<synchronous>, transform_indices = @transform_5, window_bounds = array<i64: 512, 256>}, {pipeline_mode = #tpu.pipeline_mode<synchronous>, transform_indices = @transform_6, window_bounds = array<i64: 512, 256>}, {transform_indices = @transform_7, window_bounds = array<i64: 2, 2000, 128>}, {transform_indices = @transform_8, window_bounds = array<i64: 2000, 256>}]} {
    %get3A = arith.constant 0 : index
    %get3A_0 = arith.constant 0 : index
    %get3A_1 = vector.load %arg2[%get3A, %get3A_0] : memref<1x512xf32, #tpu.memory_space<vmem>>, vector<1x512xf32>
    %mul3A = arith.constant 9.99999974E-5 : f32
    %mul3A_2 = vector.broadcast %mul3A : f32 to vector<1x512xf32>
    %mul3A_3 = arith.mulf %get3A_1, %mul3A_2 : vector<1x512xf32>
    %get3A_4 = arith.constant 0 : index
    %get3A_5 = arith.constant 0 : index
    %get3A_6 = vector.load %arg3[%get3A_4, %get3A_5] : memref<1x512xf32, #tpu.memory_space<vmem>>, vector<1x512xf32>
    %mul3A_7 = arith.constant 9.99999974E-5 : f32
    %mul3A_8 = vector.broadcast %mul3A_7 : f32 to vector<1x512xf32>
    %mul3A_9 = arith.mulf %get3A_6, %mul3A_8 : vector<1x512xf32>
    %mul3A_10 = arith.mulf %mul3A_3, %mul3A_3 : vector<1x512xf32>
    %sub3A = arith.subf %mul3A_9, %mul3A_10 : vector<1x512xf32>
    %get3A_11 = arith.constant 0 : index
    %get3A_12 = arith.constant 0 : index
    %get3A_13 = vector.load %arg4[%get3A_11, %get3A_12] : memref<1x512xf32, #tpu.memory_space<vmem>>, vector<1x512xf32>
    %add3A = arith.constant 9.99999974E-6 : f32
    %add3A_14 = vector.broadcast %add3A : f32 to vector<1x512xf32>
    %add3A_15 = arith.addf %sub3A, %add3A_14 : vector<1x512xf32>
    %rsqrt3A = math.rsqrt %add3A_15 : vector<1x512xf32>
    %mul3A_16 = arith.mulf %get3A_13, %rsqrt3A : vector<1x512xf32>
    %get3A_17 = arith.constant 0 : index
    %get3A_18 = arith.constant 0 : index
    %get3A_19 = vector.load %arg5[%get3A_17, %get3A_18] : memref<1x512xf32, #tpu.memory_space<vmem>>, vector<1x512xf32>
    %mul3A_20 = arith.mulf %mul3A_3, %mul3A_16 : vector<1x512xf32>
    %sub3A_21 = arith.subf %get3A_19, %mul3A_20 : vector<1x512xf32>
    %get3A_22 = arith.constant 0 : index
    %get3A_23 = arith.constant 0 : index
    %get3A_24 = vector.load %arg1[%get3A_22, %get3A_23] : memref<2000x512xf32, #tpu.memory_space<vmem>>, vector<2000x512xf32>
    %mul3A_25 = vector.broadcast %mul3A_16 : vector<1x512xf32> to vector<2000x512xf32>
    %mul3A_26 = arith.mulf %get3A_24, %mul3A_25 : vector<2000x512xf32>
    %add3A_27 = vector.broadcast %sub3A_21 : vector<1x512xf32> to vector<2000x512xf32>
    %add3A_28 = arith.addf %mul3A_26, %add3A_27 : vector<2000x512xf32>
    %get3A_29 = arith.constant 0 : index
    %get3A_30 = arith.constant 0 : index
    %get3A_31 = vector.load %arg6[%get3A_29, %get3A_30] : memref<512x256xf32, #tpu.memory_space<vmem>>, vector<512x256xf32>
    %dot_general3A = arith.constant dense<0.000000e+00> : vector<2000x256xf32>
    %dot_general3A_32 = tpu.matmul %add3A_28, %get3A_31, %dot_general3A {dimension_numbers = #tpu.dot_dimension_numbers<[1], [0], [0], [1], [0, 0, 1, 1], [], []>, transpose_lhs_hint = false} : vector<2000x512xf32>, vector<512x256xf32>, vector<2000x256xf32> -> vector<2000x256xf32>
    %get3A_33 = arith.constant 0 : index
    %get3A_34 = arith.constant 0 : index
    %get3A_35 = vector.load %arg7[%get3A_33, %get3A_34] : memref<512x256xf32, #tpu.memory_space<vmem>>, vector<512x256xf32>
    %dot_general3A_36 = arith.constant dense<0.000000e+00> : vector<2000x256xf32>
    %dot_general3A_37 = tpu.matmul %add3A_28, %get3A_35, %dot_general3A_36 {dimension_numbers = #tpu.dot_dimension_numbers<[1], [0], [0], [1], [0, 0, 1, 1], [], []>, transpose_lhs_hint = false} : vector<2000x512xf32>, vector<512x256xf32>, vector<2000x256xf32> -> vector<2000x256xf32>
    %slice3A = vector.extract_strided_slice %dot_general3A_32 {offsets = [0, 0], sizes = [2000, 128], strides = [1, 1]} : vector<2000x256xf32> to vector<2000x128xf32>
    %swap3A = arith.constant 0 : index
    %swap3A_38 = arith.constant 0 : index
    %swap3A_39 = arith.constant 0 : index
    %swap3A_40 = vector.load %arg8[%swap3A, %swap3A_38, %swap3A_39] : memref<2x2000x128xf32, #tpu.memory_space<vmem>>, vector<1x2000x128xf32>
    %swap3A_41 = vector.shape_cast %swap3A_40 : vector<1x2000x128xf32> to vector<2000x128xf32>
    %swap3A_42 = vector.shape_cast %slice3A : vector<2000x128xf32> to vector<1x2000x128xf32>
    tpu.vector_store %arg8[%swap3A, %swap3A_38, %swap3A_39], %swap3A_42 {strides = array<i32>} : memref<2x2000x128xf32, #tpu.memory_space<vmem>>, vector<1x2000x128xf32>,
    %slice3A_43 = vector.extract_strided_slice %dot_general3A_32 {offsets = [0, 128], sizes = [2000, 128], strides = [1, 1]} : vector<2000x256xf32> to vector<2000x128xf32>
    %swap3A_44 = arith.constant 1 : index
    %swap3A_45 = arith.constant 0 : index
    %swap3A_46 = arith.constant 0 : index
    %swap3A_47 = vector.load %arg8[%swap3A_44, %swap3A_45, %swap3A_46] : memref<2x2000x128xf32, #tpu.memory_space<vmem>>, vector<1x2000x128xf32>
    %swap3A_48 = vector.shape_cast %swap3A_47 : vector<1x2000x128xf32> to vector<2000x128xf32>
    %swap3A_49 = vector.shape_cast %slice3A_43 : vector<2000x128xf32> to vector<1x2000x128xf32>
    tpu.vector_store %arg8[%swap3A_44, %swap3A_45, %swap3A_46], %swap3A_49 {strides = array<i32>} : memref<2x2000x128xf32, #tpu.memory_space<vmem>>, vector<1x2000x128xf32>,
    %swap3A_50 = arith.constant 0 : index
    %swap3A_51 = arith.constant 0 : index
    %swap3A_52 = vector.load %arg9[%swap3A_50, %swap3A_51] : memref<2000x256xf32, #tpu.memory_space<vmem>>, vector<2000x256xf32>
    tpu.vector_store %arg9[%swap3A_50, %swap3A_51], %dot_general3A_37 {strides = array<i32>} : memref<2000x256xf32, #tpu.memory_space<vmem>>, vector<2000x256xf32>,
    return
  }
  func.func @transform_0(%arg0: i32) -> (i32, i32) {
    %c0_i32 = arith.constant 0 : i32
    %c0_i32_0 = arith.constant 0 : i32
    return %arg0, %c0_i32 : i32, i32
  }
  func.func @transform_1(%arg0: i32) -> (i32, i32) {
    %c0_i32 = arith.constant 0 : i32
    %c0_i32_0 = arith.constant 0 : i32
    %c0_i32_1 = arith.constant 0 : i32
    return %c0_i32, %c0_i32_0 : i32, i32
  }
  func.func @transform_2(%arg0: i32) -> (i32, i32) {
    %c0_i32 = arith.constant 0 : i32
    %c0_i32_0 = arith.constant 0 : i32
    %c0_i32_1 = arith.constant 0 : i32
    return %c0_i32, %c0_i32_0 : i32, i32
  }
  func.func @transform_3(%arg0: i32) -> (i32, i32) {
    %c0_i32 = arith.constant 0 : i32
    %c0_i32_0 = arith.constant 0 : i32
    %c0_i32_1 = arith.constant 0 : i32
    return %c0_i32, %c0_i32_0 : i32, i32
  }
  func.func @transform_4(%arg0: i32) -> (i32, i32) {
    %c0_i32 = arith.constant 0 : i32
    %c0_i32_0 = arith.constant 0 : i32
    %c0_i32_1 = arith.constant 0 : i32
    return %c0_i32, %c0_i32_0 : i32, i32
  }
  func.func @transform_5(%arg0: i32) -> (i32, i32) {
    %c0_i32 = arith.constant 0 : i32
    %c0_i32_0 = arith.constant 0 : i32
    %c0_i32_1 = arith.constant 0 : i32
    return %c0_i32, %c0_i32_0 : i32, i32
  }
  func.func @transform_6(%arg0: i32) -> (i32, i32) {
    %c0_i32 = arith.constant 0 : i32
    %c0_i32_0 = arith.constant 0 : i32
    %c0_i32_1 = arith.constant 0 : i32
    return %c0_i32, %c0_i32_0 : i32, i32
  }
  func.func @transform_7(%arg0: i32) -> (i32, i32, i32) {
    %c0_i32 = arith.constant 0 : i32
    %c0_i32_0 = arith.constant 0 : i32
    %c0_i32_1 = arith.constant 0 : i32
    return %c0_i32, %arg0, %c0_i32_0 : i32, i32, i32
  }
  func.func @transform_8(%arg0: i32) -> (i32, i32) {
    %c0_i32 = arith.constant 0 : i32
    %c0_i32_0 = arith.constant 0 : i32
    return %arg0, %c0_i32 : i32, i32
  }
}

module attributes {stable_mosaic.version = 14 : i64} {
  func.func @_comb_body(%arg0: i32, %arg1: memref<2x2000x128xf32, #tpu.memory_space<vmem>>, %arg2: memref<2x2000x128xf32, #tpu.memory_space<vmem>>, %arg3: memref<2000x256xf32, #tpu.memory_space<vmem>>, %arg4: memref<1x256xf32, #tpu.memory_space<vmem>>, %arg5: memref<2000x256xf32, #tpu.memory_space<vmem>>, %arg6: memref<1x256xf32, #tpu.memory_space<vmem>>, %arg7: memref<1x256xf32, #tpu.memory_space<vmem>>) attributes {dimension_semantics = [#tpu.dimension_semantics<arbitrary>], iteration_bounds = array<i64: 5>, scalar_prefetch = 0 : i64, scratch_operands = 0 : i64, tpu.core_type = #tpu.core_type<tc>, window_params = [{transform_indices = @transform_0, window_bounds = array<i64: 2, 2000, 128>}, {transform_indices = @transform_1, window_bounds = array<i64: 2, 2000, 128>}, {transform_indices = @transform_2, window_bounds = array<i64: 2000, 256>}, {pipeline_mode = #tpu.pipeline_mode<synchronous>, transform_indices = @transform_3, window_bounds = array<i64: 1, 256>}, {transform_indices = @transform_4, window_bounds = array<i64: 2000, 256>}, {pipeline_mode = #tpu.pipeline_mode<synchronous>, transform_indices = @transform_5, window_bounds = array<i64: 1, 256>}, {pipeline_mode = #tpu.pipeline_mode<synchronous>, transform_indices = @transform_6, window_bounds = array<i64: 1, 256>}]} {
    %get3A = arith.constant 0 : index
    %get3A_0 = arith.constant 0 : index
    %get3A_1 = arith.constant 0 : index
    %get3A_2 = vector.load %arg2[%get3A, %get3A_0, %get3A_1] : memref<2x2000x128xf32, #tpu.memory_space<vmem>>, vector<1x2000x128xf32>
    %get3A_3 = vector.shape_cast %get3A_2 : vector<1x2000x128xf32> to vector<2000x128xf32>
    %slice3A = vector.extract_strided_slice %get3A_3 {offsets = [0, 0], sizes = [2000, 1], strides = [1, 1]} : vector<2000x128xf32> to vector<2000x1xf32>
    %get3A_4 = arith.constant 1 : index
    %get3A_5 = arith.constant 0 : index
    %get3A_6 = arith.constant 0 : index
    %get3A_7 = vector.load %arg2[%get3A_4, %get3A_5, %get3A_6] : memref<2x2000x128xf32, #tpu.memory_space<vmem>>, vector<1x2000x128xf32>
    %get3A_8 = vector.shape_cast %get3A_7 : vector<1x2000x128xf32> to vector<2000x128xf32>
    %slice3A_9 = vector.extract_strided_slice %get3A_8 {offsets = [0, 0], sizes = [2000, 1], strides = [1, 1]} : vector<2000x128xf32> to vector<2000x1xf32>
    %add3A = arith.addf %slice3A, %slice3A_9 : vector<2000x1xf32>
    %max3A = arith.constant 1.000000e+00 : f32
    %max3A_10 = vector.broadcast %max3A : f32 to vector<2000x1xf32>
    %max3A_11 = arith.maximumf %add3A, %max3A_10 : vector<2000x1xf32>
    %div3A = arith.constant 1.000000e+00 : f32
    %div3A_12 = vector.broadcast %div3A : f32 to vector<2000x1xf32>
    %div3A_13 = arith.divf %div3A_12, %max3A_11 : vector<2000x1xf32>
    %get3A_14 = arith.constant 0 : index
    %get3A_15 = arith.constant 0 : index
    %get3A_16 = arith.constant 0 : index
    %get3A_17 = vector.load %arg1[%get3A_14, %get3A_15, %get3A_16] : memref<2x2000x128xf32, #tpu.memory_space<vmem>>, vector<1x2000x128xf32>
    %get3A_18 = vector.shape_cast %get3A_17 : vector<1x2000x128xf32> to vector<2000x128xf32>
    %get3A_19 = arith.constant 1 : index
    %get3A_20 = arith.constant 0 : index
    %get3A_21 = arith.constant 0 : index
    %get3A_22 = vector.load %arg1[%get3A_19, %get3A_20, %get3A_21] : memref<2x2000x128xf32, #tpu.memory_space<vmem>>, vector<1x2000x128xf32>
    %get3A_23 = vector.shape_cast %get3A_22 : vector<1x2000x128xf32> to vector<2000x128xf32>
    %concatenate3A = tpu.concatenate %get3A_18, %get3A_23 in 1 : vector<2000x128xf32>, vector<2000x128xf32> -> vector<2000x256xf32>
    %mul3A = vector.broadcast %div3A_13 : vector<2000x1xf32> to vector<2000x256xf32>
    %mul3A_24 = arith.mulf %concatenate3A, %mul3A : vector<2000x256xf32>
    %get3A_25 = arith.constant 0 : index
    %get3A_26 = arith.constant 0 : index
    %get3A_27 = vector.load %arg3[%get3A_25, %get3A_26] : memref<2000x256xf32, #tpu.memory_space<vmem>>, vector<2000x256xf32>
    %add3A_28 = arith.addf %mul3A_24, %get3A_27 : vector<2000x256xf32>
    %get3A_29 = arith.constant 0 : index
    %get3A_30 = arith.constant 0 : index
    %get3A_31 = vector.load %arg4[%get3A_29, %get3A_30] : memref<1x256xf32, #tpu.memory_space<vmem>>, vector<1x256xf32>
    %add3A_32 = vector.broadcast %get3A_31 : vector<1x256xf32> to vector<2000x256xf32>
    %add3A_33 = arith.addf %add3A_28, %add3A_32 : vector<2000x256xf32>
    %max3A_34 = arith.constant 0.000000e+00 : f32
    %max3A_35 = vector.broadcast %max3A_34 : f32 to vector<2000x256xf32>
    %max3A_36 = arith.maximumf %add3A_33, %max3A_35 : vector<2000x256xf32>
    %swap3A = arith.constant 0 : index
    %swap3A_37 = arith.constant 0 : index
    %swap3A_38 = vector.load %arg5[%swap3A, %swap3A_37] : memref<2000x256xf32, #tpu.memory_space<vmem>>, vector<2000x256xf32>
    tpu.vector_store %arg5[%swap3A, %swap3A_37], %max3A_36 {strides = array<i32>} : memref<2000x256xf32, #tpu.memory_space<vmem>>, vector<2000x256xf32>,
    %eq3A = arith.constant 0 : i32
    %eq3A_39 = arith.cmpi eq, %arg0, %eq3A : i32
    %convert_element_type3A = arith.extui %eq3A_39 : i1 to i32
    %cond3A = arith.constant 0 : i32
    %cond3A_40 = arith.cmpi ne, %convert_element_type3A, %cond3A : i32
    scf.if %cond3A_40 {
      %broadcast_in_dim3A_60 = arith.constant 0.000000e+00 : f32
      %broadcast_in_dim3A_61 = vector.broadcast %broadcast_in_dim3A_60 : f32 to vector<1x256xf32>
      %swap3A_62 = arith.constant 0 : index
      %swap3A_63 = arith.constant 0 : index
      %swap3A_64 = vector.load %arg6[%swap3A_62, %swap3A_63] : memref<1x256xf32, #tpu.memory_space<vmem>>, vector<1x256xf32>
      tpu.vector_store %arg6[%swap3A_62, %swap3A_63], %broadcast_in_dim3A_61 {strides = array<i32>} : memref<1x256xf32, #tpu.memory_space<vmem>>, vector<1x256xf32>,
      %broadcast_in_dim3A_65 = arith.constant 0.000000e+00 : f32
      %broadcast_in_dim3A_66 = vector.broadcast %broadcast_in_dim3A_65 : f32 to vector<1x256xf32>
      %swap3A_67 = arith.constant 0 : index
      %swap3A_68 = arith.constant 0 : index
      %swap3A_69 = vector.load %arg7[%swap3A_67, %swap3A_68] : memref<1x256xf32, #tpu.memory_space<vmem>>, vector<1x256xf32>
      tpu.vector_store %arg7[%swap3A_67, %swap3A_68], %broadcast_in_dim3A_66 {strides = array<i32>} : memref<1x256xf32, #tpu.memory_space<vmem>>, vector<1x256xf32>,
    } else {
    }
    %get3A_41 = arith.constant 0 : index
    %get3A_42 = arith.constant 0 : index
    %get3A_43 = vector.load %arg6[%get3A_41, %get3A_42] : memref<1x256xf32, #tpu.memory_space<vmem>>, vector<1x256xf32>
    %reduce_sum3A = arith.constant dense<0.000000e+00> : vector<256xf32>
    %reduce_sum3A_44 = vector.multi_reduction <add>, %max3A_36, %reduce_sum3A [0] : vector<2000x256xf32> to vector<256xf32>
    %broadcast_in_dim3A = vector.shape_cast %reduce_sum3A_44 : vector<256xf32> to vector<1x256xf32>
    %add3A_45 = arith.addf %get3A_43, %broadcast_in_dim3A : vector<1x256xf32>
    %swap3A_46 = arith.constant 0 : index
    %swap3A_47 = arith.constant 0 : index
    %swap3A_48 = vector.load %arg6[%swap3A_46, %swap3A_47] : memref<1x256xf32, #tpu.memory_space<vmem>>, vector<1x256xf32>
    tpu.vector_store %arg6[%swap3A_46, %swap3A_47], %add3A_45 {strides = array<i32>} : memref<1x256xf32, #tpu.memory_space<vmem>>, vector<1x256xf32>,
    %get3A_49 = arith.constant 0 : index
    %get3A_50 = arith.constant 0 : index
    %get3A_51 = vector.load %arg7[%get3A_49, %get3A_50] : memref<1x256xf32, #tpu.memory_space<vmem>>, vector<1x256xf32>
    %mul3A_52 = arith.mulf %max3A_36, %max3A_36 : vector<2000x256xf32>
    %reduce_sum3A_53 = arith.constant dense<0.000000e+00> : vector<256xf32>
    %reduce_sum3A_54 = vector.multi_reduction <add>, %mul3A_52, %reduce_sum3A_53 [0] : vector<2000x256xf32> to vector<256xf32>
    %broadcast_in_dim3A_55 = vector.shape_cast %reduce_sum3A_54 : vector<256xf32> to vector<1x256xf32>
    %add3A_56 = arith.addf %get3A_51, %broadcast_in_dim3A_55 : vector<1x256xf32>
    %swap3A_57 = arith.constant 0 : index
    %swap3A_58 = arith.constant 0 : index
    %swap3A_59 = vector.load %arg7[%swap3A_57, %swap3A_58] : memref<1x256xf32, #tpu.memory_space<vmem>>, vector<1x256xf32>
    tpu.vector_store %arg7[%swap3A_57, %swap3A_58], %add3A_56 {strides = array<i32>} : memref<1x256xf32, #tpu.memory_space<vmem>>, vector<1x256xf32>,
    return
  }
  func.func @transform_0(%arg0: i32) -> (i32, i32, i32) {
    %c0_i32 = arith.constant 0 : i32
    %c0_i32_0 = arith.constant 0 : i32
    %c0_i32_1 = arith.constant 0 : i32
    return %c0_i32, %arg0, %c0_i32_0 : i32, i32, i32
  }
  func.func @transform_1(%arg0: i32) -> (i32, i32, i32) {
    %c0_i32 = arith.constant 0 : i32
    %c0_i32_0 = arith.constant 0 : i32
    %c0_i32_1 = arith.constant 0 : i32
    return %c0_i32, %arg0, %c0_i32_0 : i32, i32, i32
  }
  func.func @transform_2(%arg0: i32) -> (i32, i32) {
    %c0_i32 = arith.constant 0 : i32
    %c0_i32_0 = arith.constant 0 : i32
    return %arg0, %c0_i32 : i32, i32
  }
  func.func @transform_3(%arg0: i32) -> (i32, i32) {
    %c0_i32 = arith.constant 0 : i32
    %c0_i32_0 = arith.constant 0 : i32
    %c0_i32_1 = arith.constant 0 : i32
    return %c0_i32, %c0_i32_0 : i32, i32
  }
  func.func @transform_4(%arg0: i32) -> (i32, i32) {
    %c0_i32 = arith.constant 0 : i32
    %c0_i32_0 = arith.constant 0 : i32
    return %arg0, %c0_i32 : i32, i32
  }
  func.func @transform_5(%arg0: i32) -> (i32, i32) {
    %c0_i32 = arith.constant 0 : i32
    %c0_i32_0 = arith.constant 0 : i32
    %c0_i32_1 = arith.constant 0 : i32
    return %c0_i32, %c0_i32_0 : i32, i32
  }
  func.func @transform_6(%arg0: i32) -> (i32, i32) {
    %c0_i32 = arith.constant 0 : i32
    %c0_i32_0 = arith.constant 0 : i32
    %c0_i32_1 = arith.constant 0 : i32
    return %c0_i32, %c0_i32_0 : i32, i32
  }
}

module attributes {stable_mosaic.version = 14 : i64} {
  func.func @_mm_body_whole(%arg0: i32, %arg1: memref<2000x256xf32, #tpu.memory_space<vmem>>, %arg2: memref<1x256xf32, #tpu.memory_space<vmem>>, %arg3: memref<1x256xf32, #tpu.memory_space<vmem>>, %arg4: memref<1x256xf32, #tpu.memory_space<vmem>>, %arg5: memref<1x256xf32, #tpu.memory_space<vmem>>, %arg6: memref<256x128xf32, #tpu.memory_space<vmem>>, %arg7: memref<256x128xf32, #tpu.memory_space<vmem>>, %arg8: memref<2000x128xf32, #tpu.memory_space<vmem>>, %arg9: memref<2000x128xf32, #tpu.memory_space<vmem>>) attributes {dimension_semantics = [#tpu.dimension_semantics<arbitrary>], iteration_bounds = array<i64: 5>, scalar_prefetch = 0 : i64, scratch_operands = 0 : i64, tpu.core_type = #tpu.core_type<tc>, window_params = [{transform_indices = @transform_0, window_bounds = array<i64: 2000, 256>}, {pipeline_mode = #tpu.pipeline_mode<synchronous>, transform_indices = @transform_1, window_bounds = array<i64: 1, 256>}, {pipeline_mode = #tpu.pipeline_mode<synchronous>, transform_indices = @transform_2, window_bounds = array<i64: 1, 256>}, {pipeline_mode = #tpu.pipeline_mode<synchronous>, transform_indices = @transform_3, window_bounds = array<i64: 1, 256>}, {pipeline_mode = #tpu.pipeline_mode<synchronous>, transform_indices = @transform_4, window_bounds = array<i64: 1, 256>}, {pipeline_mode = #tpu.pipeline_mode<synchronous>, transform_indices = @transform_5, window_bounds = array<i64: 256, 128>}, {pipeline_mode = #tpu.pipeline_mode<synchronous>, transform_indices = @transform_6, window_bounds = array<i64: 256, 128>}, {transform_indices = @transform_7, window_bounds = array<i64: 2000, 128>}, {transform_indices = @transform_8, window_bounds = array<i64: 2000, 128>}]} {
    %get3A = arith.constant 0 : index
    %get3A_0 = arith.constant 0 : index
    %get3A_1 = vector.load %arg2[%get3A, %get3A_0] : memref<1x256xf32, #tpu.memory_space<vmem>>, vector<1x256xf32>
    %mul3A = arith.constant 9.99999974E-5 : f32
    %mul3A_2 = vector.broadcast %mul3A : f32 to vector<1x256xf32>
    %mul3A_3 = arith.mulf %get3A_1, %mul3A_2 : vector<1x256xf32>
    %get3A_4 = arith.constant 0 : index
    %get3A_5 = arith.constant 0 : index
    %get3A_6 = vector.load %arg3[%get3A_4, %get3A_5] : memref<1x256xf32, #tpu.memory_space<vmem>>, vector<1x256xf32>
    %mul3A_7 = arith.constant 9.99999974E-5 : f32
    %mul3A_8 = vector.broadcast %mul3A_7 : f32 to vector<1x256xf32>
    %mul3A_9 = arith.mulf %get3A_6, %mul3A_8 : vector<1x256xf32>
    %mul3A_10 = arith.mulf %mul3A_3, %mul3A_3 : vector<1x256xf32>
    %sub3A = arith.subf %mul3A_9, %mul3A_10 : vector<1x256xf32>
    %get3A_11 = arith.constant 0 : index
    %get3A_12 = arith.constant 0 : index
    %get3A_13 = vector.load %arg4[%get3A_11, %get3A_12] : memref<1x256xf32, #tpu.memory_space<vmem>>, vector<1x256xf32>
    %add3A = arith.constant 9.99999974E-6 : f32
    %add3A_14 = vector.broadcast %add3A : f32 to vector<1x256xf32>
    %add3A_15 = arith.addf %sub3A, %add3A_14 : vector<1x256xf32>
    %rsqrt3A = math.rsqrt %add3A_15 : vector<1x256xf32>
    %mul3A_16 = arith.mulf %get3A_13, %rsqrt3A : vector<1x256xf32>
    %get3A_17 = arith.constant 0 : index
    %get3A_18 = arith.constant 0 : index
    %get3A_19 = vector.load %arg5[%get3A_17, %get3A_18] : memref<1x256xf32, #tpu.memory_space<vmem>>, vector<1x256xf32>
    %mul3A_20 = arith.mulf %mul3A_3, %mul3A_16 : vector<1x256xf32>
    %sub3A_21 = arith.subf %get3A_19, %mul3A_20 : vector<1x256xf32>
    %get3A_22 = arith.constant 0 : index
    %get3A_23 = arith.constant 0 : index
    %get3A_24 = vector.load %arg1[%get3A_22, %get3A_23] : memref<2000x256xf32, #tpu.memory_space<vmem>>, vector<2000x256xf32>
    %mul3A_25 = vector.broadcast %mul3A_16 : vector<1x256xf32> to vector<2000x256xf32>
    %mul3A_26 = arith.mulf %get3A_24, %mul3A_25 : vector<2000x256xf32>
    %add3A_27 = vector.broadcast %sub3A_21 : vector<1x256xf32> to vector<2000x256xf32>
    %add3A_28 = arith.addf %mul3A_26, %add3A_27 : vector<2000x256xf32>
    %get3A_29 = arith.constant 0 : index
    %get3A_30 = arith.constant 0 : index
    %get3A_31 = vector.load %arg6[%get3A_29, %get3A_30] : memref<256x128xf32, #tpu.memory_space<vmem>>, vector<256x128xf32>
    %dot_general3A = arith.constant dense<0.000000e+00> : vector<2000x128xf32>
    %dot_general3A_32 = tpu.matmul %add3A_28, %get3A_31, %dot_general3A {dimension_numbers = #tpu.dot_dimension_numbers<[1], [0], [0], [1], [0, 0, 1, 1], [], []>, transpose_lhs_hint = false} : vector<2000x256xf32>, vector<256x128xf32>, vector<2000x128xf32> -> vector<2000x128xf32>
    %swap3A = arith.constant 0 : index
    %swap3A_33 = arith.constant 0 : index
    %swap3A_34 = vector.load %arg8[%swap3A, %swap3A_33] : memref<2000x128xf32, #tpu.memory_space<vmem>>, vector<2000x128xf32>
    tpu.vector_store %arg8[%swap3A, %swap3A_33], %dot_general3A_32 {strides = array<i32>} : memref<2000x128xf32, #tpu.memory_space<vmem>>, vector<2000x128xf32>,
    %get3A_35 = arith.constant 0 : index
    %get3A_36 = arith.constant 0 : index
    %get3A_37 = vector.load %arg7[%get3A_35, %get3A_36] : memref<256x128xf32, #tpu.memory_space<vmem>>, vector<256x128xf32>
    %dot_general3A_38 = arith.constant dense<0.000000e+00> : vector<2000x128xf32>
    %dot_general3A_39 = tpu.matmul %add3A_28, %get3A_37, %dot_general3A_38 {dimension_numbers = #tpu.dot_dimension_numbers<[1], [0], [0], [1], [0, 0, 1, 1], [], []>, transpose_lhs_hint = false} : vector<2000x256xf32>, vector<256x128xf32>, vector<2000x128xf32> -> vector<2000x128xf32>
    %swap3A_40 = arith.constant 0 : index
    %swap3A_41 = arith.constant 0 : index
    %swap3A_42 = vector.load %arg9[%swap3A_40, %swap3A_41] : memref<2000x128xf32, #tpu.memory_space<vmem>>, vector<2000x128xf32>
    tpu.vector_store %arg9[%swap3A_40, %swap3A_41], %dot_general3A_39 {strides = array<i32>} : memref<2000x128xf32, #tpu.memory_space<vmem>>, vector<2000x128xf32>,
    return
  }
  func.func @transform_0(%arg0: i32) -> (i32, i32) {
    %c0_i32 = arith.constant 0 : i32
    %c0_i32_0 = arith.constant 0 : i32
    return %arg0, %c0_i32 : i32, i32
  }
  func.func @transform_1(%arg0: i32) -> (i32, i32) {
    %c0_i32 = arith.constant 0 : i32
    %c0_i32_0 = arith.constant 0 : i32
    %c0_i32_1 = arith.constant 0 : i32
    return %c0_i32, %c0_i32_0 : i32, i32
  }
  func.func @transform_2(%arg0: i32) -> (i32, i32) {
    %c0_i32 = arith.constant 0 : i32
    %c0_i32_0 = arith.constant 0 : i32
    %c0_i32_1 = arith.constant 0 : i32
    return %c0_i32, %c0_i32_0 : i32, i32
  }
  func.func @transform_3(%arg0: i32) -> (i32, i32) {
    %c0_i32 = arith.constant 0 : i32
    %c0_i32_0 = arith.constant 0 : i32
    %c0_i32_1 = arith.constant 0 : i32
    return %c0_i32, %c0_i32_0 : i32, i32
  }
  func.func @transform_4(%arg0: i32) -> (i32, i32) {
    %c0_i32 = arith.constant 0 : i32
    %c0_i32_0 = arith.constant 0 : i32
    %c0_i32_1 = arith.constant 0 : i32
    return %c0_i32, %c0_i32_0 : i32, i32
  }
  func.func @transform_5(%arg0: i32) -> (i32, i32) {
    %c0_i32 = arith.constant 0 : i32
    %c0_i32_0 = arith.constant 0 : i32
    %c0_i32_1 = arith.constant 0 : i32
    return %c0_i32, %c0_i32_0 : i32, i32
  }
  func.func @transform_6(%arg0: i32) -> (i32, i32) {
    %c0_i32 = arith.constant 0 : i32
    %c0_i32_0 = arith.constant 0 : i32
    %c0_i32_1 = arith.constant 0 : i32
    return %c0_i32, %c0_i32_0 : i32, i32
  }
  func.func @transform_7(%arg0: i32) -> (i32, i32) {
    %c0_i32 = arith.constant 0 : i32
    %c0_i32_0 = arith.constant 0 : i32
    return %arg0, %c0_i32 : i32, i32
  }
  func.func @transform_8(%arg0: i32) -> (i32, i32) {
    %c0_i32 = arith.constant 0 : i32
    %c0_i32_0 = arith.constant 0 : i32
    return %arg0, %c0_i32 : i32, i32
  }
}

module attributes {stable_mosaic.version = 14 : i64} {
  func.func @_fin_body(%arg0: i32, %arg1: memref<2x2000x128xf32, #tpu.memory_space<vmem>>, %arg2: memref<2x2000x128xf32, #tpu.memory_space<vmem>>, %arg3: memref<2000x128xf32, #tpu.memory_space<vmem>>, %arg4: memref<1x128xf32, #tpu.memory_space<vmem>>, %arg5: memref<2000x128xf32, #tpu.memory_space<vmem>>) attributes {dimension_semantics = [#tpu.dimension_semantics<arbitrary>], iteration_bounds = array<i64: 5>, scalar_prefetch = 0 : i64, scratch_operands = 0 : i64, tpu.core_type = #tpu.core_type<tc>, window_params = [{transform_indices = @transform_0, window_bounds = array<i64: 2, 2000, 128>}, {transform_indices = @transform_1, window_bounds = array<i64: 2, 2000, 128>}, {transform_indices = @transform_2, window_bounds = array<i64: 2000, 128>}, {pipeline_mode = #tpu.pipeline_mode<synchronous>, transform_indices = @transform_3, window_bounds = array<i64: 1, 128>}, {transform_indices = @transform_4, window_bounds = array<i64: 2000, 128>}]} {
    %get3A = arith.constant 0 : index
    %get3A_0 = arith.constant 0 : index
    %get3A_1 = arith.constant 0 : index
    %get3A_2 = vector.load %arg2[%get3A, %get3A_0, %get3A_1] : memref<2x2000x128xf32, #tpu.memory_space<vmem>>, vector<1x2000x128xf32>
    %get3A_3 = vector.shape_cast %get3A_2 : vector<1x2000x128xf32> to vector<2000x128xf32>
    %slice3A = vector.extract_strided_slice %get3A_3 {offsets = [0, 0], sizes = [2000, 1], strides = [1, 1]} : vector<2000x128xf32> to vector<2000x1xf32>
    %get3A_4 = arith.constant 1 : index
    %get3A_5 = arith.constant 0 : index
    %get3A_6 = arith.constant 0 : index
    %get3A_7 = vector.load %arg2[%get3A_4, %get3A_5, %get3A_6] : memref<2x2000x128xf32, #tpu.memory_space<vmem>>, vector<1x2000x128xf32>
    %get3A_8 = vector.shape_cast %get3A_7 : vector<1x2000x128xf32> to vector<2000x128xf32>
    %slice3A_9 = vector.extract_strided_slice %get3A_8 {offsets = [0, 0], sizes = [2000, 1], strides = [1, 1]} : vector<2000x128xf32> to vector<2000x1xf32>
    %add3A = arith.addf %slice3A, %slice3A_9 : vector<2000x1xf32>
    %max3A = arith.constant 1.000000e+00 : f32
    %max3A_10 = vector.broadcast %max3A : f32 to vector<2000x1xf32>
    %max3A_11 = arith.maximumf %add3A, %max3A_10 : vector<2000x1xf32>
    %div3A = arith.constant 1.000000e+00 : f32
    %div3A_12 = vector.broadcast %div3A : f32 to vector<2000x1xf32>
    %div3A_13 = arith.divf %div3A_12, %max3A_11 : vector<2000x1xf32>
    %get3A_14 = arith.constant 0 : index
    %get3A_15 = arith.constant 0 : index
    %get3A_16 = arith.constant 0 : index
    %get3A_17 = vector.load %arg1[%get3A_14, %get3A_15, %get3A_16] : memref<2x2000x128xf32, #tpu.memory_space<vmem>>, vector<1x2000x128xf32>
    %get3A_18 = vector.shape_cast %get3A_17 : vector<1x2000x128xf32> to vector<2000x128xf32>
    %get3A_19 = arith.constant 1 : index
    %get3A_20 = arith.constant 0 : index
    %get3A_21 = arith.constant 0 : index
    %get3A_22 = vector.load %arg1[%get3A_19, %get3A_20, %get3A_21] : memref<2x2000x128xf32, #tpu.memory_space<vmem>>, vector<1x2000x128xf32>
    %get3A_23 = vector.shape_cast %get3A_22 : vector<1x2000x128xf32> to vector<2000x128xf32>
    %add3A_24 = arith.addf %get3A_18, %get3A_23 : vector<2000x128xf32>
    %mul3A = vector.broadcast %div3A_13 : vector<2000x1xf32> to vector<2000x128xf32>
    %mul3A_25 = arith.mulf %add3A_24, %mul3A : vector<2000x128xf32>
    %get3A_26 = arith.constant 0 : index
    %get3A_27 = arith.constant 0 : index
    %get3A_28 = vector.load %arg3[%get3A_26, %get3A_27] : memref<2000x128xf32, #tpu.memory_space<vmem>>, vector<2000x128xf32>
    %add3A_29 = arith.addf %mul3A_25, %get3A_28 : vector<2000x128xf32>
    %get3A_30 = arith.constant 0 : index
    %get3A_31 = arith.constant 0 : index
    %get3A_32 = vector.load %arg4[%get3A_30, %get3A_31] : memref<1x128xf32, #tpu.memory_space<vmem>>, vector<1x128xf32>
    %add3A_33 = vector.broadcast %get3A_32 : vector<1x128xf32> to vector<2000x128xf32>
    %add3A_34 = arith.addf %add3A_29, %add3A_33 : vector<2000x128xf32>
    %swap3A = arith.constant 0 : index
    %swap3A_35 = arith.constant 0 : index
    %swap3A_36 = vector.load %arg5[%swap3A, %swap3A_35] : memref<2000x128xf32, #tpu.memory_space<vmem>>, vector<2000x128xf32>
    tpu.vector_store %arg5[%swap3A, %swap3A_35], %add3A_34 {strides = array<i32>} : memref<2000x128xf32, #tpu.memory_space<vmem>>, vector<2000x128xf32>,
    return
  }
  func.func @transform_0(%arg0: i32) -> (i32, i32, i32) {
    %c0_i32 = arith.constant 0 : i32
    %c0_i32_0 = arith.constant 0 : i32
    %c0_i32_1 = arith.constant 0 : i32
    return %c0_i32, %arg0, %c0_i32_0 : i32, i32, i32
  }
  func.func @transform_1(%arg0: i32) -> (i32, i32, i32) {
    %c0_i32 = arith.constant 0 : i32
    %c0_i32_0 = arith.constant 0 : i32
    %c0_i32_1 = arith.constant 0 : i32
    return %c0_i32, %arg0, %c0_i32_0 : i32, i32, i32
  }
  func.func @transform_2(%arg0: i32) -> (i32, i32) {
    %c0_i32 = arith.constant 0 : i32
    %c0_i32_0 = arith.constant 0 : i32
    return %arg0, %c0_i32 : i32, i32
  }
  func.func @transform_3(%arg0: i32) -> (i32, i32) {
    %c0_i32 = arith.constant 0 : i32
    %c0_i32_0 = arith.constant 0 : i32
    %c0_i32_1 = arith.constant 0 : i32
    return %c0_i32, %c0_i32_0 : i32, i32
  }
  func.func @transform_4(%arg0: i32) -> (i32, i32) {
    %c0_i32 = arith.constant 0 : i32
    %c0_i32_0 = arith.constant 0 : i32
    return %arg0, %c0_i32 : i32, i32
  }
}

</mosaic_0001>

<sc_bundles>
// kernel: kernel.11.cloned.1.call-start
scs
__scs_entry_jumppad:
0x0: {  	(pc) =	sbr.rel $0x88, $3  }
0x1: {  	(tag) =	ssettag $0x0;
	lr =	simm.s32 $0x1  }
0x2: {  	[smem:$0x3F92] =	sst lr;
	_ =	strace $0xD0000000  }
0x3: {  	_ = 	snop  }
0x4: {  	_ = 	snop  }
0x5: {  	_ = 	snop  }
0x6: {  	_ = 	snop  }
0x7: {  	_ = 	snop  }
__scs_overlays_trampoline_lowered:
0x8: {  	[smem:$0x3FA1] =	sst s0  }
0x9: {  	[smem:$0x3FA2] =	sst s1  }
0xa: {  	[smem:$0x3FA3] =	sst s2  }
0xb: {  	[smem:$0x3FA4] =	sst s3  }
0xc: {  	[smem:$0x3FA5] =	sst s4  }
0xd: {  	[smem:$0x3FA6] =	sst s5  }
0xe: {  	[smem:$0x3FA7] =	sst s6  }
0xf: {  	[smem:$0x3FA8] =	sst s7  }
0x10: {  	[smem:$0x3FA9] =	sst s8  }
0x11: {  	[smem:$0x3FAA] =	sst s9;
	s0 =	simm.s32 @!p0 $0x0  }
0x12: {  	s1 =	sld [smem:$0x3F90];
	s0 =	simm.s32 @p0 $0x1  }
0x13: {  	[smem:$0x3FAB] =	sst s0;
	s0 =	simm.s32 @!p1 $0x0  }
0x14: {  	s2 =	sld [smem:$0x3F8F];
	s0 =	simm.s32 @p1 $0x1  }
0x15: {  	[smem:$0x3FAC] =	sst s0;
	s0 =	simm.s32 @!p2 $0x0  }
0x16: {  	s3 =	sld [smem:$0x3FDB];
	s0 =	simm.s32 @p2 $0x1  }
0x17: {  	s4 =	simm.s32 $0x1BF5;
	[smem:$0x3FAE] =	sst s0  }
0x18: {  	s0 =	sld [smem:$0x3F91];
	_ =	swait.ge [sflag:s4], $0x0  }
0x19: {  	s7 =	sld [smem:$0x3F92]  }
0x1a: {  	s8 =	sadd.s32 $0xFFFFE003, lr  }
0x1b: {  	s9 =	sadd.s32 $0xFFFFFEF7, lr;
	s5 =	simm.s32 $0xFFFFFFFF;
	p2 =	slt.u32 s8, $0xFFFFF086  }
0x1c: {  	p1 =	slt.u32 s9, $0xF7A;
	s5 =	simm.s32 @!p2 $0x0  }
0x1d: {  	s5 =	simm.s32 @p1 $0x1;
	p0 =	seq.s32 s7, s2  }
0x1e: {  	s7 =	smul.u32 @!p0 $0xF7A, s2;
	p2 =	seq.s32 @!p0 s5, $0x0  }
0x1f: {  	s9 =	smul.u32 $0xF7A, s1;
	s8 =	simm.s32 @!p0 $0x1BF5;
	p2 =	por !p2, p0  }
0x20: {  	[sflag:s8] =	ssyncset.s32 @!p0 $0xFFFFF086;
	s6 =	sadd.s32 @!p0 s3, s7;
	s7 =	simm.s32 @!p0 $0x108  }
0x21: {  	s3 =	sadd.s32 s3, s9;
	s6 =	sadd.s32 @!p0 $0x88, s6;
	s7 =	simm.s32 @p2 $0x1082  }
0x22: {  	[simem:s7], [sflag:s8] =	dma.local @!p0 [hbm:s6], $0xF7A  }
0x23: {  	s9 =	sor.u32 $0xD0000000, s2;
	s6 =	simm.s32 $0x108;
	_ =	swait.ge @!p0 [sflag:s8], $0x0  }
0x24: {  	s3 =	sadd.s32 $0x88, s3;
	s6 =	simm.s32 @!p1 $0x1082;
	[sflag:s4] =	ssyncset.s32 $0xFFFFF086  }
0x25: {  	[simem:s6], [sflag:s4] =	dma.local [hbm:s3], $0xF7A  }
0x26: {  	[smem:$0x3F92] =	sst s1;
	(tag) =	ssettag s2;
	_ =	strace s9  }
0x27: {  	s1 =	sld [smem:$0x3FA2]  }
0x28: {  	s2 =	sld [smem:$0x3FA3]  }
0x29: {  	s4 =	sld [smem:$0x3FA5]  }
0x2a: {  	p0 =	seq.s32 s5, $0x0;
	s5 =	sld [smem:$0x3FA6]  }
0x2b: {  	s6 =	sld [smem:$0x3FA7]  }
0x2c: {  	s7 =	sld [smem:$0x3FA8]  }
0x2d: {  	s3 =	simm.s32 $0x108;
	s8 =	sld [smem:$0x3FA9]  }
0x2e: {  	s3 =	simm.s32 @!p0 $0x1082;
	s9 =	sld [smem:$0x3FAA]  }
0x2f: {  	lr =	sadd.s32 s0, s3;
	s0 =	sld [smem:$0x3FA1]  }
0x30: {  	s3 =	sld [smem:$0x3FA4]  }
0x31: {  	[smem:$0x3FAD] =	sst s10  }
0x32: {  	s10 =	sld [smem:$0x3FAB];
	_ =	sdelay $0x3  }
0x33: {  	p0 =	seq.s32 s10, $0x1;
	s10 =	sld [smem:$0x3FAD];
	_ =	sdelay $0x3  }
0x34: {  	[smem:$0x3FAD] =	sst s10  }
0x35: {  	s10 =	sld [smem:$0x3FAC];
	_ =	sdelay $0x3  }
0x36: {  	p1 =	seq.s32 s10, $0x1;
	s10 =	sld [smem:$0x3FAD];
	_ =	sdelay $0x3  }
0x37: {  	[smem:$0x3FAD] =	sst s10  }
0x38: {  	s10 =	sld [smem:$0x3FAE]  }
0x39: {  	_ = 	snop;
	(pc) =	sbr.ind lr, $3  }
0x3a: {  	_ = 	snop  }
0x3b: {  	_ = 	snop  }
0x3c: {  	p2 =	seq.s32 s10, $0x1;
	s10 =	sld [smem:$0x3FAD]  }
0x3d: {  	_ =	shalt  }
0x3e: {  	_ =	shalt  }
0x3f: {  	_ =	shalt  }
0x40: {  	_ =	shalt  }
0x41: {  	_ =	shalt  }
0x42: {  	_ =	shalt  }
0x43: {  	_ =	shalt  }
0x44: {  	_ =	shalt  }
0x45: {  	_ =	shalt  }
0x46: {  	_ =	shalt  }
0x47: {  	_ =	shalt  }
0x48: {  	_ =	shalt  }
0x49: {  	_ =	shalt  }
0x4a: {  	_ =	shalt  }
0x4b: {  	_ =	shalt  }
0x4c: {  	_ =	shalt  }
0x4d: {  	_ =	shalt  }
0x4e: {  	_ =	shalt  }
0x4f: {  	_ =	shalt  }
0x50: {  	_ =	shalt  }
0x51: {  	_ =	shalt  }
0x52: {  	_ =	shalt  }
0x53: {  	_ =	shalt  }
0x54: {  	_ =	shalt  }
0x55: {  	_ =	shalt  }
0x56: {  	_ =	shalt  }
0x57: {  	_ =	shalt  }
0x58: {  	_ =	shalt  }
0x59: {  	_ =	shalt  }
0x5a: {  	_ =	shalt  }
0x5b: {  	_ =	shalt  }
0x5c: {  	_ =	shalt  }
0x5d: {  	_ =	shalt  }
0x5e: {  	_ =	shalt  }
0x5f: {  	_ =	shalt  }
0x60: {  	_ =	shalt  }
0x61: {  	_ =	shalt  }
0x62: {  	_ =	shalt  }
0x63: {  	_ =	shalt  }
0x64: {  	_ =	shalt  }
0x65: {  	_ =	shalt  }
0x66: {  	_ =	shalt  }
0x67: {  	_ =	shalt  }
0x68: {  	_ =	shalt  }
0x69: {  	_ =	shalt  }
0x6a: {  	_ =	shalt  }
0x6b: {  	_ =	shalt  }
0x6c: {  	_ =	shalt  }
0x6d: {  	_ =	shalt  }
0x6e: {  	_ =	shalt  }
0x6f: {  	_ =	shalt  }
0x70: {  	_ =	shalt  }
0x71: {  	_ =	shalt  }
0x72: {  	_ =	shalt  }
0x73: {  	_ =	shalt  }
0x74: {  	_ =	shalt  }
0x75: {  	_ =	shalt  }
0x76: {  	_ =	shalt  }
0x77: {  	_ =	shalt  }
0x78: {  	_ =	shalt  }
0x79: {  	_ =	shalt  }
0x7a: {  	_ =	shalt  }
0x7b: {  	_ =	shalt  }
0x7c: {  	_ =	shalt  }
0x7d: {  	_ =	shalt  }
0x7e: {  	_ =	shalt  }
0x7f: {  	_ =	shalt  }
0x80: {  	_ =	shalt  }
0x81: {  	_ =	shalt  }
0x82: {  	_ =	shalt  }
0x83: {  	_ =	shalt  }
0x84: {  	_ =	shalt  }
0x85: {  	_ =	shalt  }
0x86: {  	_ =	shalt  }
0x87: {  	_ =	shalt  }
.Lfunc_end0:
.L_simem_size_0:
called_computation_lowered:
.L_overlay_start_0:
0x88: {  	s2 =	sld [smem:$0x3FD9]  }
0x89: {  	s3 =	sld [smem:$0x3FFE];
	_ =	sdelay $0x1  }
0x8a: {  	s1 =	srdreg.scid  }
0x8b: {  	s0 =	sand.u32 $0x1, s1  }
0x8c: {  	s16 =	sshll.u32 s0, $0xA;
	s2 =	sadd.s32 s3, s2  }
0x8d: {  	s2 =	sadd.s32 s2, s16  }
0x8e: {  	[smem:$0x3FB9] =	sst s2  }
0x8f: {  	_ = 	snop  }
0x90: {  	(tm) =	ssettm $0x1  }
0x91: {  	s17 =	sld [smem:$0x3FFB];
	_ =	sdelay $0x3  }
0x92: {  	_ =	strace s17  }
0x93: {  	s2 =	sld [smem:$0x3FFC];
	_ =	sdelay $0x3  }
0x94: {  	_ =	strace s2  }
0x95: {  	s2 =	sld [smem:$0x3FFD];
	_ =	sdelay $0x3  }
0x96: {  	_ =	strace s2  }
0x97: {  	_ =	strace $0x8FFFFFFF  }
0x98: {  	s18 =	sld [smem:$0x3FDB];
	_ =	sdelay $0x1  }
0x99: {  	s19 =	simm.s32 $_scs_section_size  }
0x9a: {  	s4 =	simm.s32 $_size__tile_overlayer_lowered;
	s5 =	simm.s32 $_tile_overlayer_lowered  }
0x9b: {  	s22 =	simm.s32 $0x1BFF;
	s21 =	sshll.u32 s5, $0x1;
	s2 =	sadd.s32 s19, s18  }
0x9c: {  	s6 =	simm.s32 $0x0;
	s20 =	sshll.u32 s4, $0x1;
	s4 =	sadd.s32 s21, s2  }
0x9d: {  	[timem:s6], [sflag:s22] =	dma.local [hbm:s4], s20  }
0x9e: {  	_ =	swait.ge [sflag:s22], s20  }
0x9f: {  	s3 =	ssub.s32 $0x0, s20;
	[sflag:s22] =	ssyncset.done $0x0  }
0xa0: {  	[sflag:s22] =	ssyncadd.s32 s3;
	_ =	sdelay $0x1  }
0xa1: {  	s23 =	simm.s32 $0x1B8B  }
0xa2: {  	_ =	swait.ge [sflag:s23], $0x1  }
0xa3: {  	[sflag:s23] =	ssyncset.done $0x0  }
0xa4: {  	s25 =	simm.s32 $0x1B8E;
	s24 =	sld [smem:$0x3FFE];
	[sflag:s23] =	ssyncadd.s32 $0xFFFFFFFF  }
0xa5: {  	s26 =	simm.s32 $execute0_lowered;
	[smem:$0x3FD2] =	sst s25  }
0xa6: {  	s4 =	sshll.u32 s26, $0x1;
	_ =	strace $0x80000046;
	[dreg:$0x1] =	wrdreg $0xFFFFFFFF  }
0xa7: {  	s28 =	simm.s32 $_size_execute0_lowered;
	s2 =	sadd.s32 s2, s4;
	[dreg:$0x0] =	wrdreg $0x0  }
0xa8: {  	s4 =	sshll.u32 s28, $0x1;
	[dreg:$0x2] =	wrdreg s2  }
0xa9: {  	[dreg:$0x3] =	wrdreg s4  }
0xaa: {  	[dreg:$0x4] =	wrdreg $0xC0  }
0xab: {  	_ =	task [dreg:s6], $0x5FFFF  }
0xac: {  	[dreg:$0x1] =	wrdreg $0xFFFFFFFF  }
0xad: {  	[dreg:$0x0] =	wrdreg $0x60  }
0xae: {  	[dreg:$0x2] =	wrdreg s24  }
0xaf: {  	[dreg:$0x3] =	wrdreg $0x40800  }
0xb0: {  	[dreg:$0x4] =	wrdreg $0x9  }
0xb1: {  	_ =	task.clear_ibuf [dreg:s6], $0x5FFFF;
	_ =	strace $0x90000046  }
0xb2: {  	s29 =	simm.s32 $0x9;
	_ =	strace $0x8000004E  }
0xb3: {  	_ =	swait.ge [sflag:s29], $0x1  }
0xb4: {  	[sflag:s29] =	ssyncadd.s32 $0xFFFFFFFF  }
0xb5: {  	_ =	strace $0x9000004E  }
0xb6: {  	_ =	sfence  }
0xb7: {  	s30 =	sld [smem:$0x0];
	_ =	sdelay $0x2  }
0xb8: {  	s31 =	sshll.u32 s1, $0xD;
	s1 =	sshrl.u32 s1, $0x2  }
0xb9: {  	s3 =	sand.u32 $0x4000, s31;
	s1 =	sadd.s32 s1, s30  }
0xba: {  	s0 =	sor.u32 s3, s0;
	s1 =	sshll.u32 s1, $0x11  }
0xbb: {  	s0 =	sor.u32 s1, s0  }
0xbc: {  	s0 =	sadd.s32 $0x8F2B, s0  }
0xbd: {  	[sflag:s0] =	ssyncadd.remote.s32 $0x1  }
0xbe: {  	_ =	sfence.sel $0xFFFF  }
0xbf: {  	[dreg:$0x0] =	wrdreg $0xFFFFFFFF;
	(pc) =	sbr.abs _section_cstart, $3  }
0xc0: {  	[dreg:$0x1] =	wrdreg $0xFFFFFFFF  }
0xc1: {  	_ =	task.clear_ibuf [dreg:s6], $0x2FFFF;
	_ =	strace $0x9FFFFFFF  }
0xc2: {  	(tm) =	ssettm $0x7FFFFFFF  }
0xc3: {  	_ =	shalt  }
tec
execute0_lowered:
.L_overlay_start_1:
0x0: {  	(tag) =	ssettag $0x1  }
0x1: {  	s0 =	rddreg [dreg:$0x0]  }
0x2: {  	s2 =	rddreg [dreg:$0x1];
	s3 =	simm.s32 $0x0  }
0x3: {  	s1 =	stileid.u32;
	s4 =	srdreg.scid;
	s15 =	simm.s32 $0x80  }
0x4: {  	s17 =	simm.s32 $0x1;
	s18 =	simm.s32 $0x0;
	s6 =	smul.u32 $0x2800, s1  }
0x5: {  	[smem:$0x7FF] =	sst s3;
	s8 =	sand.u32 $0x1, s4;
	s10 =	smul.u32 $0x50000, s1  }
0x6: {  	s22 =	sadd.s32 $0xE400, s0;
	s4 =	sadd.s32 $0x4400, s0;
	s25 =	smul.u32 $0x50, s1  }
0x7: {  	s5 =	sadd.s32 $0x9400, s0;
	s26 =	sshll.u32 s1, $0x6;
	s28 =	smul.u32 $0x500, s1  }
0x8: {  	_ =	strace $0x80000047;
	s7 =	smul.u32 $0x28000, s8;
	s9 =	ssub.s32 $0x2, s8  }
0x9: {  	[dreg:$0x4] =	wrdreg s22;
	s16 =	smul.u32 $0x2710, s8;
	s23 =	sshrl.u32 s9, $0x1  }
0xa: {  	s24 =	sshrl.u32 s10, $0x2;
	[dreg:$0x3] =	wrdreg s25;
	s30 =	sadd.s32 s4, s28  }
0xb: {  	s31 =	sadd.s32 s5, s28;
	s7 =	sadd.s32 s6, s7;
	s6 =	sadd.s32 s6, s0  }
0xc: {  	s11 =	ssub.s32 s9, s23;
	s12 =	sadd.s32 s24, s2;
	[dreg:$0x6] =	wrdreg s30  }
0xd: {  	[dreg:$0x7] =	wrdreg s31;
	v0 =	vmov s16;
	s16 =	simm.s32 $0x6;
	s0 =	sadd.s32 s7, s0  }
0xe: {  	s29 =	sadd.s32 $0x5C600, s6;
	s7 =	sor.u32 $0x1C01, s26;
	s11 =	smax.u32 s11, $0x1  }
0xf: {  	s12 =	sshrl.u32 s12, $0x3;
	[dreg:$0x5] =	wrdreg s29;
	s10 =	sadd.s32 $0x84600, s0  }
.LBB2_1:
0x10: {  	s0 =	rddreg [dreg:$0x5]  }
0x11: {  	[spmem:s12], [sflag:s7] =	dma.local [hbm:s0], $0x2800  }
0x12: {  	_ =	swait.ge [sflag:s17], $0x2800  }
0x13: {  	[sflag:s17] =	ssyncset.done $0x0  }
0x14: {  	[sflag:s17] =	ssyncadd.s32 $0xFFFFD800  }
0x15: {  	[bflag:$0x0] =	sbarrier.arrive $0xFFFF  }
0x16: {  	s1 =	simm.s32 $0x18080;
	s21 =	simm.s32 $0x18180;
	_ =	strace $0x80000048  }
0x17: {  	s24 =	simm.s32 $0x1;
	p0 =	por $0x0, $0x0;
	s19 =	rddreg [dreg:$0x6]  }
0x18: {  	[tilespmem:s1], [sflag:$0x2] =	stream.linear.gather [hbm4b:s19+s3], $0x80, $0x200038;
	[tilespmem:$0x18280] =	vst v63  }
0x19: {  	s24 =	simm.s32 @p0 $0x0;
	p0 =	por $0x0, $0x0;
	s20 =	rddreg [dreg:$0x7]  }
0x1a: {  	[tilespmem:s21], [sflag:$0x4] =	stream.linear.gather [hbm4b:s20+s3], $0x80, $0x200038;
	[tilespmem:$0x18280] =	vst v63  }
0x1b: {  	p2 =	seq.s32 @!p0 s24, $0x0;
	_ =	strace $0x90000048  }
0x1c: {  	p1 =	por p2, p0;
	s0 =	rddreg [dreg:$0x3]  }
0x1d: {  	s0 =	sadd.s32 @!p1 s0, s24  }
0x1e: {  	s25 =	simm.s32 @!p1 $0x0;
	s19 =	sand.u32 @!p1 $0x1, s17;
	s0 =	sshll.u32 @!p1 s0, $0x4  }
0x1f: {  	s20 =	sshll.u32 @!p1 s19, $0x7;
	s21 =	sor.u32 @!p1 $0x2, s19;
	s0 =	sand.u32 @!p1 $0x1FFFFFF0, s0  }
0x20: {  	s22 =	sadd.s32 @!p1 $0x18080, s20;
	_ =	strace @!p1 $0x80000049;
	s23 =	sadd.s32 @!p1 s4, s0  }
0x21: {  	[tilespmem:s22], [sflag:s21] =	stream.linear.gather @!p1 [hbm4b:s23+s25], $0x80, $0x200038;
	[tilespmem:$0x18280] =	vst v63  }
0x22: {  	s19 =	sor.u32 @!p1 $0x4, s19;
	_ =	strace @!p1 $0x90000049  }
0x23: {  	s20 =	sadd.s32 @!p1 $0x18180, s20;
	s0 =	sadd.s32 @!p1 s5, s0;
	_ =	strace @!p1 $0x8000004A  }
0x24: {  	[tilespmem:s20], [sflag:s19] =	stream.linear.gather @!p1 [hbm4b:s0+s25], $0x80, $0x200038;
	[tilespmem:$0x18280] =	vst v63  }
0x25: {  	s22 =	sand.u32 $0x1, s3;
	_ =	strace @!p1 $0x9000004A  }
0x26: {  	s23 =	sor.u32 $0x2, s22;
	_ =	strace $0x8000004B  }
0x27: {  	_ =	swait.ge [sflag:s23], $0x80  }
0x28: {  	[sflag:s23] =	ssyncset.done $0x0  }
0x29: {  	[sflag:s23] =	ssyncadd.s32 $0xFFFFFF80  }
0x2a: {  	_ =	strace $0x9000004B  }
0x2b: {  	s0 =	sor.u32 $0x4, s22;
	_ =	strace $0x8000004C  }
0x2c: {  	_ =	swait.ge [sflag:s0], $0x80  }
0x2d: {  	[sflag:s0] =	ssyncset.done $0x0  }
0x2e: {  	[sflag:s0] =	ssyncadd.s32 $0xFFFFFF80  }
0x2f: {  	s25 =	simm.s32 $0x0;
	_ =	strace $0x9000004C  }
0x30: {  	s26 =	sand.u32 $0x80, s25;
	_ =	strace $0x8000004D  }
0x31: {  	v1 =	vld [tilespmem:s26+$0x18080];
	_ =	sdelay $0x4  }
0x32: {  	v1 =	vadd.s32 v0, v1  }
0x33: {  	[tilespmem:$0x0] =	vst v1  }
0x34: {  	v1 =	vld [tilespmem:s26+$0x18090];
	_ =	sdelay $0x4  }
0x35: {  	v1 =	vadd.s32 v0, v1  }
0x36: {  	[tilespmem:$0x10] =	vst v1  }
0x37: {  	v1 =	vld [tilespmem:s26+$0x180A0];
	_ =	sdelay $0x4  }
0x38: {  	v1 =	vadd.s32 v0, v1  }
0x39: {  	[tilespmem:$0x20] =	vst v1  }
0x3a: {  	v1 =	vld [tilespmem:s26+$0x180B0];
	_ =	sdelay $0x4  }
0x3b: {  	v1 =	vadd.s32 v0, v1  }
0x3c: {  	[tilespmem:$0x30] =	vst v1  }
0x3d: {  	v1 =	vld [tilespmem:s26+$0x180C0];
	_ =	sdelay $0x4  }
0x3e: {  	v1 =	vadd.s32 v0, v1  }
0x3f: {  	[tilespmem:$0x40] =	vst v1  }
0x40: {  	v1 =	vld [tilespmem:s26+$0x180D0];
	_ =	sdelay $0x4  }
0x41: {  	v1 =	vadd.s32 v0, v1  }
0x42: {  	[tilespmem:$0x50] =	vst v1  }
0x43: {  	v1 =	vld [tilespmem:s26+$0x180E0];
	_ =	sdelay $0x4  }
0x44: {  	v1 =	vadd.s32 v0, v1  }
0x45: {  	[tilespmem:$0x60] =	vst v1  }
0x46: {  	v1 =	vld [tilespmem:s26+$0x180F0];
	_ =	sdelay $0x2  }
0x47: {  	s30 =	simm.s32 $0x4F;
	s28 =	simm.s32 $0x4E;
	p3 =	sne.s32 s24, $0x0  }
0x48: {  	s20 =	simm.s32 @!p1 $0x2;
	s19 =	simm.s32 $0x1;
	p1 =	por p0, p3  }
0x49: {  	p2 =	por !p2, p0;
	s22 =	simm.s32 $0x0;
	s19 =	simm.s32 @!p1 $0x0;
	v1 =	vadd.s32 v0, v1  }
0x4a: {  	s22 =	simm.s32 @p2 $0x1;
	s21 =	sadd.s32 $0x0, s19;
	s31 =	rddreg [dreg:$0x4];
	[tilespmem:$0x70] =	vst v1  }
0x4b: {  	[tilespmem:s15], [sflag:$0x6] =	stream.indirect.gather [hbm4b:s31+s15], $0x80, s3, s15, $0x2000b8;
	[tilespmem:$0x18280] =	vst v63  }
0x4c: {  	s22 =	simm.s32 @p0 $0x0;
	s29 =	smov.u32 s21;
	_ =	swait.ge [sflag:s16], $0x4000  }
0x4d: {  	s23 =	simm.s32 $0x1;
	s0 =	sand.u32 $0x80, s25;
	[sflag:s16] =	ssyncset.done $0x0  }
0x4e: {  	s23 =	smov.u32 @p2 s20;
	s0 =	sadd.s32 $0x18180, s0;
	[sflag:s16] =	ssyncadd.s32 $0xFFFFC000  }
0x4f: {  	[spmem:s2] =	stream.indirect.scatter.add.f32 [tilespmem:s15], [sflag:$0x6], $0x80, s0, s15, $0x2000b8;
	[tilespmem:$0x18280] =	vst v63  }
0x50: {  	s20 =	sshll.u32 s21, $0x7;
	s23 =	smov.u32 @p0 s17;
	_ =	swait.ge [sflag:s16], $0x4000  }
0x51: {  	s19 =	sand.u32 $0x80, s20;
	s25 =	sadd.s32 $0x1, s22;
	[sflag:s16] =	ssyncset.done $0x0  }
0x52: {  	s22 =	sand.u32 $0x1, s21;
	s26 =	sadd.s32 $0x1, s24;
	[sflag:s16] =	ssyncadd.s32 $0xFFFFC000  }
.LBB2_2:
0x53: {  	p0 =	seq.s32 s26, $0x50  }
0x54: {  	s26 =	simm.s32 @p0 $0x0;
	p0 =	seq.s32 s30, $0x1  }
0x55: {  	_ =	strace $0x9000004D;
	p1 =	seq.s32 @!p0 s24, s26  }
0x56: {  	s30 =	rddreg [dreg:$0x3];
	p3 =	por p1, p0  }
0x57: {  	p4 =	sne.s32 s24, s26;
	s24 =	sadd.s32 @!p3 s30, s26;
	s30 =	sand.u32 @!p3 $0x1, s23  }
0x58: {  	s13 =	sand.u32 @!p3 $0x1, s25;
	_ =	strace @!p3 $0x80000049;
	s24 =	sshll.u32 @!p3 s24, $0x4  }
0x59: {  	s9 =	simm.s32 @!p3 $0x0;
	s14 =	sshll.u32 @!p3 s30, $0x7;
	s24 =	sand.u32 @!p3 $0x1FFFFFF0, s24  }
0x5a: {  	s30 =	sor.u32 @!p3 $0x2, s30;
	s14 =	sadd.s32 @!p3 $0x18080, s14;
	s8 =	sadd.s32 @!p3 s4, s24  }
0x5b: {  	[tilespmem:s14], [sflag:s30] =	stream.linear.gather @!p3 [hbm4b:s8+s9], $0x80, $0x200038;
	[tilespmem:$0x18280] =	vst v63  }
0x5c: {  	s6 =	sshll.u32 @!p3 s13, $0x7;
	s13 =	sor.u32 @!p3 $0x4, s13;
	_ =	strace @!p3 $0x90000049  }
0x5d: {  	s6 =	sadd.s32 @!p3 $0x18180, s6;
	s8 =	sadd.s32 @!p3 s5, s24;
	_ =	strace @!p3 $0x8000004A  }
0x5e: {  	[tilespmem:s6], [sflag:s13] =	stream.linear.gather @!p3 [hbm4b:s8+s9], $0x80, $0x200038;
	[tilespmem:$0x18280] =	vst v63  }
0x5f: {  	s1 =	sand.u32 $0x1, s21;
	_ =	strace @!p3 $0x9000004A  }
0x60: {  	s1 =	sor.u32 $0x2, s1;
	_ =	strace $0x8000004B  }
0x61: {  	_ =	swait.ge [sflag:s1], $0x80  }
0x62: {  	[sflag:s1] =	ssyncset.done $0x0  }
0x63: {  	[sflag:s1] =	ssyncadd.s32 $0xFFFFFF80  }
0x64: {  	_ =	strace $0x9000004B  }
0x65: {  	s9 =	sor.u32 $0x4, s22;
	_ =	strace $0x8000004C  }
0x66: {  	_ =	swait.ge [sflag:s9], $0x80  }
0x67: {  	[sflag:s9] =	ssyncset.done $0x0  }
0x68: {  	[sflag:s9] =	ssyncadd.s32 $0xFFFFFF80  }
0x69: {  	_ =	strace $0x9000004C  }
0x6a: {  	s13 =	sand.u32 $0x80, s20;
	_ =	strace $0x8000004D  }
0x6b: {  	v1 =	vld [tilespmem:s13+$0x18080];
	_ =	sdelay $0x4  }
0x6c: {  	v1 =	vadd.s32 v0, v1  }
0x6d: {  	[tilespmem:$0x0] =	vst v1  }
0x6e: {  	v1 =	vld [tilespmem:s13+$0x18090];
	_ =	sdelay $0x4  }
0x6f: {  	v1 =	vadd.s32 v0, v1  }
0x70: {  	[tilespmem:$0x10] =	vst v1  }
0x71: {  	v1 =	vld [tilespmem:s13+$0x180A0];
	_ =	sdelay $0x4  }
0x72: {  	v1 =	vadd.s32 v0, v1  }
0x73: {  	[tilespmem:$0x20] =	vst v1  }
0x74: {  	v1 =	vld [tilespmem:s13+$0x180B0];
	_ =	sdelay $0x4  }
0x75: {  	v1 =	vadd.s32 v0, v1  }
0x76: {  	[tilespmem:$0x30] =	vst v1  }
0x77: {  	v1 =	vld [tilespmem:s13+$0x180C0];
	_ =	sdelay $0x4  }
0x78: {  	v1 =	vadd.s32 v0, v1  }
0x79: {  	[tilespmem:$0x40] =	vst v1  }
0x7a: {  	v1 =	vld [tilespmem:s13+$0x180D0];
	_ =	sdelay $0x4  }
0x7b: {  	v1 =	vadd.s32 v0, v1  }
0x7c: {  	[tilespmem:$0x50] =	vst v1  }
0x7d: {  	v1 =	vld [tilespmem:s13+$0x180E0];
	_ =	sdelay $0x4  }
0x7e: {  	v1 =	vadd.s32 v0, v1  }
0x7f: {  	p2 =	por !p1, p0;
	s6 =	simm.s32 $0x0;
	[tilespmem:$0x60] =	vst v1  }
0x80: {  	s6 =	simm.s32 @p2 $0x1;
	v1 =	vld [tilespmem:s13+$0x180F0]  }
0x81: {  	s6 =	simm.s32 @p0 $0x0  }
0x82: {  	p1 =	por p0, p4;
	s25 =	sadd.s32 s25, s6;
	s6 =	simm.s32 $0x1  }
0x83: {  	s31 =	smov.u32 s23;
	s6 =	simm.s32 @!p1 $0x0  }
0x84: {  	s0 =	smov.u32 s28;
	s14 =	sadd.s32 @!p3 $0x1, s23;
	s21 =	sadd.s32 s6, s21  }
0x85: {  	s28 =	sadd.s32 $0xFFFFFFFF, s28;
	s23 =	smov.u32 @p2 s14;
	s14 =	sshll.u32 s21, $0x7;
	v1 =	vadd.s32 v0, v1  }
0x86: {  	s19 =	sadd.s32 $0x18180, s19;
	s20 =	smov.u32 s14;
	s14 =	rddreg [dreg:$0x4];
	[tilespmem:$0x70] =	vst v1  }
0x87: {  	[tilespmem:s15], [sflag:$0x6] =	stream.indirect.gather [hbm4b:s14+s15], $0x80, s3, s15, $0x2000b8;
	[tilespmem:$0x18280] =	vst v63  }
0x88: {  	s24 =	smov.u32 s26;
	s30 =	smov.u32 s0;
	_ =	swait.ge [sflag:s16], $0x4000  }
0x89: {  	s23 =	smov.u32 @p0 s31;
	p0 =	sne.s32 s28, $0x0;
	[sflag:s16] =	ssyncset.done $0x0  }
.Ltmp0:
0x8a: {  	s29 =	sadd.s32 s6, s29;
	[sflag:s16] =	ssyncadd.s32 $0xFFFFC000;
	(pc) =	sbr.rel @p0 .LBB2_2-.Ltmp0, $4  }
0x8b: {  	[spmem:s2] =	stream.indirect.scatter.add.f32 [tilespmem:s15], [sflag:$0x6], $0x80, s19, s15, $0x2000b8;
	[tilespmem:$0x18280] =	vst v63  }
0x8c: {  	s26 =	sadd.s32 $0x1, s26;
	s31 =	sshll.u32 s29, $0x7;
	_ =	swait.ge [sflag:s16], $0x4000  }
0x8d: {  	s6 =	sand.u32 $0x1, s29;
	s31 =	sand.u32 $0x80, s31;
	[sflag:s16] =	ssyncset.done $0x0  }
0x8e: {  	s22 =	smov.u32 s6;
	s19 =	smov.u32 s31;
	[sflag:s16] =	ssyncadd.s32 $0xFFFFC000  }
0x8f: {  	p0 =	seq.s32 s26, $0x50  }
0x90: {  	s26 =	simm.s32 @p0 $0x0;
	p0 =	seq.s32 s30, $0x1  }
0x91: {  	_ =	strace $0x9000004D;
	p1 =	seq.s32 @!p0 s24, s26  }
0x92: {  	s0 =	rddreg [dreg:$0x3];
	p0 =	por p1, p0  }
0x93: {  	s0 =	sadd.s32 @!p0 s0, s26;
	s1 =	sand.u32 @!p0 $0x1, s23  }
0x94: {  	s6 =	sand.u32 @!p0 $0x1, s25;
	_ =	strace @!p0 $0x80000049;
	s0 =	sshll.u32 @!p0 s0, $0x4  }
0x95: {  	s14 =	simm.s32 @!p0 $0x0;
	s8 =	sshll.u32 @!p0 s1, $0x7;
	s0 =	sand.u32 @!p0 $0x1FFFFFF0, s0  }
0x96: {  	s1 =	sor.u32 @!p0 $0x2, s1;
	s8 =	sadd.s32 @!p0 $0x18080, s8;
	s13 =	sadd.s32 @!p0 s4, s0  }
0x97: {  	[tilespmem:s8], [sflag:s1] =	stream.linear.gather @!p0 [hbm4b:s13+s14], $0x80, $0x200038;
	[tilespmem:$0x18280] =	vst v63  }
0x98: {  	s9 =	sshll.u32 @!p0 s6, $0x7;
	s6 =	sor.u32 @!p0 $0x4, s6;
	_ =	strace @!p0 $0x90000049  }
0x99: {  	s0 =	sadd.s32 @!p0 s5, s0;
	s1 =	sadd.s32 @!p0 $0x18180, s9;
	_ =	strace @!p0 $0x8000004A  }
0x9a: {  	[tilespmem:s1], [sflag:s6] =	stream.linear.gather @!p0 [hbm4b:s0+s14], $0x80, $0x200038;
	[tilespmem:$0x18280] =	vst v63  }
0x9b: {  	s26 =	sand.u32 $0x1, s21;
	_ =	strace @!p0 $0x9000004A  }
0x9c: {  	s0 =	sor.u32 $0x2, s26;
	_ =	strace $0x8000004B  }
0x9d: {  	_ =	swait.ge [sflag:s0], $0x80  }
0x9e: {  	[sflag:s0] =	ssyncset.done $0x0  }
0x9f: {  	[sflag:s0] =	ssyncadd.s32 $0xFFFFFF80  }
0xa0: {  	_ =	strace $0x9000004B  }
0xa1: {  	s28 =	sor.u32 $0x4, s22;
	_ =	strace $0x8000004C  }
0xa2: {  	_ =	swait.ge [sflag:s28], $0x80  }
0xa3: {  	[sflag:s28] =	ssyncset.done $0x0  }
0xa4: {  	[sflag:s28] =	ssyncadd.s32 $0xFFFFFF80  }
0xa5: {  	_ =	strace $0x9000004C  }
0xa6: {  	s29 =	sand.u32 $0x80, s20;
	_ =	strace $0x8000004D  }
0xa7: {  	v1 =	vld [tilespmem:s29+$0x18080];
	_ =	sdelay $0x4  }
0xa8: {  	v1 =	vadd.s32 v0, v1  }
0xa9: {  	[tilespmem:$0x0] =	vst v1  }
0xaa: {  	v1 =	vld [tilespmem:s29+$0x18090];
	_ =	sdelay $0x4  }
0xab: {  	v1 =	vadd.s32 v0, v1  }
0xac: {  	[tilespmem:$0x10] =	vst v1  }
0xad: {  	v1 =	vld [tilespmem:s29+$0x180A0];
	_ =	sdelay $0x4  }
0xae: {  	v1 =	vadd.s32 v0, v1  }
0xaf: {  	[tilespmem:$0x20] =	vst v1  }
0xb0: {  	v1 =	vld [tilespmem:s29+$0x180B0];
	_ =	sdelay $0x4  }
0xb1: {  	v1 =	vadd.s32 v0, v1  }
0xb2: {  	[tilespmem:$0x30] =	vst v1  }
0xb3: {  	v1 =	vld [tilespmem:s29+$0x180C0];
	_ =	sdelay $0x4  }
0xb4: {  	v1 =	vadd.s32 v0, v1  }
0xb5: {  	[tilespmem:$0x40] =	vst v1  }
0xb6: {  	v1 =	vld [tilespmem:s29+$0x180D0];
	_ =	sdelay $0x4  }
0xb7: {  	v1 =	vadd.s32 v0, v1  }
0xb8: {  	[tilespmem:$0x50] =	vst v1  }
0xb9: {  	v1 =	vld [tilespmem:s29+$0x180E0];
	_ =	sdelay $0x4  }
0xba: {  	v1 =	vadd.s32 v0, v1  }
0xbb: {  	[tilespmem:$0x60] =	vst v1  }
0xbc: {  	v1 =	vld [tilespmem:s29+$0x180F0];
	_ =	sdelay $0x4  }
0xbd: {  	v1 =	vadd.s32 v0, v1  }
0xbe: {  	s30 =	rddreg [dreg:$0x4];
	[tilespmem:$0x70] =	vst v1  }
0xbf: {  	[tilespmem:s15], [sflag:$0x6] =	stream.indirect.gather [hbm4b:s30+s15], $0x80, s3, s15, $0x2000b8;
	[tilespmem:$0x18280] =	vst v63  }
0xc0: {  	_ =	swait.ge [sflag:s16], $0x4000  }
0xc1: {  	[sflag:s16] =	ssyncset.done $0x0  }
0xc2: {  	s31 =	sadd.s32 $0x18180, s19;
	[sflag:s16] =	ssyncadd.s32 $0xFFFFC000  }
0xc3: {  	[spmem:s2] =	stream.indirect.scatter.add.f32 [tilespmem:s15], [sflag:$0x6], $0x80, s31, s15, $0x2000b8;
	[tilespmem:$0x18280] =	vst v63  }
0xc4: {  	_ =	swait.ge [sflag:s16], $0x4000  }
0xc5: {  	[sflag:s16] =	ssyncset.done $0x0  }
0xc6: {  	s18 =	sadd.s32 $0x1, s18;
	[sflag:s16] =	ssyncadd.s32 $0xFFFFC000  }
0xc7: {  	p0 =	sne.s32 s18, s11;
	_ =	strace $0x9000004D  }
.Ltmp1:
0xc8: {  	[bflag:$0x0] =	sbarrier.arrive $0xFFFF;
	(pc) =	sbr.rel @p0 .LBB2_1-.Ltmp1, $4  }
0xc9: {  	[hbm:s10], [sflag:s7] =	dma.local [spmem:s12], $0x2800  }
0xca: {  	_ =	swait.ge [sflag:s17], $0x2800  }
0xcb: {  	[sflag:s17] =	ssyncset.done $0x0  }
0xcc: {  	[sflag:s17] =	ssyncadd.s32 $0xFFFFD800  }
0xcd: {  	_ =	sfence.sel $0x180000  }
0xce: {  	[bflag:$0x0] =	sbarrier.arrive $0xFFFF  }
0xcf: {  	_ =	strace $0x90000047  }
0xd0: {  	s0 =	stileid.u32;
	[bflag:$0x2] =	sbarrier.arrive $0xFFFF  }
0xd1: {  	p0 =	sne.s32 s0, $0x0;
	s0 =	rddreg [dreg:$0x2]  }
0xd2: {  	s0 =	sadd.s32 @!p0 $0x100000, s0  }
0xd3: {  	[sflag:s0] =	ssyncadd.tile.s32 @!p0 $0x1;
	_ =	shalt  }
.Lfunc_end2:
_tile_overlayer_lowered:
.L_overlay_start_2:
0xd4: {  	(tag) =	ssettag $0x2  }
0xd5: {  	s0 =	rddreg [dreg:$0x0];
	s2 =	stileid.u32  }
0xd6: {  	s1 =	rddreg [dreg:$0x1];
	p0 =	sne.s32 s2, $0x0  }
0xd7: {  	s3 =	rddreg [dreg:$0x2];
	[bflag:$0x3] =	sbarrier.arrive $0xFFFF;
	s2 =	simm.s32 @!p0 $0x1C02  }
0xd8: {  	[timem:s3], [sflag:s2] =	dma.local @!p0 [hbm:s0], s1  }
0xd9: {  	s0 =	simm.s32 @!p0 $0x2  }
0xda: {  	_ =	swait.ge @!p0 [sflag:s0], s1  }
0xdb: {  	s1 =	ssub.s32 @!p0 $0x0, s1;
	[sflag:s0] =	ssyncset.done @!p0 $0x0  }
0xdc: {  	[sflag:s0] =	ssyncadd.s32 @!p0 s1  }
0xdd: {  	[bflag:$0x3] =	sbarrier.arrive $0xFFFF  }
0xde: {  	_ =	shalt  }

// kernel: kernel.14.cloned.1.call-start
scs
__scs_entry_jumppad:
0x0: {  	(pc) =	sbr.rel $0x88, $3  }
0x1: {  	(tag) =	ssettag $0x0;
	lr =	simm.s32 $0x1  }
0x2: {  	[smem:$0x3F92] =	sst lr;
	_ =	strace $0xD0000000  }
0x3: {  	_ = 	snop  }
0x4: {  	_ = 	snop  }
0x5: {  	_ = 	snop  }
0x6: {  	_ = 	snop  }
0x7: {  	_ = 	snop  }
__scs_overlays_trampoline_lowered:
0x8: {  	[smem:$0x3FA1] =	sst s0  }
0x9: {  	[smem:$0x3FA2] =	sst s1  }
0xa: {  	[smem:$0x3FA3] =	sst s2  }
0xb: {  	[smem:$0x3FA4] =	sst s3  }
0xc: {  	[smem:$0x3FA5] =	sst s4  }
0xd: {  	[smem:$0x3FA6] =	sst s5  }
0xe: {  	[smem:$0x3FA7] =	sst s6  }
0xf: {  	[smem:$0x3FA8] =	sst s7  }
0x10: {  	[smem:$0x3FA9] =	sst s8  }
0x11: {  	[smem:$0x3FAA] =	sst s9;
	s0 =	simm.s32 @!p0 $0x0  }
0x12: {  	s1 =	sld [smem:$0x3F90];
	s0 =	simm.s32 @p0 $0x1  }
0x13: {  	[smem:$0x3FAB] =	sst s0;
	s0 =	simm.s32 @!p1 $0x0  }
0x14: {  	s2 =	sld [smem:$0x3F8F];
	s0 =	simm.s32 @p1 $0x1  }
0x15: {  	[smem:$0x3FAC] =	sst s0;
	s0 =	simm.s32 @!p2 $0x0  }
0x16: {  	s3 =	sld [smem:$0x3FDB];
	s0 =	simm.s32 @p2 $0x1  }
0x17: {  	s4 =	simm.s32 $0x1BF5;
	[smem:$0x3FAE] =	sst s0  }
0x18: {  	s0 =	sld [smem:$0x3F91];
	_ =	swait.ge [sflag:s4], $0x0  }
0x19: {  	s7 =	sld [smem:$0x3F92]  }
0x1a: {  	s8 =	sadd.s32 $0xFFFFE003, lr  }
0x1b: {  	s9 =	sadd.s32 $0xFFFFFEF7, lr;
	s5 =	simm.s32 $0xFFFFFFFF;
	p2 =	slt.u32 s8, $0xFFFFF086  }
0x1c: {  	p1 =	slt.u32 s9, $0xF7A;
	s5 =	simm.s32 @!p2 $0x0  }
0x1d: {  	s5 =	simm.s32 @p1 $0x1;
	p0 =	seq.s32 s7, s2  }
0x1e: {  	s7 =	smul.u32 @!p0 $0xF7A, s2;
	p2 =	seq.s32 @!p0 s5, $0x0  }
0x1f: {  	s9 =	smul.u32 $0xF7A, s1;
	s8 =	simm.s32 @!p0 $0x1BF5;
	p2 =	por !p2, p0  }
0x20: {  	[sflag:s8] =	ssyncset.s32 @!p0 $0xFFFFF086;
	s6 =	sadd.s32 @!p0 s3, s7;
	s7 =	simm.s32 @!p0 $0x108  }
0x21: {  	s3 =	sadd.s32 s3, s9;
	s6 =	sadd.s32 @!p0 $0x88, s6;
	s7 =	simm.s32 @p2 $0x1082  }
0x22: {  	[simem:s7], [sflag:s8] =	dma.local @!p0 [hbm:s6], $0xF7A  }
0x23: {  	s9 =	sor.u32 $0xD0000000, s2;
	s6 =	simm.s32 $0x108;
	_ =	swait.ge @!p0 [sflag:s8], $0x0  }
0x24: {  	s3 =	sadd.s32 $0x88, s3;
	s6 =	simm.s32 @!p1 $0x1082;
	[sflag:s4] =	ssyncset.s32 $0xFFFFF086  }
0x25: {  	[simem:s6], [sflag:s4] =	dma.local [hbm:s3], $0xF7A  }
0x26: {  	[smem:$0x3F92] =	sst s1;
	(tag) =	ssettag s2;
	_ =	strace s9  }
0x27: {  	s1 =	sld [smem:$0x3FA2]  }
0x28: {  	s2 =	sld [smem:$0x3FA3]  }
0x29: {  	s4 =	sld [smem:$0x3FA5]  }
0x2a: {  	p0 =	seq.s32 s5, $0x0;
	s5 =	sld [smem:$0x3FA6]  }
0x2b: {  	s6 =	sld [smem:$0x3FA7]  }
0x2c: {  	s7 =	sld [smem:$0x3FA8]  }
0x2d: {  	s3 =	simm.s32 $0x108;
	s8 =	sld [smem:$0x3FA9]  }
0x2e: {  	s3 =	simm.s32 @!p0 $0x1082;
	s9 =	sld [smem:$0x3FAA]  }
0x2f: {  	lr =	sadd.s32 s0, s3;
	s0 =	sld [smem:$0x3FA1]  }
0x30: {  	s3 =	sld [smem:$0x3FA4]  }
0x31: {  	[smem:$0x3FAD] =	sst s10  }
0x32: {  	s10 =	sld [smem:$0x3FAB];
	_ =	sdelay $0x3  }
0x33: {  	p0 =	seq.s32 s10, $0x1;
	s10 =	sld [smem:$0x3FAD];
	_ =	sdelay $0x3  }
0x34: {  	[smem:$0x3FAD] =	sst s10  }
0x35: {  	s10 =	sld [smem:$0x3FAC];
	_ =	sdelay $0x3  }
0x36: {  	p1 =	seq.s32 s10, $0x1;
	s10 =	sld [smem:$0x3FAD];
	_ =	sdelay $0x3  }
0x37: {  	[smem:$0x3FAD] =	sst s10  }
0x38: {  	s10 =	sld [smem:$0x3FAE]  }
0x39: {  	_ = 	snop;
	(pc) =	sbr.ind lr, $3  }
0x3a: {  	_ = 	snop  }
0x3b: {  	_ = 	snop  }
0x3c: {  	p2 =	seq.s32 s10, $0x1;
	s10 =	sld [smem:$0x3FAD]  }
0x3d: {  	_ =	shalt  }
0x3e: {  	_ =	shalt  }
0x3f: {  	_ =	shalt  }
0x40: {  	_ =	shalt  }
0x41: {  	_ =	shalt  }
0x42: {  	_ =	shalt  }
0x43: {  	_ =	shalt  }
0x44: {  	_ =	shalt  }
0x45: {  	_ =	shalt  }
0x46: {  	_ =	shalt  }
0x47: {  	_ =	shalt  }
0x48: {  	_ =	shalt  }
0x49: {  	_ =	shalt  }
0x4a: {  	_ =	shalt  }
0x4b: {  	_ =	shalt  }
0x4c: {  	_ =	shalt  }
0x4d: {  	_ =	shalt  }
0x4e: {  	_ =	shalt  }
0x4f: {  	_ =	shalt  }
0x50: {  	_ =	shalt  }
0x51: {  	_ =	shalt  }
0x52: {  	_ =	shalt  }
0x53: {  	_ =	shalt  }
0x54: {  	_ =	shalt  }
0x55: {  	_ =	shalt  }
0x56: {  	_ =	shalt  }
0x57: {  	_ =	shalt  }
0x58: {  	_ =	shalt  }
0x59: {  	_ =	shalt  }
0x5a: {  	_ =	shalt  }
0x5b: {  	_ =	shalt  }
0x5c: {  	_ =	shalt  }
0x5d: {  	_ =	shalt  }
0x5e: {  	_ =	shalt  }
0x5f: {  	_ =	shalt  }
0x60: {  	_ =	shalt  }
0x61: {  	_ =	shalt  }
0x62: {  	_ =	shalt  }
0x63: {  	_ =	shalt  }
0x64: {  	_ =	shalt  }
0x65: {  	_ =	shalt  }
0x66: {  	_ =	shalt  }
0x67: {  	_ =	shalt  }
0x68: {  	_ =	shalt  }
0x69: {  	_ =	shalt  }
0x6a: {  	_ =	shalt  }
0x6b: {  	_ =	shalt  }
0x6c: {  	_ =	shalt  }
0x6d: {  	_ =	shalt  }
0x6e: {  	_ =	shalt  }
0x6f: {  	_ =	shalt  }
0x70: {  	_ =	shalt  }
0x71: {  	_ =	shalt  }
0x72: {  	_ =	shalt  }
0x73: {  	_ =	shalt  }
0x74: {  	_ =	shalt  }
0x75: {  	_ =	shalt  }
0x76: {  	_ =	shalt  }
0x77: {  	_ =	shalt  }
0x78: {  	_ =	shalt  }
0x79: {  	_ =	shalt  }
0x7a: {  	_ =	shalt  }
0x7b: {  	_ =	shalt  }
0x7c: {  	_ =	shalt  }
0x7d: {  	_ =	shalt  }
0x7e: {  	_ =	shalt  }
0x7f: {  	_ =	shalt  }
0x80: {  	_ =	shalt  }
0x81: {  	_ =	shalt  }
0x82: {  	_ =	shalt  }
0x83: {  	_ =	shalt  }
0x84: {  	_ =	shalt  }
0x85: {  	_ =	shalt  }
0x86: {  	_ =	shalt  }
0x87: {  	_ =	shalt  }
.Lfunc_end0:
.L_simem_size_0:
called_computation.1_lowered:
.L_overlay_start_0:
0x88: {  	s2 =	sld [smem:$0x3FD9]  }
0x89: {  	s3 =	sld [smem:$0x3FFE];
	_ =	sdelay $0x1  }
0x8a: {  	s1 =	srdreg.scid  }
0x8b: {  	s0 =	sand.u32 $0x1, s1  }
0x8c: {  	s17 =	sshll.u32 s0, $0xA;
	s2 =	sadd.s32 s3, s2  }
0x8d: {  	s2 =	sadd.s32 s2, s17  }
0x8e: {  	[smem:$0x3FB9] =	sst s2  }
0x8f: {  	_ = 	snop  }
0x90: {  	s18 =	sld [smem:$0x3FD0];
	(tm) =	ssettm $0x1  }
0x91: {  	s19 =	sld [smem:$0x3FFB];
	_ =	sdelay $0x3  }
0x92: {  	_ =	strace s19  }
0x93: {  	s2 =	sld [smem:$0x3FFC];
	_ =	sdelay $0x3  }
0x94: {  	_ =	strace s2  }
0x95: {  	s2 =	sld [smem:$0x3FFD];
	_ =	sdelay $0x3  }
0x96: {  	_ =	strace s2  }
0x97: {  	_ =	strace $0x8FFFFFFF  }
0x98: {  	s20 =	sld [smem:$0x3FDB];
	_ =	sdelay $0x1  }
0x99: {  	s4 =	simm.s32 $_scs_section_size  }
0x9a: {  	s5 =	simm.s32 $_size__tile_overlayer_lowered;
	s6 =	simm.s32 $_tile_overlayer_lowered  }
0x9b: {  	s7 =	simm.s32 $0x1BFF;
	s21 =	sshll.u32 s6, $0x1;
	s4 =	sadd.s32 s4, s20  }
0x9c: {  	s22 =	simm.s32 $0x0;
	s5 =	sshll.u32 s5, $0x1;
	s6 =	sadd.s32 s21, s4  }
0x9d: {  	[timem:s22], [sflag:s7] =	dma.local [hbm:s6], s5  }
0x9e: {  	_ =	swait.ge [sflag:s7], s5  }
0x9f: {  	s5 =	ssub.s32 $0x0, s5;
	[sflag:s7] =	ssyncset.done $0x0  }
0xa0: {  	[sflag:s7] =	ssyncadd.s32 s5;
	_ =	sdelay $0x1  }
0xa1: {  	s23 =	simm.s32 $0x1B8B  }
0xa2: {  	_ =	swait.ge [sflag:s23], $0x1  }
0xa3: {  	[sflag:s23] =	ssyncset.done $0x0  }
0xa4: {  	[sflag:s23] =	ssyncadd.s32 $0xFFFFFFFF  }
0xa5: {  	s5 =	sld [smem:$0x0]  }
0xa6: {  	s6 =	sand.u32 $0xFFFFFFFE, s1  }
0xa7: {  	p0 =	sne.s32 s1, s6  }
0xa8: {  	s6 =	sshll.u32 @p0 s6, $0xE  }
0xa9: {  	s6 =	sadd.s32 @p0 $0x11B8D, s6;
	s7 =	sshll.u32 @p0 s5, $0x11  }
0xaa: {  	s6 =	sor.u32 @p0 s7, s6  }
0xab: {  	[sflag:s6] =	ssyncadd.remote.s32 @p0 $0x1;
	_ =	sdelay $0x1  }
0xac: {  	s6 =	simm.s32 @p0 $0x1B8D  }
0xad: {  	_ =	swait.eq @p0 [sflag:s6], $0x1  }
0xae: {  	[sflag:s6] =	ssyncadd.s32 @p0 $0xFFFFFFFF  }
0xaf: {  	s7 =	sshll.u32 @!p0 s1, $0xE  }
0xb0: {  	s7 =	sor.u32 @!p0 $0x4000, s7;
	s6 =	simm.s32 @!p0 $0x1B8D  }
0xb1: {  	s5 =	sshll.u32 @!p0 s5, $0x11;
	s7 =	sadd.s32 @!p0 $0x11B8D, s7;
	_ =	swait.eq @!p0 [sflag:s6], $0x1  }
0xb2: {  	s5 =	sor.u32 @!p0 s5, s7;
	[sflag:s6] =	ssyncadd.s32 @!p0 $0xFFFFFFFF  }
0xb3: {  	s25 =	simm.s32 $0x1B8E;
	s24 =	sld [smem:$0x3FFE];
	[sflag:s5] =	ssyncadd.remote.s32 @!p0 $0x1  }
0xb4: {  	s26 =	simm.s32 $execute0_lowered;
	[smem:$0x3FD2] =	sst s25  }
0xb5: {  	s6 =	sshll.u32 s26, $0x1;
	_ =	strace $0x8000004F;
	[dreg:$0x1] =	wrdreg $0xFFFFFFFF  }
0xb6: {  	s28 =	simm.s32 $_size_execute0_lowered;
	s4 =	sadd.s32 s4, s6;
	[dreg:$0x0] =	wrdreg $0x0  }
0xb7: {  	s6 =	sshll.u32 s28, $0x1;
	[dreg:$0x2] =	wrdreg s4  }
0xb8: {  	[dreg:$0x3] =	wrdreg s6  }
0xb9: {  	[dreg:$0x4] =	wrdreg $0xC0  }
0xba: {  	_ =	task [dreg:s22], $0x5FFFF  }
0xbb: {  	[dreg:$0x1] =	wrdreg $0xFFFFFFFF  }
0xbc: {  	[dreg:$0x0] =	wrdreg $0x60  }
0xbd: {  	[dreg:$0x2] =	wrdreg s18  }
0xbe: {  	[dreg:$0x3] =	wrdreg s24  }
0xbf: {  	[dreg:$0x4] =	wrdreg $0x40000  }
0xc0: {  	[dreg:$0x5] =	wrdreg $0xA  }
0xc1: {  	_ =	task.clear_ibuf [dreg:s22], $0x6FFFF;
	_ =	strace $0x9000004F  }
0xc2: {  	s29 =	simm.s32 $0xA;
	_ =	strace $0x80000057  }
0xc3: {  	_ =	swait.ge [sflag:s29], $0x1  }
0xc4: {  	[sflag:s29] =	ssyncadd.s32 $0xFFFFFFFF  }
0xc5: {  	_ =	strace $0x90000057  }
0xc6: {  	_ =	sfence  }
0xc7: {  	s30 =	sld [smem:$0x0];
	_ =	sdelay $0x2  }
0xc8: {  	s31 =	sshll.u32 s1, $0xD;
	s1 =	sshrl.u32 s1, $0x2  }
0xc9: {  	s4 =	sand.u32 $0x4000, s31;
	s1 =	sadd.s32 s1, s30  }
0xca: {  	s0 =	sor.u32 s4, s0;
	s1 =	sshll.u32 s1, $0x11  }
0xcb: {  	s0 =	sor.u32 s1, s0  }
0xcc: {  	s0 =	sadd.s32 $0x8F2B, s0  }
0xcd: {  	[sflag:s0] =	ssyncadd.remote.s32 $0x1  }
0xce: {  	_ =	sfence.sel $0xFFFF  }
0xcf: {  	[dreg:$0x0] =	wrdreg $0xFFFFFFFF;
	(pc) =	sbr.abs _section_cstart, $3  }
0xd0: {  	[dreg:$0x1] =	wrdreg $0xFFFFFFFF  }
0xd1: {  	_ =	task.clear_ibuf [dreg:s22], $0x2FFFF;
	_ =	strace $0x9FFFFFFF  }
0xd2: {  	(tm) =	ssettm $0x7FFFFFFF  }
0xd3: {  	_ =	shalt  }
tec
execute0_lowered:
.L_overlay_start_1:
0x0: {  	(tag) =	ssettag $0x1  }
0x1: {  	s1 =	rddreg [dreg:$0x0]  }
0x2: {  	s7 =	rddreg [dreg:$0x1]  }
0x3: {  	s3 =	rddreg [dreg:$0x2];
	s4 =	simm.s32 $0x0;
	s0 =	stileid.u32  }
0x4: {  	s5 =	srdreg.scid;
	s16 =	simm.s32 $0x80;
	s17 =	simm.s32 $0x6  }
0x5: {  	s18 =	simm.s32 $0x1;
	s19 =	simm.s32 $0x0;
	[smem:$0x7FF] =	sst s4  }
0x6: {  	s8 =	smul.u32 $0x2800, s0;
	s9 =	sand.u32 $0x1, s5;
	s5 =	sadd.s32 $0x4400, s7  }
0x7: {  	s6 =	sadd.s32 $0x9400, s7;
	s13 =	smul.u32 $0x50000, s0;
	s28 =	sshll.u32 s0, $0x6  }
0x8: {  	s10 =	smul.u32 $0x28000, s9;
	s24 =	ssub.s32 $0x2, s9;
	s9 =	sshll.u32 s9, $0x4  }
0x9: {  	_ =	strace $0x80000050;
	s11 =	sadd.s32 s8, s7;
	s9 =	sor.u32 s0, s9  }
0xa: {  	s12 =	sshrl.u32 s24, $0x1;
	s26 =	sshrl.u32 s13, $0x2;
	s25 =	smul.u32 $0x28, s9  }
0xb: {  	s8 =	sadd.s32 s8, s10;
	s12 =	ssub.s32 s24, s12;
	s29 =	smul.u32 $0x280, s9  }
0xc: {  	s15 =	sadd.s32 s26, s3;
	s30 =	sadd.s32 $0x5C600, s11;
	s14 =	sadd.s32 s8, s7  }
0xd: {  	[dreg:$0x5] =	wrdreg s30;
	s8 =	sor.u32 $0x1C01, s28;
	s12 =	smax.u32 s12, $0x1  }
0xe: {  	s13 =	sshrl.u32 s15, $0x3;
	[dreg:$0x4] =	wrdreg s25;
	s31 =	sadd.s32 s5, s29  }
0xf: {  	s10 =	sadd.s32 s6, s29;
	s11 =	sadd.s32 $0xD4600, s14;
	[dreg:$0x6] =	wrdreg s31  }
.LBB2_1:
0x10: {  	s0 =	rddreg [dreg:$0x5]  }
0x11: {  	[spmem:s13], [sflag:s8] =	dma.local [hbm:s0], $0x2800  }
0x12: {  	_ =	swait.ge [sflag:s18], $0x2800  }
0x13: {  	[sflag:s18] =	ssyncset.done $0x0  }
0x14: {  	[sflag:s18] =	ssyncadd.s32 $0xFFFFD800  }
0x15: {  	[bflag:$0x0] =	sbarrier.arrive $0xFFFF  }
0x16: {  	_ =	strace $0x80000051  }
0x17: {  	s2 =	simm.s32 $0x18000;
	s7 =	rddreg [dreg:$0x6]  }
0x18: {  	[tilespmem:s2], [sflag:$0x2] =	stream.linear.gather [hbm4b:s7+s4], $0x80, $0x200038;
	[tilespmem:$0x18200] =	vst v63  }
0x19: {  	s9 =	simm.s32 $0x18100;
	s21 =	simm.s32 $0x1;
	p0 =	por $0x0, $0x0  }
0x1a: {  	[tilespmem:s9], [sflag:$0x4] =	stream.linear.gather [hbm4b:s10+s4], $0x80, $0x200038;
	[tilespmem:$0x18200] =	vst v63  }
0x1b: {  	s21 =	simm.s32 @p0 $0x0;
	_ =	strace $0x90000051  }
0x1c: {  	p0 =	seq.s32 s21, $0x0;
	s20 =	rddreg [dreg:$0x4]  }
0x1d: {  	s20 =	sadd.s32 @!p0 s20, s21  }
0x1e: {  	s22 =	sand.u32 @!p0 $0x1, s18;
	s28 =	simm.s32 @!p0 $0x0;
	s20 =	sshll.u32 @!p0 s20, $0x4  }
0x1f: {  	s23 =	sshll.u32 @!p0 s22, $0x7;
	s24 =	sor.u32 @!p0 $0x2, s22;
	s20 =	sand.u32 @!p0 $0x1FFFFFF0, s20  }
0x20: {  	s25 =	sor.u32 @!p0 $0x18000, s23;
	_ =	strace @!p0 $0x80000052;
	s26 =	sadd.s32 @!p0 s5, s20  }
0x21: {  	[tilespmem:s25], [sflag:s24] =	stream.linear.gather @!p0 [hbm4b:s26+s28], $0x80, $0x200038;
	[tilespmem:$0x18200] =	vst v63  }
0x22: {  	s22 =	sor.u32 @!p0 $0x4, s22;
	_ =	strace @!p0 $0x90000052  }
0x23: {  	s23 =	sor.u32 @!p0 $0x18100, s23;
	s20 =	sadd.s32 @!p0 s6, s20;
	_ =	strace @!p0 $0x80000053  }
0x24: {  	[tilespmem:s23], [sflag:s22] =	stream.linear.gather @!p0 [hbm4b:s20+s28], $0x80, $0x200038;
	[tilespmem:$0x18200] =	vst v63  }
0x25: {  	s14 =	sand.u32 $0x1, s4;
	_ =	strace @!p0 $0x90000053  }
0x26: {  	s15 =	sor.u32 $0x2, s14;
	_ =	strace $0x80000054  }
0x27: {  	_ =	swait.ge [sflag:s15], $0x80  }
0x28: {  	[sflag:s15] =	ssyncset.done $0x0  }
0x29: {  	[sflag:s15] =	ssyncadd.s32 $0xFFFFFF80  }
0x2a: {  	_ =	strace $0x90000054  }
0x2b: {  	s20 =	sor.u32 $0x4, s14;
	_ =	strace $0x80000055  }
0x2c: {  	p1 =	sne.s32 s21, $0x0;
	_ =	swait.ge [sflag:s20], $0x80  }
0x2d: {  	s29 =	smov.u32 s21;
	s31 =	simm.s32 @!p0 $0x2;
	[sflag:s20] =	ssyncset.done $0x0  }
0x2e: {  	s31 =	smov.u32 @p0 s18;
	s23 =	simm.s32 $0x0;
	[sflag:s20] =	ssyncadd.s32 $0xFFFFFF80  }
0x2f: {  	s26 =	simm.s32 $0x25;
	s22 =	sand.u32 $0x80, s23;
	_ =	strace $0x90000055  }
0x30: {  	s24 =	sor.u32 $0x18000, s22;
	s20 =	simm.s32 $0x1;
	_ =	strace $0x80000056  }
0x31: {  	[tilespmem:s4], [sflag:$0x6] =	stream.indirect.gather [hbm4b:s1+s16], $0x80, s24, s16, $0x2000b8;
	[tilespmem:$0x18200] =	vst v63  }
0x32: {  	s22 =	sor.u32 $0x18100, s22;
	s20 =	simm.s32 @!p1 $0x0;
	_ =	swait.ge [sflag:s17], $0x4000  }
0x33: {  	s20 =	sadd.s32 $0x0, s20;
	s24 =	simm.s32 @!p0 $0x1;
	[sflag:s17] =	ssyncset.done $0x0  }
0x34: {  	s25 =	sshll.u32 s20, $0x7;
	s30 =	sand.u32 $0x1, s20;
	[sflag:s17] =	ssyncadd.s32 $0xFFFFC000  }
0x35: {  	[spmem:s3] =	stream.indirect.scatter.add.f32 [tilespmem:s4], [sflag:$0x6], $0x80, s22, s16, $0x2000b8;
	[tilespmem:$0x18200] =	vst v63  }
0x36: {  	s24 =	simm.s32 @p0 $0x0;
	s23 =	sand.u32 $0x80, s25;
	_ =	swait.ge [sflag:s17], $0x4000  }
0x37: {  	s25 =	smov.u32 s30;
	s28 =	sadd.s32 $0x1, s24;
	[sflag:s17] =	ssyncset.done $0x0  }
0x38: {  	s24 =	smov.u32 s23;
	s22 =	smov.u32 s20;
	[sflag:s17] =	ssyncadd.s32 $0xFFFFC000  }
.LBB2_2:
0x39: {  	s21 =	sadd.s32 $0x1, s21  }
0x3a: {  	p1 =	seq.s32 s21, $0x28  }
0x3b: {  	s0 =	smov.u32 s31;
	_ =	strace $0x90000056;
	s21 =	simm.s32 @p1 $0x0  }
0x3c: {  	s31 =	rddreg [dreg:$0x4];
	p1 =	seq.s32 s29, s21;
	p2 =	sne.s32 s29, s21  }
0x3d: {  	s29 =	sor.u32 $0x2, s30;
	s30 =	sadd.s32 @!p1 s31, s21;
	s31 =	sand.u32 @!p1 $0x1, s0  }
0x3e: {  	s2 =	sand.u32 @!p1 $0x1, s28;
	_ =	strace @!p1 $0x80000052;
	s30 =	sshll.u32 @!p1 s30, $0x4  }
0x3f: {  	s9 =	simm.s32 @!p1 $0x0;
	s14 =	sshll.u32 @!p1 s31, $0x7;
	s30 =	sand.u32 @!p1 $0x1FFFFFF0, s30  }
0x40: {  	s31 =	sor.u32 @!p1 $0x2, s31;
	s14 =	sor.u32 @!p1 $0x18000, s14;
	s7 =	sadd.s32 @!p1 s5, s30  }
0x41: {  	[tilespmem:s14], [sflag:s31] =	stream.linear.gather @!p1 [hbm4b:s7+s9], $0x80, $0x200038;
	[tilespmem:$0x18200] =	vst v63  }
0x42: {  	s15 =	sshll.u32 @!p1 s2, $0x7;
	s2 =	sor.u32 @!p1 $0x4, s2;
	_ =	strace @!p1 $0x90000052  }
0x43: {  	s7 =	sor.u32 @!p1 $0x18100, s15;
	s14 =	sadd.s32 @!p1 s6, s30;
	_ =	strace @!p1 $0x80000053  }
0x44: {  	[tilespmem:s7], [sflag:s2] =	stream.linear.gather @!p1 [hbm4b:s14+s9], $0x80, $0x200038;
	[tilespmem:$0x18200] =	vst v63  }
0x45: {  	_ =	strace @!p1 $0x90000053  }
0x46: {  	_ =	strace $0x80000054  }
0x47: {  	_ =	swait.ge [sflag:s29], $0x80  }
0x48: {  	[sflag:s29] =	ssyncset.done $0x0  }
0x49: {  	[sflag:s29] =	ssyncadd.s32 $0xFFFFFF80  }
0x4a: {  	s26 =	sadd.s32 $0xFFFFFFFF, s26;
	_ =	strace $0x90000054  }
0x4b: {  	s24 =	sor.u32 $0x18100, s24;
	s14 =	sor.u32 $0x4, s25;
	_ =	strace $0x80000055  }
0x4c: {  	p0 =	sne.s32 s26, $0x0;
	s2 =	simm.s32 $0x1;
	_ =	swait.ge [sflag:s14], $0x80  }
0x4d: {  	s15 =	simm.s32 @!p1 $0x1;
	s2 =	simm.s32 @!p2 $0x0;
	[sflag:s14] =	ssyncset.done $0x0  }
0x4e: {  	s15 =	simm.s32 @p1 $0x0;
	s20 =	sadd.s32 s2, s20;
	[sflag:s14] =	ssyncadd.s32 $0xFFFFFF80  }
0x4f: {  	s28 =	sadd.s32 s28, s15;
	s15 =	sand.u32 $0x1, s20;
	_ =	strace $0x90000055  }
0x50: {  	s25 =	smov.u32 s15;
	s15 =	sor.u32 $0x18000, s23;
	_ =	strace $0x80000056  }
0x51: {  	[tilespmem:s4], [sflag:$0x6] =	stream.indirect.gather [hbm4b:s1+s16], $0x80, s15, s16, $0x2000b8;
	[tilespmem:$0x18200] =	vst v63  }
0x52: {  	s31 =	sadd.s32 @!p1 $0x1, s0;
	s22 =	sadd.s32 s2, s22;
	_ =	swait.ge [sflag:s17], $0x4000  }
0x53: {  	s31 =	smov.u32 @p1 s0;
	s30 =	sand.u32 $0x1, s22;
	[sflag:s17] =	ssyncset.done $0x0  }
.Ltmp0:
0x54: {  	s2 =	sshll.u32 s22, $0x7;
	[sflag:s17] =	ssyncadd.s32 $0xFFFFC000;
	(pc) =	sbr.rel @p0 .LBB2_2-.Ltmp0, $4  }
0x55: {  	[spmem:s3] =	stream.indirect.scatter.add.f32 [tilespmem:s4], [sflag:$0x6], $0x80, s24, s16, $0x2000b8;
	[tilespmem:$0x18200] =	vst v63  }
0x56: {  	s9 =	sshll.u32 s20, $0x7;
	s2 =	sand.u32 $0x80, s2;
	_ =	swait.ge [sflag:s17], $0x4000  }
0x57: {  	s7 =	sand.u32 $0x80, s9;
	s29 =	smov.u32 s21;
	[sflag:s17] =	ssyncset.done $0x0  }
0x58: {  	s23 =	smov.u32 s2;
	s24 =	smov.u32 s7;
	[sflag:s17] =	ssyncadd.s32 $0xFFFFC000  }
0x59: {  	s0 =	sadd.s32 $0x1, s21  }
0x5a: {  	p0 =	seq.s32 s0, $0x28  }
0x5b: {  	_ =	strace $0x90000056;
	s0 =	simm.s32 @p0 $0x0  }
0x5c: {  	s2 =	rddreg [dreg:$0x4];
	p0 =	seq.s32 s29, s0  }
0x5d: {  	s2 =	sadd.s32 @!p0 s2, s0  }
0x5e: {  	s7 =	sand.u32 @!p0 $0x1, s31;
	_ =	strace @!p0 $0x80000052;
	s2 =	sshll.u32 @!p0 s2, $0x4  }
0x5f: {  	s15 =	simm.s32 @!p0 $0x0;
	s9 =	sshll.u32 @!p0 s7, $0x7;
	s2 =	sand.u32 @!p0 $0x1FFFFFF0, s2  }
0x60: {  	s7 =	sor.u32 @!p0 $0x2, s7;
	s9 =	sor.u32 @!p0 $0x18000, s9;
	s14 =	sadd.s32 @!p0 s5, s2  }
0x61: {  	[tilespmem:s9], [sflag:s7] =	stream.linear.gather @!p0 [hbm4b:s14+s15], $0x80, $0x200038;
	[tilespmem:$0x18200] =	vst v63  }
0x62: {  	s7 =	sand.u32 @!p0 $0x1, s28  }
0x63: {  	s2 =	sadd.s32 @!p0 s6, s2;
	s9 =	sshll.u32 @!p0 s7, $0x7;
	_ =	strace @!p0 $0x90000052  }
0x64: {  	s7 =	sor.u32 @!p0 $0x4, s7;
	s9 =	sor.u32 @!p0 $0x18100, s9;
	_ =	strace @!p0 $0x80000053  }
0x65: {  	[tilespmem:s9], [sflag:s7] =	stream.linear.gather @!p0 [hbm4b:s2+s15], $0x80, $0x200038;
	[tilespmem:$0x18200] =	vst v63  }
0x66: {  	_ =	strace @!p0 $0x90000053  }
0x67: {  	s21 =	sor.u32 $0x2, s30;
	_ =	strace $0x80000054  }
0x68: {  	_ =	swait.ge [sflag:s21], $0x80  }
0x69: {  	[sflag:s21] =	ssyncset.done $0x0  }
0x6a: {  	[sflag:s21] =	ssyncadd.s32 $0xFFFFFF80  }
0x6b: {  	_ =	strace $0x90000054  }
0x6c: {  	s25 =	sor.u32 $0x4, s25;
	_ =	strace $0x80000055  }
0x6d: {  	_ =	swait.ge [sflag:s25], $0x80  }
0x6e: {  	[sflag:s25] =	ssyncset.done $0x0  }
0x6f: {  	[sflag:s25] =	ssyncadd.s32 $0xFFFFFF80  }
0x70: {  	_ =	strace $0x90000055  }
0x71: {  	s26 =	sor.u32 $0x18000, s23;
	_ =	strace $0x80000056  }
0x72: {  	[tilespmem:s4], [sflag:$0x6] =	stream.indirect.gather [hbm4b:s1+s16], $0x80, s26, s16, $0x2000b8;
	[tilespmem:$0x18200] =	vst v63  }
0x73: {  	_ =	swait.ge [sflag:s17], $0x4000  }
0x74: {  	[sflag:s17] =	ssyncset.done $0x0  }
0x75: {  	s28 =	sor.u32 $0x18100, s24;
	[sflag:s17] =	ssyncadd.s32 $0xFFFFC000  }
0x76: {  	[spmem:s3] =	stream.indirect.scatter.add.f32 [tilespmem:s4], [sflag:$0x6], $0x80, s28, s16, $0x2000b8;
	[tilespmem:$0x18200] =	vst v63  }
0x77: {  	p0 =	sne.s32 s29, s0;
	s0 =	simm.s32 $0x1;
	_ =	swait.ge [sflag:s17], $0x4000  }
0x78: {  	s0 =	simm.s32 @!p0 $0x0;
	[sflag:s17] =	ssyncset.done $0x0  }
0x79: {  	s29 =	sadd.s32 s0, s22;
	[sflag:s17] =	ssyncadd.s32 $0xFFFFC000  }
0x7a: {  	s30 =	sand.u32 $0x1, s29;
	_ =	strace $0x90000056  }
0x7b: {  	s7 =	sor.u32 $0x2, s30;
	_ =	strace $0x80000054  }
0x7c: {  	_ =	swait.ge [sflag:s7], $0x80  }
0x7d: {  	[sflag:s7] =	ssyncset.done $0x0  }
0x7e: {  	s0 =	sadd.s32 s0, s20;
	[sflag:s7] =	ssyncadd.s32 $0xFFFFFF80  }
0x7f: {  	s31 =	sand.u32 $0x1, s0;
	_ =	strace $0x90000054  }
0x80: {  	s7 =	sor.u32 $0x4, s31;
	_ =	strace $0x80000055  }
0x81: {  	_ =	swait.ge [sflag:s7], $0x80  }
0x82: {  	[sflag:s7] =	ssyncset.done $0x0  }
0x83: {  	s2 =	sshll.u32 s29, $0x7;
	[sflag:s7] =	ssyncadd.s32 $0xFFFFFF80  }
0x84: {  	s2 =	sand.u32 $0x80, s2;
	_ =	strace $0x90000055  }
0x85: {  	s2 =	sor.u32 $0x18000, s2;
	_ =	strace $0x80000056  }
0x86: {  	[tilespmem:s4], [sflag:$0x6] =	stream.indirect.gather [hbm4b:s1+s16], $0x80, s2, s16, $0x2000b8;
	[tilespmem:$0x18200] =	vst v63  }
0x87: {  	s0 =	sshll.u32 s0, $0x7;
	_ =	swait.ge [sflag:s17], $0x4000  }
0x88: {  	s0 =	sand.u32 $0x80, s0;
	[sflag:s17] =	ssyncset.done $0x0  }
0x89: {  	s0 =	sor.u32 $0x18100, s0;
	[sflag:s17] =	ssyncadd.s32 $0xFFFFC000  }
0x8a: {  	[spmem:s3] =	stream.indirect.scatter.add.f32 [tilespmem:s4], [sflag:$0x6], $0x80, s0, s16, $0x2000b8;
	[tilespmem:$0x18200] =	vst v63  }
0x8b: {  	_ =	swait.ge [sflag:s17], $0x4000  }
0x8c: {  	[sflag:s17] =	ssyncset.done $0x0  }
0x8d: {  	s19 =	sadd.s32 $0x1, s19;
	[sflag:s17] =	ssyncadd.s32 $0xFFFFC000  }
0x8e: {  	p0 =	sne.s32 s19, s12;
	_ =	strace $0x90000056  }
.Ltmp1:
0x8f: {  	[bflag:$0x0] =	sbarrier.arrive $0xFFFF;
	(pc) =	sbr.rel @p0 .LBB2_1-.Ltmp1, $4  }
0x90: {  	[hbm:s11], [sflag:s8] =	dma.local [spmem:s13], $0x2800  }
0x91: {  	_ =	swait.ge [sflag:s18], $0x2800  }
0x92: {  	[sflag:s18] =	ssyncset.done $0x0  }
0x93: {  	[sflag:s18] =	ssyncadd.s32 $0xFFFFD800  }
0x94: {  	_ =	sfence.sel $0x180000  }
0x95: {  	[bflag:$0x0] =	sbarrier.arrive $0xFFFF  }
0x96: {  	_ =	strace $0x90000050  }
0x97: {  	s0 =	stileid.u32;
	[bflag:$0x2] =	sbarrier.arrive $0xFFFF  }
0x98: {  	p0 =	sne.s32 s0, $0x0;
	s0 =	rddreg [dreg:$0x3]  }
0x99: {  	s0 =	sadd.s32 @!p0 $0x100000, s0  }
0x9a: {  	[sflag:s0] =	ssyncadd.tile.s32 @!p0 $0x1;
	_ =	shalt  }
.Lfunc_end2:
_tile_overlayer_lowered:
.L_overlay_start_2:
0x9b: {  	(tag) =	ssettag $0x2  }
0x9c: {  	s0 =	rddreg [dreg:$0x0];
	s2 =	stileid.u32  }
0x9d: {  	s1 =	rddreg [dreg:$0x1];
	p0 =	sne.s32 s2, $0x0  }
0x9e: {  	s3 =	rddreg [dreg:$0x2];
	[bflag:$0x3] =	sbarrier.arrive $0xFFFF;
	s2 =	simm.s32 @!p0 $0x1C02  }
0x9f: {  	[timem:s3], [sflag:s2] =	dma.local @!p0 [hbm:s0], s1  }
0xa0: {  	s0 =	simm.s32 @!p0 $0x2  }
0xa1: {  	_ =	swait.ge @!p0 [sflag:s0], s1  }
0xa2: {  	s1 =	ssub.s32 @!p0 $0x0, s1;
	[sflag:s0] =	ssyncset.done @!p0 $0x0  }
0xa3: {  	[sflag:s0] =	ssyncadd.s32 @!p0 s1  }
0xa4: {  	[bflag:$0x3] =	sbarrier.arrive $0xFFFF  }
0xa5: {  	_ =	shalt  }

// kernel: kernel.17.cloned.1.call-start
scs
__scs_entry_jumppad:
0x0: {  	(pc) =	sbr.rel $0x88, $3  }
0x1: {  	(tag) =	ssettag $0x0;
	lr =	simm.s32 $0x1  }
0x2: {  	[smem:$0x3F92] =	sst lr;
	_ =	strace $0xD0000000  }
0x3: {  	_ = 	snop  }
0x4: {  	_ = 	snop  }
0x5: {  	_ = 	snop  }
0x6: {  	_ = 	snop  }
0x7: {  	_ = 	snop  }
__scs_overlays_trampoline_lowered:
0x8: {  	[smem:$0x3FA1] =	sst s0  }
0x9: {  	[smem:$0x3FA2] =	sst s1  }
0xa: {  	[smem:$0x3FA3] =	sst s2  }
0xb: {  	[smem:$0x3FA4] =	sst s3  }
0xc: {  	[smem:$0x3FA5] =	sst s4  }
0xd: {  	[smem:$0x3FA6] =	sst s5  }
0xe: {  	[smem:$0x3FA7] =	sst s6  }
0xf: {  	[smem:$0x3FA8] =	sst s7  }
0x10: {  	[smem:$0x3FA9] =	sst s8  }
0x11: {  	[smem:$0x3FAA] =	sst s9;
	s0 =	simm.s32 @!p0 $0x0  }
0x12: {  	s1 =	sld [smem:$0x3F90];
	s0 =	simm.s32 @p0 $0x1  }
0x13: {  	[smem:$0x3FAB] =	sst s0;
	s0 =	simm.s32 @!p1 $0x0  }
0x14: {  	s2 =	sld [smem:$0x3F8F];
	s0 =	simm.s32 @p1 $0x1  }
0x15: {  	[smem:$0x3FAC] =	sst s0;
	s0 =	simm.s32 @!p2 $0x0  }
0x16: {  	s3 =	sld [smem:$0x3FDB];
	s0 =	simm.s32 @p2 $0x1  }
0x17: {  	s4 =	simm.s32 $0x1BF5;
	[smem:$0x3FAE] =	sst s0  }
0x18: {  	s0 =	sld [smem:$0x3F91];
	_ =	swait.ge [sflag:s4], $0x0  }
0x19: {  	s7 =	sld [smem:$0x3F92]  }
0x1a: {  	s8 =	sadd.s32 $0xFFFFE003, lr  }
0x1b: {  	s9 =	sadd.s32 $0xFFFFFEF7, lr;
	s5 =	simm.s32 $0xFFFFFFFF;
	p2 =	slt.u32 s8, $0xFFFFF086  }
0x1c: {  	p1 =	slt.u32 s9, $0xF7A;
	s5 =	simm.s32 @!p2 $0x0  }
0x1d: {  	s5 =	simm.s32 @p1 $0x1;
	p0 =	seq.s32 s7, s2  }
0x1e: {  	s7 =	smul.u32 @!p0 $0xF7A, s2;
	p2 =	seq.s32 @!p0 s5, $0x0  }
0x1f: {  	s9 =	smul.u32 $0xF7A, s1;
	s8 =	simm.s32 @!p0 $0x1BF5;
	p2 =	por !p2, p0  }
0x20: {  	[sflag:s8] =	ssyncset.s32 @!p0 $0xFFFFF086;
	s6 =	sadd.s32 @!p0 s3, s7;
	s7 =	simm.s32 @!p0 $0x108  }
0x21: {  	s3 =	sadd.s32 s3, s9;
	s6 =	sadd.s32 @!p0 $0x88, s6;
	s7 =	simm.s32 @p2 $0x1082  }
0x22: {  	[simem:s7], [sflag:s8] =	dma.local @!p0 [hbm:s6], $0xF7A  }
0x23: {  	s9 =	sor.u32 $0xD0000000, s2;
	s6 =	simm.s32 $0x108;
	_ =	swait.ge @!p0 [sflag:s8], $0x0  }
0x24: {  	s3 =	sadd.s32 $0x88, s3;
	s6 =	simm.s32 @!p1 $0x1082;
	[sflag:s4] =	ssyncset.s32 $0xFFFFF086  }
0x25: {  	[simem:s6], [sflag:s4] =	dma.local [hbm:s3], $0xF7A  }
0x26: {  	[smem:$0x3F92] =	sst s1;
	(tag) =	ssettag s2;
	_ =	strace s9  }
0x27: {  	s1 =	sld [smem:$0x3FA2]  }
0x28: {  	s2 =	sld [smem:$0x3FA3]  }
0x29: {  	s4 =	sld [smem:$0x3FA5]  }
0x2a: {  	p0 =	seq.s32 s5, $0x0;
	s5 =	sld [smem:$0x3FA6]  }
0x2b: {  	s6 =	sld [smem:$0x3FA7]  }
0x2c: {  	s7 =	sld [smem:$0x3FA8]  }
0x2d: {  	s3 =	simm.s32 $0x108;
	s8 =	sld [smem:$0x3FA9]  }
0x2e: {  	s3 =	simm.s32 @!p0 $0x1082;
	s9 =	sld [smem:$0x3FAA]  }
0x2f: {  	lr =	sadd.s32 s0, s3;
	s0 =	sld [smem:$0x3FA1]  }
0x30: {  	s3 =	sld [smem:$0x3FA4]  }
0x31: {  	[smem:$0x3FAD] =	sst s10  }
0x32: {  	s10 =	sld [smem:$0x3FAB];
	_ =	sdelay $0x3  }
0x33: {  	p0 =	seq.s32 s10, $0x1;
	s10 =	sld [smem:$0x3FAD];
	_ =	sdelay $0x3  }
0x34: {  	[smem:$0x3FAD] =	sst s10  }
0x35: {  	s10 =	sld [smem:$0x3FAC];
	_ =	sdelay $0x3  }
0x36: {  	p1 =	seq.s32 s10, $0x1;
	s10 =	sld [smem:$0x3FAD];
	_ =	sdelay $0x3  }
0x37: {  	[smem:$0x3FAD] =	sst s10  }
0x38: {  	s10 =	sld [smem:$0x3FAE]  }
0x39: {  	_ = 	snop;
	(pc) =	sbr.ind lr, $3  }
0x3a: {  	_ = 	snop  }
0x3b: {  	_ = 	snop  }
0x3c: {  	p2 =	seq.s32 s10, $0x1;
	s10 =	sld [smem:$0x3FAD]  }
0x3d: {  	_ =	shalt  }
0x3e: {  	_ =	shalt  }
0x3f: {  	_ =	shalt  }
0x40: {  	_ =	shalt  }
0x41: {  	_ =	shalt  }
0x42: {  	_ =	shalt  }
0x43: {  	_ =	shalt  }
0x44: {  	_ =	shalt  }
0x45: {  	_ =	shalt  }
0x46: {  	_ =	shalt  }
0x47: {  	_ =	shalt  }
0x48: {  	_ =	shalt  }
0x49: {  	_ =	shalt  }
0x4a: {  	_ =	shalt  }
0x4b: {  	_ =	shalt  }
0x4c: {  	_ =	shalt  }
0x4d: {  	_ =	shalt  }
0x4e: {  	_ =	shalt  }
0x4f: {  	_ =	shalt  }
0x50: {  	_ =	shalt  }
0x51: {  	_ =	shalt  }
0x52: {  	_ =	shalt  }
0x53: {  	_ =	shalt  }
0x54: {  	_ =	shalt  }
0x55: {  	_ =	shalt  }
0x56: {  	_ =	shalt  }
0x57: {  	_ =	shalt  }
0x58: {  	_ =	shalt  }
0x59: {  	_ =	shalt  }
0x5a: {  	_ =	shalt  }
0x5b: {  	_ =	shalt  }
0x5c: {  	_ =	shalt  }
0x5d: {  	_ =	shalt  }
0x5e: {  	_ =	shalt  }
0x5f: {  	_ =	shalt  }
0x60: {  	_ =	shalt  }
0x61: {  	_ =	shalt  }
0x62: {  	_ =	shalt  }
0x63: {  	_ =	shalt  }
0x64: {  	_ =	shalt  }
0x65: {  	_ =	shalt  }
0x66: {  	_ =	shalt  }
0x67: {  	_ =	shalt  }
0x68: {  	_ =	shalt  }
0x69: {  	_ =	shalt  }
0x6a: {  	_ =	shalt  }
0x6b: {  	_ =	shalt  }
0x6c: {  	_ =	shalt  }
0x6d: {  	_ =	shalt  }
0x6e: {  	_ =	shalt  }
0x6f: {  	_ =	shalt  }
0x70: {  	_ =	shalt  }
0x71: {  	_ =	shalt  }
0x72: {  	_ =	shalt  }
0x73: {  	_ =	shalt  }
0x74: {  	_ =	shalt  }
0x75: {  	_ =	shalt  }
0x76: {  	_ =	shalt  }
0x77: {  	_ =	shalt  }
0x78: {  	_ =	shalt  }
0x79: {  	_ =	shalt  }
0x7a: {  	_ =	shalt  }
0x7b: {  	_ =	shalt  }
0x7c: {  	_ =	shalt  }
0x7d: {  	_ =	shalt  }
0x7e: {  	_ =	shalt  }
0x7f: {  	_ =	shalt  }
0x80: {  	_ =	shalt  }
0x81: {  	_ =	shalt  }
0x82: {  	_ =	shalt  }
0x83: {  	_ =	shalt  }
0x84: {  	_ =	shalt  }
0x85: {  	_ =	shalt  }
0x86: {  	_ =	shalt  }
0x87: {  	_ =	shalt  }
.Lfunc_end0:
.L_simem_size_0:
called_computation.2_lowered:
.L_overlay_start_0:
0x88: {  	s2 =	sld [smem:$0x3FD9]  }
0x89: {  	s3 =	sld [smem:$0x3FFE];
	_ =	sdelay $0x1  }
0x8a: {  	s1 =	srdreg.scid  }
0x8b: {  	s0 =	sand.u32 $0x1, s1  }
0x8c: {  	s16 =	sshll.u32 s0, $0xA;
	s2 =	sadd.s32 s3, s2  }
0x8d: {  	s2 =	sadd.s32 s2, s16  }
0x8e: {  	[smem:$0x3FB9] =	sst s2  }
0x8f: {  	_ = 	snop  }
0x90: {  	(tm) =	ssettm $0x1  }
0x91: {  	s17 =	sld [smem:$0x3FFB];
	_ =	sdelay $0x3  }
0x92: {  	_ =	strace s17  }
0x93: {  	s2 =	sld [smem:$0x3FFC];
	_ =	sdelay $0x3  }
0x94: {  	_ =	strace s2  }
0x95: {  	s2 =	sld [smem:$0x3FFD];
	_ =	sdelay $0x3  }
0x96: {  	_ =	strace s2  }
0x97: {  	_ =	strace $0x8FFFFFFF  }
0x98: {  	s18 =	sld [smem:$0x3FDB];
	_ =	sdelay $0x1  }
0x99: {  	s19 =	simm.s32 $_scs_section_size  }
0x9a: {  	s4 =	simm.s32 $_size__tile_overlayer_lowered;
	s5 =	simm.s32 $_tile_overlayer_lowered  }
0x9b: {  	s22 =	simm.s32 $0x1BFF;
	s21 =	sshll.u32 s5, $0x1;
	s2 =	sadd.s32 s19, s18  }
0x9c: {  	s6 =	simm.s32 $0x0;
	s20 =	sshll.u32 s4, $0x1;
	s4 =	sadd.s32 s21, s2  }
0x9d: {  	[timem:s6], [sflag:s22] =	dma.local [hbm:s4], s20  }
0x9e: {  	_ =	swait.ge [sflag:s22], s20  }
0x9f: {  	s3 =	ssub.s32 $0x0, s20;
	[sflag:s22] =	ssyncset.done $0x0  }
0xa0: {  	[sflag:s22] =	ssyncadd.s32 s3;
	_ =	sdelay $0x1  }
0xa1: {  	s23 =	simm.s32 $0x1B8B  }
0xa2: {  	_ =	swait.ge [sflag:s23], $0x1  }
0xa3: {  	[sflag:s23] =	ssyncset.done $0x0  }
0xa4: {  	s25 =	simm.s32 $0x1B8E;
	s24 =	sld [smem:$0x3FFE];
	[sflag:s23] =	ssyncadd.s32 $0xFFFFFFFF  }
0xa5: {  	s26 =	simm.s32 $execute0_lowered;
	[smem:$0x3FD2] =	sst s25  }
0xa6: {  	s4 =	sshll.u32 s26, $0x1;
	_ =	strace $0x80000058;
	[dreg:$0x1] =	wrdreg $0xFFFFFFFF  }
0xa7: {  	s28 =	simm.s32 $_size_execute0_lowered;
	s2 =	sadd.s32 s2, s4;
	[dreg:$0x0] =	wrdreg $0x0  }
0xa8: {  	s4 =	sshll.u32 s28, $0x1;
	[dreg:$0x2] =	wrdreg s2  }
0xa9: {  	[dreg:$0x3] =	wrdreg s4  }
0xaa: {  	[dreg:$0x4] =	wrdreg $0xC0  }
0xab: {  	_ =	task [dreg:s6], $0x5FFFF  }
0xac: {  	[dreg:$0x1] =	wrdreg $0xFFFFFFFF  }
0xad: {  	[dreg:$0x0] =	wrdreg $0x60  }
0xae: {  	[dreg:$0x2] =	wrdreg s24  }
0xaf: {  	[dreg:$0x3] =	wrdreg $0x40800  }
0xb0: {  	[dreg:$0x4] =	wrdreg $0x9  }
0xb1: {  	_ =	task.clear_ibuf [dreg:s6], $0x5FFFF;
	_ =	strace $0x90000058  }
0xb2: {  	s29 =	simm.s32 $0x9;
	_ =	strace $0x80000060  }
0xb3: {  	_ =	swait.ge [sflag:s29], $0x1  }
0xb4: {  	[sflag:s29] =	ssyncadd.s32 $0xFFFFFFFF  }
0xb5: {  	_ =	strace $0x90000060  }
0xb6: {  	_ =	sfence  }
0xb7: {  	s30 =	sld [smem:$0x0];
	_ =	sdelay $0x2  }
0xb8: {  	s31 =	sshll.u32 s1, $0xD;
	s1 =	sshrl.u32 s1, $0x2  }
0xb9: {  	s3 =	sand.u32 $0x4000, s31;
	s1 =	sadd.s32 s1, s30  }
0xba: {  	s0 =	sor.u32 s3, s0;
	s1 =	sshll.u32 s1, $0x11  }
0xbb: {  	s0 =	sor.u32 s1, s0  }
0xbc: {  	s0 =	sadd.s32 $0x8F2B, s0  }
0xbd: {  	[sflag:s0] =	ssyncadd.remote.s32 $0x1  }
0xbe: {  	_ =	sfence.sel $0xFFFF  }
0xbf: {  	[dreg:$0x0] =	wrdreg $0xFFFFFFFF;
	(pc) =	sbr.abs _section_cstart, $3  }
0xc0: {  	[dreg:$0x1] =	wrdreg $0xFFFFFFFF  }
0xc1: {  	_ =	task.clear_ibuf [dreg:s6], $0x2FFFF;
	_ =	strace $0x9FFFFFFF  }
0xc2: {  	(tm) =	ssettm $0x7FFFFFFF  }
0xc3: {  	_ =	shalt  }
tec
execute0_lowered:
.L_overlay_start_1:
0x0: {  	(tag) =	ssettag $0x1  }
0x1: {  	s0 =	rddreg [dreg:$0x0]  }
0x2: {  	s2 =	rddreg [dreg:$0x1];
	s3 =	simm.s32 $0x0  }
0x3: {  	s1 =	stileid.u32;
	s4 =	srdreg.scid;
	s15 =	simm.s32 $0x80  }
0x4: {  	s17 =	simm.s32 $0x1;
	s18 =	simm.s32 $0x0;
	s6 =	smul.u32 $0x2800, s1  }
0x5: {  	[smem:$0x7FF] =	sst s3;
	s8 =	sand.u32 $0x1, s4;
	s10 =	smul.u32 $0x50000, s1  }
0x6: {  	s22 =	sadd.s32 $0xE400, s0;
	s4 =	sadd.s32 $0x4400, s0;
	s25 =	smul.u32 $0x50, s1  }
0x7: {  	s5 =	sadd.s32 $0x9400, s0;
	s26 =	sshll.u32 s1, $0x6;
	s28 =	smul.u32 $0x500, s1  }
0x8: {  	_ =	strace $0x80000059;
	s7 =	smul.u32 $0x28000, s8;
	s9 =	ssub.s32 $0x2, s8  }
0x9: {  	[dreg:$0x4] =	wrdreg s22;
	s16 =	smul.u32 $0x2710, s8;
	s23 =	sshrl.u32 s9, $0x1  }
0xa: {  	s24 =	sshrl.u32 s10, $0x2;
	[dreg:$0x3] =	wrdreg s25;
	s30 =	sadd.s32 s4, s28  }
0xb: {  	s31 =	sadd.s32 s5, s28;
	s7 =	sadd.s32 s6, s7;
	s6 =	sadd.s32 s6, s0  }
0xc: {  	s11 =	ssub.s32 s9, s23;
	s12 =	sadd.s32 s24, s2;
	[dreg:$0x6] =	wrdreg s30  }
0xd: {  	[dreg:$0x7] =	wrdreg s31;
	v0 =	vmov s16;
	s16 =	simm.s32 $0x6;
	s0 =	sadd.s32 s7, s0  }
0xe: {  	s29 =	sadd.s32 $0x5C600, s6;
	s7 =	sor.u32 $0x1C01, s26;
	s11 =	smax.u32 s11, $0x1  }
0xf: {  	s12 =	sshrl.u32 s12, $0x3;
	[dreg:$0x5] =	wrdreg s29;
	s10 =	sadd.s32 $0x84600, s0  }
.LBB2_1:
0x10: {  	s0 =	rddreg [dreg:$0x5]  }
0x11: {  	[spmem:s12], [sflag:s7] =	dma.local [hbm:s0], $0x2800  }
0x12: {  	_ =	swait.ge [sflag:s17], $0x2800  }
0x13: {  	[sflag:s17] =	ssyncset.done $0x0  }
0x14: {  	[sflag:s17] =	ssyncadd.s32 $0xFFFFD800  }
0x15: {  	[bflag:$0x0] =	sbarrier.arrive $0xFFFF  }
0x16: {  	s1 =	simm.s32 $0x18080;
	s21 =	simm.s32 $0x18180;
	_ =	strace $0x8000005A  }
0x17: {  	s24 =	simm.s32 $0x1;
	p0 =	por $0x0, $0x0;
	s19 =	rddreg [dreg:$0x6]  }
0x18: {  	[tilespmem:s1], [sflag:$0x2] =	stream.linear.gather [hbm4b:s19+s3], $0x80, $0x200038;
	[tilespmem:$0x18280] =	vst v63  }
0x19: {  	s24 =	simm.s32 @p0 $0x0;
	p0 =	por $0x0, $0x0;
	s20 =	rddreg [dreg:$0x7]  }
0x1a: {  	[tilespmem:s21], [sflag:$0x4] =	stream.linear.gather [hbm4b:s20+s3], $0x80, $0x200038;
	[tilespmem:$0x18280] =	vst v63  }
0x1b: {  	p2 =	seq.s32 @!p0 s24, $0x0;
	_ =	strace $0x9000005A  }
0x1c: {  	p1 =	por p2, p0;
	s0 =	rddreg [dreg:$0x3]  }
0x1d: {  	s0 =	sadd.s32 @!p1 s0, s24  }
0x1e: {  	s25 =	simm.s32 @!p1 $0x0;
	s19 =	sand.u32 @!p1 $0x1, s17;
	s0 =	sshll.u32 @!p1 s0, $0x4  }
0x1f: {  	s20 =	sshll.u32 @!p1 s19, $0x7;
	s21 =	sor.u32 @!p1 $0x2, s19;
	s0 =	sand.u32 @!p1 $0x1FFFFFF0, s0  }
0x20: {  	s22 =	sadd.s32 @!p1 $0x18080, s20;
	_ =	strace @!p1 $0x8000005B;
	s23 =	sadd.s32 @!p1 s4, s0  }
0x21: {  	[tilespmem:s22], [sflag:s21] =	stream.linear.gather @!p1 [hbm4b:s23+s25], $0x80, $0x200038;
	[tilespmem:$0x18280] =	vst v63  }
0x22: {  	s19 =	sor.u32 @!p1 $0x4, s19;
	_ =	strace @!p1 $0x9000005B  }
0x23: {  	s20 =	sadd.s32 @!p1 $0x18180, s20;
	s0 =	sadd.s32 @!p1 s5, s0;
	_ =	strace @!p1 $0x8000005C  }
0x24: {  	[tilespmem:s20], [sflag:s19] =	stream.linear.gather @!p1 [hbm4b:s0+s25], $0x80, $0x200038;
	[tilespmem:$0x18280] =	vst v63  }
0x25: {  	s22 =	sand.u32 $0x1, s3;
	_ =	strace @!p1 $0x9000005C  }
0x26: {  	s23 =	sor.u32 $0x2, s22;
	_ =	strace $0x8000005D  }
0x27: {  	_ =	swait.ge [sflag:s23], $0x80  }
0x28: {  	[sflag:s23] =	ssyncset.done $0x0  }
0x29: {  	[sflag:s23] =	ssyncadd.s32 $0xFFFFFF80  }
0x2a: {  	_ =	strace $0x9000005D  }
0x2b: {  	s0 =	sor.u32 $0x4, s22;
	_ =	strace $0x8000005E  }
0x2c: {  	_ =	swait.ge [sflag:s0], $0x80  }
0x2d: {  	[sflag:s0] =	ssyncset.done $0x0  }
0x2e: {  	[sflag:s0] =	ssyncadd.s32 $0xFFFFFF80  }
0x2f: {  	s25 =	simm.s32 $0x0;
	_ =	strace $0x9000005E  }
0x30: {  	s26 =	sand.u32 $0x80, s25;
	_ =	strace $0x8000005F  }
0x31: {  	v1 =	vld [tilespmem:s26+$0x18080];
	_ =	sdelay $0x4  }
0x32: {  	v1 =	vadd.s32 v0, v1  }
0x33: {  	[tilespmem:$0x0] =	vst v1  }
0x34: {  	v1 =	vld [tilespmem:s26+$0x18090];
	_ =	sdelay $0x4  }
0x35: {  	v1 =	vadd.s32 v0, v1  }
0x36: {  	[tilespmem:$0x10] =	vst v1  }
0x37: {  	v1 =	vld [tilespmem:s26+$0x180A0];
	_ =	sdelay $0x4  }
0x38: {  	v1 =	vadd.s32 v0, v1  }
0x39: {  	[tilespmem:$0x20] =	vst v1  }
0x3a: {  	v1 =	vld [tilespmem:s26+$0x180B0];
	_ =	sdelay $0x4  }
0x3b: {  	v1 =	vadd.s32 v0, v1  }
0x3c: {  	[tilespmem:$0x30] =	vst v1  }
0x3d: {  	v1 =	vld [tilespmem:s26+$0x180C0];
	_ =	sdelay $0x4  }
0x3e: {  	v1 =	vadd.s32 v0, v1  }
0x3f: {  	[tilespmem:$0x40] =	vst v1  }
0x40: {  	v1 =	vld [tilespmem:s26+$0x180D0];
	_ =	sdelay $0x4  }
0x41: {  	v1 =	vadd.s32 v0, v1  }
0x42: {  	[tilespmem:$0x50] =	vst v1  }
0x43: {  	v1 =	vld [tilespmem:s26+$0x180E0];
	_ =	sdelay $0x4  }
0x44: {  	v1 =	vadd.s32 v0, v1  }
0x45: {  	[tilespmem:$0x60] =	vst v1  }
0x46: {  	v1 =	vld [tilespmem:s26+$0x180F0];
	_ =	sdelay $0x2  }
0x47: {  	s30 =	simm.s32 $0x4F;
	s28 =	simm.s32 $0x4E;
	p3 =	sne.s32 s24, $0x0  }
0x48: {  	s20 =	simm.s32 @!p1 $0x2;
	s19 =	simm.s32 $0x1;
	p1 =	por p0, p3  }
0x49: {  	p2 =	por !p2, p0;
	s22 =	simm.s32 $0x0;
	s19 =	simm.s32 @!p1 $0x0;
	v1 =	vadd.s32 v0, v1  }
0x4a: {  	s22 =	simm.s32 @p2 $0x1;
	s21 =	sadd.s32 $0x0, s19;
	s31 =	rddreg [dreg:$0x4];
	[tilespmem:$0x70] =	vst v1  }
0x4b: {  	[tilespmem:s15], [sflag:$0x6] =	stream.indirect.gather [hbm4b:s31+s15], $0x80, s3, s15, $0x2000b8;
	[tilespmem:$0x18280] =	vst v63  }
0x4c: {  	s22 =	simm.s32 @p0 $0x0;
	s29 =	smov.u32 s21;
	_ =	swait.ge [sflag:s16], $0x4000  }
0x4d: {  	s23 =	simm.s32 $0x1;
	s0 =	sand.u32 $0x80, s25;
	[sflag:s16] =	ssyncset.done $0x0  }
0x4e: {  	s23 =	smov.u32 @p2 s20;
	s0 =	sadd.s32 $0x18180, s0;
	[sflag:s16] =	ssyncadd.s32 $0xFFFFC000  }
0x4f: {  	[spmem:s2] =	stream.indirect.scatter.add.f32 [tilespmem:s15], [sflag:$0x6], $0x80, s0, s15, $0x2000b8;
	[tilespmem:$0x18280] =	vst v63  }
0x50: {  	s20 =	sshll.u32 s21, $0x7;
	s23 =	smov.u32 @p0 s17;
	_ =	swait.ge [sflag:s16], $0x4000  }
0x51: {  	s19 =	sand.u32 $0x80, s20;
	s25 =	sadd.s32 $0x1, s22;
	[sflag:s16] =	ssyncset.done $0x0  }
0x52: {  	s22 =	sand.u32 $0x1, s21;
	s26 =	sadd.s32 $0x1, s24;
	[sflag:s16] =	ssyncadd.s32 $0xFFFFC000  }
.LBB2_2:
0x53: {  	p0 =	seq.s32 s26, $0x50  }
0x54: {  	s26 =	simm.s32 @p0 $0x0;
	p0 =	seq.s32 s30, $0x1  }
0x55: {  	_ =	strace $0x9000005F;
	p1 =	seq.s32 @!p0 s24, s26  }
0x56: {  	s30 =	rddreg [dreg:$0x3];
	p3 =	por p1, p0  }
0x57: {  	p4 =	sne.s32 s24, s26;
	s24 =	sadd.s32 @!p3 s30, s26;
	s30 =	sand.u32 @!p3 $0x1, s23  }
0x58: {  	s13 =	sand.u32 @!p3 $0x1, s25;
	_ =	strace @!p3 $0x8000005B;
	s24 =	sshll.u32 @!p3 s24, $0x4  }
0x59: {  	s9 =	simm.s32 @!p3 $0x0;
	s14 =	sshll.u32 @!p3 s30, $0x7;
	s24 =	sand.u32 @!p3 $0x1FFFFFF0, s24  }
0x5a: {  	s30 =	sor.u32 @!p3 $0x2, s30;
	s14 =	sadd.s32 @!p3 $0x18080, s14;
	s8 =	sadd.s32 @!p3 s4, s24  }
0x5b: {  	[tilespmem:s14], [sflag:s30] =	stream.linear.gather @!p3 [hbm4b:s8+s9], $0x80, $0x200038;
	[tilespmem:$0x18280] =	vst v63  }
0x5c: {  	s6 =	sshll.u32 @!p3 s13, $0x7;
	s13 =	sor.u32 @!p3 $0x4, s13;
	_ =	strace @!p3 $0x9000005B  }
0x5d: {  	s6 =	sadd.s32 @!p3 $0x18180, s6;
	s8 =	sadd.s32 @!p3 s5, s24;
	_ =	strace @!p3 $0x8000005C  }
0x5e: {  	[tilespmem:s6], [sflag:s13] =	stream.linear.gather @!p3 [hbm4b:s8+s9], $0x80, $0x200038;
	[tilespmem:$0x18280] =	vst v63  }
0x5f: {  	s1 =	sand.u32 $0x1, s21;
	_ =	strace @!p3 $0x9000005C  }
0x60: {  	s1 =	sor.u32 $0x2, s1;
	_ =	strace $0x8000005D  }
0x61: {  	_ =	swait.ge [sflag:s1], $0x80  }
0x62: {  	[sflag:s1] =	ssyncset.done $0x0  }
0x63: {  	[sflag:s1] =	ssyncadd.s32 $0xFFFFFF80  }
0x64: {  	_ =	strace $0x9000005D  }
0x65: {  	s9 =	sor.u32 $0x4, s22;
	_ =	strace $0x8000005E  }
0x66: {  	_ =	swait.ge [sflag:s9], $0x80  }
0x67: {  	[sflag:s9] =	ssyncset.done $0x0  }
0x68: {  	[sflag:s9] =	ssyncadd.s32 $0xFFFFFF80  }
0x69: {  	_ =	strace $0x9000005E  }
0x6a: {  	s13 =	sand.u32 $0x80, s20;
	_ =	strace $0x8000005F  }
0x6b: {  	v1 =	vld [tilespmem:s13+$0x18080];
	_ =	sdelay $0x4  }
0x6c: {  	v1 =	vadd.s32 v0, v1  }
0x6d: {  	[tilespmem:$0x0] =	vst v1  }
0x6e: {  	v1 =	vld [tilespmem:s13+$0x18090];
	_ =	sdelay $0x4  }
0x6f: {  	v1 =	vadd.s32 v0, v1  }
0x70: {  	[tilespmem:$0x10] =	vst v1  }
0x71: {  	v1 =	vld [tilespmem:s13+$0x180A0];
	_ =	sdelay $0x4  }
0x72: {  	v1 =	vadd.s32 v0, v1  }
0x73: {  	[tilespmem:$0x20] =	vst v1  }
0x74: {  	v1 =	vld [tilespmem:s13+$0x180B0];
	_ =	sdelay $0x4  }
0x75: {  	v1 =	vadd.s32 v0, v1  }
0x76: {  	[tilespmem:$0x30] =	vst v1  }
0x77: {  	v1 =	vld [tilespmem:s13+$0x180C0];
	_ =	sdelay $0x4  }
0x78: {  	v1 =	vadd.s32 v0, v1  }
0x79: {  	[tilespmem:$0x40] =	vst v1  }
0x7a: {  	v1 =	vld [tilespmem:s13+$0x180D0];
	_ =	sdelay $0x4  }
0x7b: {  	v1 =	vadd.s32 v0, v1  }
0x7c: {  	[tilespmem:$0x50] =	vst v1  }
0x7d: {  	v1 =	vld [tilespmem:s13+$0x180E0];
	_ =	sdelay $0x4  }
0x7e: {  	v1 =	vadd.s32 v0, v1  }
0x7f: {  	p2 =	por !p1, p0;
	s6 =	simm.s32 $0x0;
	[tilespmem:$0x60] =	vst v1  }
0x80: {  	s6 =	simm.s32 @p2 $0x1;
	v1 =	vld [tilespmem:s13+$0x180F0]  }
0x81: {  	s6 =	simm.s32 @p0 $0x0  }
0x82: {  	p1 =	por p0, p4;
	s25 =	sadd.s32 s25, s6;
	s6 =	simm.s32 $0x1  }
0x83: {  	s31 =	smov.u32 s23;
	s6 =	simm.s32 @!p1 $0x0  }
0x84: {  	s0 =	smov.u32 s28;
	s14 =	sadd.s32 @!p3 $0x1, s23;
	s21 =	sadd.s32 s6, s21  }
0x85: {  	s28 =	sadd.s32 $0xFFFFFFFF, s28;
	s23 =	smov.u32 @p2 s14;
	s14 =	sshll.u32 s21, $0x7;
	v1 =	vadd.s32 v0, v1  }
0x86: {  	s19 =	sadd.s32 $0x18180, s19;
	s20 =	smov.u32 s14;
	s14 =	rddreg [dreg:$0x4];
	[tilespmem:$0x70] =	vst v1  }
0x87: {  	[tilespmem:s15], [sflag:$0x6] =	stream.indirect.gather [hbm4b:s14+s15], $0x80, s3, s15, $0x2000b8;
	[tilespmem:$0x18280] =	vst v63  }
0x88: {  	s24 =	smov.u32 s26;
	s30 =	smov.u32 s0;
	_ =	swait.ge [sflag:s16], $0x4000  }
0x89: {  	s23 =	smov.u32 @p0 s31;
	p0 =	sne.s32 s28, $0x0;
	[sflag:s16] =	ssyncset.done $0x0  }
.Ltmp0:
0x8a: {  	s29 =	sadd.s32 s6, s29;
	[sflag:s16] =	ssyncadd.s32 $0xFFFFC000;
	(pc) =	sbr.rel @p0 .LBB2_2-.Ltmp0, $4  }
0x8b: {  	[spmem:s2] =	stream.indirect.scatter.add.f32 [tilespmem:s15], [sflag:$0x6], $0x80, s19, s15, $0x2000b8;
	[tilespmem:$0x18280] =	vst v63  }
0x8c: {  	s26 =	sadd.s32 $0x1, s26;
	s31 =	sshll.u32 s29, $0x7;
	_ =	swait.ge [sflag:s16], $0x4000  }
0x8d: {  	s6 =	sand.u32 $0x1, s29;
	s31 =	sand.u32 $0x80, s31;
	[sflag:s16] =	ssyncset.done $0x0  }
0x8e: {  	s22 =	smov.u32 s6;
	s19 =	smov.u32 s31;
	[sflag:s16] =	ssyncadd.s32 $0xFFFFC000  }
0x8f: {  	p0 =	seq.s32 s26, $0x50  }
0x90: {  	s26 =	simm.s32 @p0 $0x0;
	p0 =	seq.s32 s30, $0x1  }
0x91: {  	_ =	strace $0x9000005F;
	p1 =	seq.s32 @!p0 s24, s26  }
0x92: {  	s0 =	rddreg [dreg:$0x3];
	p0 =	por p1, p0  }
0x93: {  	s0 =	sadd.s32 @!p0 s0, s26;
	s1 =	sand.u32 @!p0 $0x1, s23  }
0x94: {  	s6 =	sand.u32 @!p0 $0x1, s25;
	_ =	strace @!p0 $0x8000005B;
	s0 =	sshll.u32 @!p0 s0, $0x4  }
0x95: {  	s14 =	simm.s32 @!p0 $0x0;
	s8 =	sshll.u32 @!p0 s1, $0x7;
	s0 =	sand.u32 @!p0 $0x1FFFFFF0, s0  }
0x96: {  	s1 =	sor.u32 @!p0 $0x2, s1;
	s8 =	sadd.s32 @!p0 $0x18080, s8;
	s13 =	sadd.s32 @!p0 s4, s0  }
0x97: {  	[tilespmem:s8], [sflag:s1] =	stream.linear.gather @!p0 [hbm4b:s13+s14], $0x80, $0x200038;
	[tilespmem:$0x18280] =	vst v63  }
0x98: {  	s9 =	sshll.u32 @!p0 s6, $0x7;
	s6 =	sor.u32 @!p0 $0x4, s6;
	_ =	strace @!p0 $0x9000005B  }
0x99: {  	s0 =	sadd.s32 @!p0 s5, s0;
	s1 =	sadd.s32 @!p0 $0x18180, s9;
	_ =	strace @!p0 $0x8000005C  }
0x9a: {  	[tilespmem:s1], [sflag:s6] =	stream.linear.gather @!p0 [hbm4b:s0+s14], $0x80, $0x200038;
	[tilespmem:$0x18280] =	vst v63  }
0x9b: {  	s26 =	sand.u32 $0x1, s21;
	_ =	strace @!p0 $0x9000005C  }
0x9c: {  	s0 =	sor.u32 $0x2, s26;
	_ =	strace $0x8000005D  }
0x9d: {  	_ =	swait.ge [sflag:s0], $0x80  }
0x9e: {  	[sflag:s0] =	ssyncset.done $0x0  }
0x9f: {  	[sflag:s0] =	ssyncadd.s32 $0xFFFFFF80  }
0xa0: {  	_ =	strace $0x9000005D  }
0xa1: {  	s28 =	sor.u32 $0x4, s22;
	_ =	strace $0x8000005E  }
0xa2: {  	_ =	swait.ge [sflag:s28], $0x80  }
0xa3: {  	[sflag:s28] =	ssyncset.done $0x0  }
0xa4: {  	[sflag:s28] =	ssyncadd.s32 $0xFFFFFF80  }
0xa5: {  	_ =	strace $0x9000005E  }
0xa6: {  	s29 =	sand.u32 $0x80, s20;
	_ =	strace $0x8000005F  }
0xa7: {  	v1 =	vld [tilespmem:s29+$0x18080];
	_ =	sdelay $0x4  }
0xa8: {  	v1 =	vadd.s32 v0, v1  }
0xa9: {  	[tilespmem:$0x0] =	vst v1  }
0xaa: {  	v1 =	vld [tilespmem:s29+$0x18090];
	_ =	sdelay $0x4  }
0xab: {  	v1 =	vadd.s32 v0, v1  }
0xac: {  	[tilespmem:$0x10] =	vst v1  }
0xad: {  	v1 =	vld [tilespmem:s29+$0x180A0];
	_ =	sdelay $0x4  }
0xae: {  	v1 =	vadd.s32 v0, v1  }
0xaf: {  	[tilespmem:$0x20] =	vst v1  }
0xb0: {  	v1 =	vld [tilespmem:s29+$0x180B0];
	_ =	sdelay $0x4  }
0xb1: {  	v1 =	vadd.s32 v0, v1  }
0xb2: {  	[tilespmem:$0x30] =	vst v1  }
0xb3: {  	v1 =	vld [tilespmem:s29+$0x180C0];
	_ =	sdelay $0x4  }
0xb4: {  	v1 =	vadd.s32 v0, v1  }
0xb5: {  	[tilespmem:$0x40] =	vst v1  }
0xb6: {  	v1 =	vld [tilespmem:s29+$0x180D0];
	_ =	sdelay $0x4  }
0xb7: {  	v1 =	vadd.s32 v0, v1  }
0xb8: {  	[tilespmem:$0x50] =	vst v1  }
0xb9: {  	v1 =	vld [tilespmem:s29+$0x180E0];
	_ =	sdelay $0x4  }
0xba: {  	v1 =	vadd.s32 v0, v1  }
0xbb: {  	[tilespmem:$0x60] =	vst v1  }
0xbc: {  	v1 =	vld [tilespmem:s29+$0x180F0];
	_ =	sdelay $0x4  }
0xbd: {  	v1 =	vadd.s32 v0, v1  }
0xbe: {  	s30 =	rddreg [dreg:$0x4];
	[tilespmem:$0x70] =	vst v1  }
0xbf: {  	[tilespmem:s15], [sflag:$0x6] =	stream.indirect.gather [hbm4b:s30+s15], $0x80, s3, s15, $0x2000b8;
	[tilespmem:$0x18280] =	vst v63  }
0xc0: {  	_ =	swait.ge [sflag:s16], $0x4000  }
0xc1: {  	[sflag:s16] =	ssyncset.done $0x0  }
0xc2: {  	s31 =	sadd.s32 $0x18180, s19;
	[sflag:s16] =	ssyncadd.s32 $0xFFFFC000  }
0xc3: {  	[spmem:s2] =	stream.indirect.scatter.add.f32 [tilespmem:s15], [sflag:$0x6], $0x80, s31, s15, $0x2000b8;
	[tilespmem:$0x18280] =	vst v63  }
0xc4: {  	_ =	swait.ge [sflag:s16], $0x4000  }
0xc5: {  	[sflag:s16] =	ssyncset.done $0x0  }
0xc6: {  	s18 =	sadd.s32 $0x1, s18;
	[sflag:s16] =	ssyncadd.s32 $0xFFFFC000  }
0xc7: {  	p0 =	sne.s32 s18, s11;
	_ =	strace $0x9000005F  }
.Ltmp1:
0xc8: {  	[bflag:$0x0] =	sbarrier.arrive $0xFFFF;
	(pc) =	sbr.rel @p0 .LBB2_1-.Ltmp1, $4  }
0xc9: {  	[hbm:s10], [sflag:s7] =	dma.local [spmem:s12], $0x2800  }
0xca: {  	_ =	swait.ge [sflag:s17], $0x2800  }
0xcb: {  	[sflag:s17] =	ssyncset.done $0x0  }
0xcc: {  	[sflag:s17] =	ssyncadd.s32 $0xFFFFD800  }
0xcd: {  	_ =	sfence.sel $0x180000  }
0xce: {  	[bflag:$0x0] =	sbarrier.arrive $0xFFFF  }
0xcf: {  	_ =	strace $0x90000059  }
0xd0: {  	s0 =	stileid.u32;
	[bflag:$0x2] =	sbarrier.arrive $0xFFFF  }
0xd1: {  	p0 =	sne.s32 s0, $0x0;
	s0 =	rddreg [dreg:$0x2]  }
0xd2: {  	s0 =	sadd.s32 @!p0 $0x100000, s0  }
0xd3: {  	[sflag:s0] =	ssyncadd.tile.s32 @!p0 $0x1;
	_ =	shalt  }
.Lfunc_end2:
_tile_overlayer_lowered:
.L_overlay_start_2:
0xd4: {  	(tag) =	ssettag $0x2  }
0xd5: {  	s0 =	rddreg [dreg:$0x0];
	s2 =	stileid.u32  }
0xd6: {  	s1 =	rddreg [dreg:$0x1];
	p0 =	sne.s32 s2, $0x0  }
0xd7: {  	s3 =	rddreg [dreg:$0x2];
	[bflag:$0x3] =	sbarrier.arrive $0xFFFF;
	s2 =	simm.s32 @!p0 $0x1C02  }
0xd8: {  	[timem:s3], [sflag:s2] =	dma.local @!p0 [hbm:s0], s1  }
0xd9: {  	s0 =	simm.s32 @!p0 $0x2  }
0xda: {  	_ =	swait.ge @!p0 [sflag:s0], s1  }
0xdb: {  	s1 =	ssub.s32 @!p0 $0x0, s1;
	[sflag:s0] =	ssyncset.done @!p0 $0x0  }
0xdc: {  	[sflag:s0] =	ssyncadd.s32 @!p0 s1  }
0xdd: {  	[bflag:$0x3] =	sbarrier.arrive $0xFFFF  }
0xde: {  	_ =	shalt  }

// kernel: kernel.20.cloned.1.call-start
scs
__scs_entry_jumppad:
0x0: {  	(pc) =	sbr.rel $0x88, $3  }
0x1: {  	(tag) =	ssettag $0x0;
	lr =	simm.s32 $0x1  }
0x2: {  	[smem:$0x3F92] =	sst lr;
	_ =	strace $0xD0000000  }
0x3: {  	_ = 	snop  }
0x4: {  	_ = 	snop  }
0x5: {  	_ = 	snop  }
0x6: {  	_ = 	snop  }
0x7: {  	_ = 	snop  }
__scs_overlays_trampoline_lowered:
0x8: {  	[smem:$0x3FA1] =	sst s0  }
0x9: {  	[smem:$0x3FA2] =	sst s1  }
0xa: {  	[smem:$0x3FA3] =	sst s2  }
0xb: {  	[smem:$0x3FA4] =	sst s3  }
0xc: {  	[smem:$0x3FA5] =	sst s4  }
0xd: {  	[smem:$0x3FA6] =	sst s5  }
0xe: {  	[smem:$0x3FA7] =	sst s6  }
0xf: {  	[smem:$0x3FA8] =	sst s7  }
0x10: {  	[smem:$0x3FA9] =	sst s8  }
0x11: {  	[smem:$0x3FAA] =	sst s9;
	s0 =	simm.s32 @!p0 $0x0  }
0x12: {  	s1 =	sld [smem:$0x3F90];
	s0 =	simm.s32 @p0 $0x1  }
0x13: {  	[smem:$0x3FAB] =	sst s0;
	s0 =	simm.s32 @!p1 $0x0  }
0x14: {  	s2 =	sld [smem:$0x3F8F];
	s0 =	simm.s32 @p1 $0x1  }
0x15: {  	[smem:$0x3FAC] =	sst s0;
	s0 =	simm.s32 @!p2 $0x0  }
0x16: {  	s3 =	sld [smem:$0x3FDB];
	s0 =	simm.s32 @p2 $0x1  }
0x17: {  	s4 =	simm.s32 $0x1BF5;
	[smem:$0x3FAE] =	sst s0  }
0x18: {  	s0 =	sld [smem:$0x3F91];
	_ =	swait.ge [sflag:s4], $0x0  }
0x19: {  	s7 =	sld [smem:$0x3F92]  }
0x1a: {  	s8 =	sadd.s32 $0xFFFFE003, lr  }
0x1b: {  	s9 =	sadd.s32 $0xFFFFFEF7, lr;
	s5 =	simm.s32 $0xFFFFFFFF;
	p2 =	slt.u32 s8, $0xFFFFF086  }
0x1c: {  	p1 =	slt.u32 s9, $0xF7A;
	s5 =	simm.s32 @!p2 $0x0  }
0x1d: {  	s5 =	simm.s32 @p1 $0x1;
	p0 =	seq.s32 s7, s2  }
0x1e: {  	s7 =	smul.u32 @!p0 $0xF7A, s2;
	p2 =	seq.s32 @!p0 s5, $0x0  }
0x1f: {  	s9 =	smul.u32 $0xF7A, s1;
	s8 =	simm.s32 @!p0 $0x1BF5;
	p2 =	por !p2, p0  }
0x20: {  	[sflag:s8] =	ssyncset.s32 @!p0 $0xFFFFF086;
	s6 =	sadd.s32 @!p0 s3, s7;
	s7 =	simm.s32 @!p0 $0x108  }
0x21: {  	s3 =	sadd.s32 s3, s9;
	s6 =	sadd.s32 @!p0 $0x88, s6;
	s7 =	simm.s32 @p2 $0x1082  }
0x22: {  	[simem:s7], [sflag:s8] =	dma.local @!p0 [hbm:s6], $0xF7A  }
0x23: {  	s9 =	sor.u32 $0xD0000000, s2;
	s6 =	simm.s32 $0x108;
	_ =	swait.ge @!p0 [sflag:s8], $0x0  }
0x24: {  	s3 =	sadd.s32 $0x88, s3;
	s6 =	simm.s32 @!p1 $0x1082;
	[sflag:s4] =	ssyncset.s32 $0xFFFFF086  }
0x25: {  	[simem:s6], [sflag:s4] =	dma.local [hbm:s3], $0xF7A  }
0x26: {  	[smem:$0x3F92] =	sst s1;
	(tag) =	ssettag s2;
	_ =	strace s9  }
0x27: {  	s1 =	sld [smem:$0x3FA2]  }
0x28: {  	s2 =	sld [smem:$0x3FA3]  }
0x29: {  	s4 =	sld [smem:$0x3FA5]  }
0x2a: {  	p0 =	seq.s32 s5, $0x0;
	s5 =	sld [smem:$0x3FA6]  }
0x2b: {  	s6 =	sld [smem:$0x3FA7]  }
0x2c: {  	s7 =	sld [smem:$0x3FA8]  }
0x2d: {  	s3 =	simm.s32 $0x108;
	s8 =	sld [smem:$0x3FA9]  }
0x2e: {  	s3 =	simm.s32 @!p0 $0x1082;
	s9 =	sld [smem:$0x3FAA]  }
0x2f: {  	lr =	sadd.s32 s0, s3;
	s0 =	sld [smem:$0x3FA1]  }
0x30: {  	s3 =	sld [smem:$0x3FA4]  }
0x31: {  	[smem:$0x3FAD] =	sst s10  }
0x32: {  	s10 =	sld [smem:$0x3FAB];
	_ =	sdelay $0x3  }
0x33: {  	p0 =	seq.s32 s10, $0x1;
	s10 =	sld [smem:$0x3FAD];
	_ =	sdelay $0x3  }
0x34: {  	[smem:$0x3FAD] =	sst s10  }
0x35: {  	s10 =	sld [smem:$0x3FAC];
	_ =	sdelay $0x3  }
0x36: {  	p1 =	seq.s32 s10, $0x1;
	s10 =	sld [smem:$0x3FAD];
	_ =	sdelay $0x3  }
0x37: {  	[smem:$0x3FAD] =	sst s10  }
0x38: {  	s10 =	sld [smem:$0x3FAE]  }
0x39: {  	_ = 	snop;
	(pc) =	sbr.ind lr, $3  }
0x3a: {  	_ = 	snop  }
0x3b: {  	_ = 	snop  }
0x3c: {  	p2 =	seq.s32 s10, $0x1;
	s10 =	sld [smem:$0x3FAD]  }
0x3d: {  	_ =	shalt  }
0x3e: {  	_ =	shalt  }
0x3f: {  	_ =	shalt  }
0x40: {  	_ =	shalt  }
0x41: {  	_ =	shalt  }
0x42: {  	_ =	shalt  }
0x43: {  	_ =	shalt  }
0x44: {  	_ =	shalt  }
0x45: {  	_ =	shalt  }
0x46: {  	_ =	shalt  }
0x47: {  	_ =	shalt  }
0x48: {  	_ =	shalt  }
0x49: {  	_ =	shalt  }
0x4a: {  	_ =	shalt  }
0x4b: {  	_ =	shalt  }
0x4c: {  	_ =	shalt  }
0x4d: {  	_ =	shalt  }
0x4e: {  	_ =	shalt  }
0x4f: {  	_ =	shalt  }
0x50: {  	_ =	shalt  }
0x51: {  	_ =	shalt  }
0x52: {  	_ =	shalt  }
0x53: {  	_ =	shalt  }
0x54: {  	_ =	shalt  }
0x55: {  	_ =	shalt  }
0x56: {  	_ =	shalt  }
0x57: {  	_ =	shalt  }
0x58: {  	_ =	shalt  }
0x59: {  	_ =	shalt  }
0x5a: {  	_ =	shalt  }
0x5b: {  	_ =	shalt  }
0x5c: {  	_ =	shalt  }
0x5d: {  	_ =	shalt  }
0x5e: {  	_ =	shalt  }
0x5f: {  	_ =	shalt  }
0x60: {  	_ =	shalt  }
0x61: {  	_ =	shalt  }
0x62: {  	_ =	shalt  }
0x63: {  	_ =	shalt  }
0x64: {  	_ =	shalt  }
0x65: {  	_ =	shalt  }
0x66: {  	_ =	shalt  }
0x67: {  	_ =	shalt  }
0x68: {  	_ =	shalt  }
0x69: {  	_ =	shalt  }
0x6a: {  	_ =	shalt  }
0x6b: {  	_ =	shalt  }
0x6c: {  	_ =	shalt  }
0x6d: {  	_ =	shalt  }
0x6e: {  	_ =	shalt  }
0x6f: {  	_ =	shalt  }
0x70: {  	_ =	shalt  }
0x71: {  	_ =	shalt  }
0x72: {  	_ =	shalt  }
0x73: {  	_ =	shalt  }
0x74: {  	_ =	shalt  }
0x75: {  	_ =	shalt  }
0x76: {  	_ =	shalt  }
0x77: {  	_ =	shalt  }
0x78: {  	_ =	shalt  }
0x79: {  	_ =	shalt  }
0x7a: {  	_ =	shalt  }
0x7b: {  	_ =	shalt  }
0x7c: {  	_ =	shalt  }
0x7d: {  	_ =	shalt  }
0x7e: {  	_ =	shalt  }
0x7f: {  	_ =	shalt  }
0x80: {  	_ =	shalt  }
0x81: {  	_ =	shalt  }
0x82: {  	_ =	shalt  }
0x83: {  	_ =	shalt  }
0x84: {  	_ =	shalt  }
0x85: {  	_ =	shalt  }
0x86: {  	_ =	shalt  }
0x87: {  	_ =	shalt  }
.Lfunc_end0:
.L_simem_size_0:
called_computation.3_lowered:
.L_overlay_start_0:
0x88: {  	s2 =	sld [smem:$0x3FD9]  }
0x89: {  	s3 =	sld [smem:$0x3FFE];
	_ =	sdelay $0x1  }
0x8a: {  	s1 =	srdreg.scid  }
0x8b: {  	s0 =	sand.u32 $0x1, s1  }
0x8c: {  	s17 =	sshll.u32 s0, $0xA;
	s2 =	sadd.s32 s3, s2  }
0x8d: {  	s2 =	sadd.s32 s2, s17  }
0x8e: {  	[smem:$0x3FB9] =	sst s2  }
0x8f: {  	_ = 	snop  }
0x90: {  	s2 =	sld [smem:$0x3FD0];
	(tm) =	ssettm $0x1  }
0x91: {  	s18 =	sld [smem:$0x3FFB];
	_ =	sdelay $0x3  }
0x92: {  	_ =	strace s18  }
0x93: {  	s3 =	sld [smem:$0x3FFC];
	_ =	sdelay $0x3  }
0x94: {  	_ =	strace s3  }
0x95: {  	s3 =	sld [smem:$0x3FFD];
	_ =	sdelay $0x3  }
0x96: {  	_ =	strace s3  }
0x97: {  	_ =	strace $0x8FFFFFFF  }
0x98: {  	s19 =	sld [smem:$0x3FDB];
	_ =	sdelay $0x1  }
0x99: {  	s4 =	simm.s32 $_scs_section_size  }
0x9a: {  	s5 =	simm.s32 $_size__tile_overlayer_lowered;
	s6 =	simm.s32 $_tile_overlayer_lowered  }
0x9b: {  	s22 =	simm.s32 $0x1BFF;
	s21 =	sshll.u32 s6, $0x1;
	s3 =	sadd.s32 s4, s19  }
0x9c: {  	s7 =	simm.s32 $0x0;
	s20 =	sshll.u32 s5, $0x1;
	s5 =	sadd.s32 s21, s3  }
0x9d: {  	[timem:s7], [sflag:s22] =	dma.local [hbm:s5], s20  }
0x9e: {  	_ =	swait.ge [sflag:s22], s20  }
0x9f: {  	s4 =	ssub.s32 $0x0, s20;
	[sflag:s22] =	ssyncset.done $0x0  }
0xa0: {  	[sflag:s22] =	ssyncadd.s32 s4;
	_ =	sdelay $0x1  }
0xa1: {  	s23 =	simm.s32 $0x1B8B  }
0xa2: {  	_ =	swait.ge [sflag:s23], $0x1  }
0xa3: {  	[sflag:s23] =	ssyncset.done $0x0  }
0xa4: {  	s25 =	simm.s32 $0x1B8E;
	s24 =	sld [smem:$0x3FFE];
	[sflag:s23] =	ssyncadd.s32 $0xFFFFFFFF  }
0xa5: {  	s26 =	simm.s32 $execute0_lowered;
	[smem:$0x3FD2] =	sst s25  }
0xa6: {  	s5 =	sshll.u32 s26, $0x1;
	_ =	strace $0x80000061;
	[dreg:$0x1] =	wrdreg $0xFFFFFFFF  }
0xa7: {  	s28 =	simm.s32 $_size_execute0_lowered;
	s3 =	sadd.s32 s3, s5;
	[dreg:$0x0] =	wrdreg $0x0  }
0xa8: {  	s5 =	sshll.u32 s28, $0x1;
	[dreg:$0x2] =	wrdreg s3  }
0xa9: {  	[dreg:$0x3] =	wrdreg s5  }
0xaa: {  	[dreg:$0x4] =	wrdreg $0xC0  }
0xab: {  	_ =	task [dreg:s7], $0x5FFFF  }
0xac: {  	[dreg:$0x1] =	wrdreg $0xFFFFFFFF  }
0xad: {  	[dreg:$0x0] =	wrdreg $0x60  }
0xae: {  	[dreg:$0x2] =	wrdreg s2  }
0xaf: {  	[dreg:$0x3] =	wrdreg s24  }
0xb0: {  	[dreg:$0x4] =	wrdreg $0x40000  }
0xb1: {  	[dreg:$0x5] =	wrdreg $0x9  }
0xb2: {  	_ =	task.clear_ibuf [dreg:s7], $0x6FFFF;
	_ =	strace $0x90000061  }
0xb3: {  	s29 =	simm.s32 $0x9;
	_ =	strace $0x80000069  }
0xb4: {  	_ =	swait.ge [sflag:s29], $0x1  }
0xb5: {  	[sflag:s29] =	ssyncadd.s32 $0xFFFFFFFF  }
0xb6: {  	_ =	strace $0x90000069  }
0xb7: {  	_ =	sfence  }
0xb8: {  	s30 =	sld [smem:$0x0];
	_ =	sdelay $0x2  }
0xb9: {  	s31 =	sshll.u32 s1, $0xD;
	s1 =	sshrl.u32 s1, $0x2  }
0xba: {  	s3 =	sand.u32 $0x4000, s31;
	s1 =	sadd.s32 s1, s30  }
0xbb: {  	s0 =	sor.u32 s3, s0;
	s1 =	sshll.u32 s1, $0x11  }
0xbc: {  	s0 =	sor.u32 s1, s0  }
0xbd: {  	s0 =	sadd.s32 $0x8F2B, s0  }
0xbe: {  	[sflag:s0] =	ssyncadd.remote.s32 $0x1  }
0xbf: {  	_ =	sfence.sel $0xFFFF  }
0xc0: {  	[dreg:$0x0] =	wrdreg $0xFFFFFFFF;
	(pc) =	sbr.abs _section_cstart, $3  }
0xc1: {  	[dreg:$0x1] =	wrdreg $0xFFFFFFFF  }
0xc2: {  	_ =	task.clear_ibuf [dreg:s7], $0x2FFFF;
	_ =	strace $0x9FFFFFFF  }
0xc3: {  	(tm) =	ssettm $0x7FFFFFFF  }
tec
execute0_lowered:
.L_overlay_start_1:
0x0: {  	(tag) =	ssettag $0x1  }
0x1: {  	s1 =	rddreg [dreg:$0x0]  }
0x2: {  	s7 =	rddreg [dreg:$0x1]  }
0x3: {  	s3 =	rddreg [dreg:$0x2];
	s4 =	simm.s32 $0x0;
	s0 =	stileid.u32  }
0x4: {  	s5 =	srdreg.scid;
	s16 =	simm.s32 $0x80;
	s17 =	simm.s32 $0x6  }
0x5: {  	s18 =	simm.s32 $0x1;
	s19 =	simm.s32 $0x0;
	[smem:$0x7FF] =	sst s4  }
0x6: {  	s8 =	smul.u32 $0x2800, s0;
	s9 =	sand.u32 $0x1, s5;
	s5 =	sadd.s32 $0x4400, s7  }
0x7: {  	s6 =	sadd.s32 $0x9400, s7;
	s13 =	smul.u32 $0x50000, s0;
	s28 =	sshll.u32 s0, $0x6  }
0x8: {  	s10 =	smul.u32 $0x28000, s9;
	s24 =	ssub.s32 $0x2, s9;
	s9 =	sshll.u32 s9, $0x4  }
0x9: {  	_ =	strace $0x80000062;
	s11 =	sadd.s32 s8, s7;
	s9 =	sor.u32 s0, s9  }
0xa: {  	s12 =	sshrl.u32 s24, $0x1;
	s26 =	sshrl.u32 s13, $0x2;
	s25 =	smul.u32 $0x28, s9  }
0xb: {  	s8 =	sadd.s32 s8, s10;
	s12 =	ssub.s32 s24, s12;
	s29 =	smul.u32 $0x280, s9  }
0xc: {  	s15 =	sadd.s32 s26, s3;
	s30 =	sadd.s32 $0x5C600, s11;
	s14 =	sadd.s32 s8, s7  }
0xd: {  	[dreg:$0x5] =	wrdreg s30;
	s8 =	sor.u32 $0x1C01, s28;
	s12 =	smax.u32 s12, $0x1  }
0xe: {  	s13 =	sshrl.u32 s15, $0x3;
	[dreg:$0x4] =	wrdreg s25;
	s31 =	sadd.s32 s5, s29  }
0xf: {  	s10 =	sadd.s32 s6, s29;
	s11 =	sadd.s32 $0x84600, s14;
	[dreg:$0x6] =	wrdreg s31  }
.LBB2_1:
0x10: {  	s0 =	rddreg [dreg:$0x5]  }
0x11: {  	[spmem:s13], [sflag:s8] =	dma.local [hbm:s0], $0x2800  }
0x12: {  	_ =	swait.ge [sflag:s18], $0x2800  }
0x13: {  	[sflag:s18] =	ssyncset.done $0x0  }
0x14: {  	[sflag:s18] =	ssyncadd.s32 $0xFFFFD800  }
0x15: {  	[bflag:$0x0] =	sbarrier.arrive $0xFFFF  }
0x16: {  	_ =	strace $0x80000063  }
0x17: {  	s2 =	simm.s32 $0x18000;
	s7 =	rddreg [dreg:$0x6]  }
0x18: {  	[tilespmem:s2], [sflag:$0x2] =	stream.linear.gather [hbm4b:s7+s4], $0x80, $0x200038;
	[tilespmem:$0x18200] =	vst v63  }
0x19: {  	s9 =	simm.s32 $0x18100;
	s21 =	simm.s32 $0x1;
	p0 =	por $0x0, $0x0  }
0x1a: {  	[tilespmem:s9], [sflag:$0x4] =	stream.linear.gather [hbm4b:s10+s4], $0x80, $0x200038;
	[tilespmem:$0x18200] =	vst v63  }
0x1b: {  	s21 =	simm.s32 @p0 $0x0;
	_ =	strace $0x90000063  }
0x1c: {  	p0 =	seq.s32 s21, $0x0;
	s20 =	rddreg [dreg:$0x4]  }
0x1d: {  	s20 =	sadd.s32 @!p0 s20, s21  }
0x1e: {  	s22 =	sand.u32 @!p0 $0x1, s18;
	s28 =	simm.s32 @!p0 $0x0;
	s20 =	sshll.u32 @!p0 s20, $0x4  }
0x1f: {  	s23 =	sshll.u32 @!p0 s22, $0x7;
	s24 =	sor.u32 @!p0 $0x2, s22;
	s20 =	sand.u32 @!p0 $0x1FFFFFF0, s20  }
0x20: {  	s25 =	sor.u32 @!p0 $0x18000, s23;
	_ =	strace @!p0 $0x80000064;
	s26 =	sadd.s32 @!p0 s5, s20  }
0x21: {  	[tilespmem:s25], [sflag:s24] =	stream.linear.gather @!p0 [hbm4b:s26+s28], $0x80, $0x200038;
	[tilespmem:$0x18200] =	vst v63  }
0x22: {  	s22 =	sor.u32 @!p0 $0x4, s22;
	_ =	strace @!p0 $0x90000064  }
0x23: {  	s23 =	sor.u32 @!p0 $0x18100, s23;
	s20 =	sadd.s32 @!p0 s6, s20;
	_ =	strace @!p0 $0x80000065  }
0x24: {  	[tilespmem:s23], [sflag:s22] =	stream.linear.gather @!p0 [hbm4b:s20+s28], $0x80, $0x200038;
	[tilespmem:$0x18200] =	vst v63  }
0x25: {  	s14 =	sand.u32 $0x1, s4;
	_ =	strace @!p0 $0x90000065  }
0x26: {  	s15 =	sor.u32 $0x2, s14;
	_ =	strace $0x80000066  }
0x27: {  	_ =	swait.ge [sflag:s15], $0x80  }
0x28: {  	[sflag:s15] =	ssyncset.done $0x0  }
0x29: {  	[sflag:s15] =	ssyncadd.s32 $0xFFFFFF80  }
0x2a: {  	_ =	strace $0x90000066  }
0x2b: {  	s20 =	sor.u32 $0x4, s14;
	_ =	strace $0x80000067  }
0x2c: {  	p1 =	sne.s32 s21, $0x0;
	_ =	swait.ge [sflag:s20], $0x80  }
0x2d: {  	s29 =	smov.u32 s21;
	s31 =	simm.s32 @!p0 $0x2;
	[sflag:s20] =	ssyncset.done $0x0  }
0x2e: {  	s31 =	smov.u32 @p0 s18;
	s23 =	simm.s32 $0x0;
	[sflag:s20] =	ssyncadd.s32 $0xFFFFFF80  }
0x2f: {  	s26 =	simm.s32 $0x25;
	s22 =	sand.u32 $0x80, s23;
	_ =	strace $0x90000067  }
0x30: {  	s24 =	sor.u32 $0x18000, s22;
	s20 =	simm.s32 $0x1;
	_ =	strace $0x80000068  }
0x31: {  	[tilespmem:s4], [sflag:$0x6] =	stream.indirect.gather [hbm4b:s1+s16], $0x80, s24, s16, $0x2000b8;
	[tilespmem:$0x18200] =	vst v63  }
0x32: {  	s22 =	sor.u32 $0x18100, s22;
	s20 =	simm.s32 @!p1 $0x0;
	_ =	swait.ge [sflag:s17], $0x4000  }
0x33: {  	s20 =	sadd.s32 $0x0, s20;
	s24 =	simm.s32 @!p0 $0x1;
	[sflag:s17] =	ssyncset.done $0x0  }
0x34: {  	s25 =	sshll.u32 s20, $0x7;
	s30 =	sand.u32 $0x1, s20;
	[sflag:s17] =	ssyncadd.s32 $0xFFFFC000  }
0x35: {  	[spmem:s3] =	stream.indirect.scatter.add.f32 [tilespmem:s4], [sflag:$0x6], $0x80, s22, s16, $0x2000b8;
	[tilespmem:$0x18200] =	vst v63  }
0x36: {  	s24 =	simm.s32 @p0 $0x0;
	s23 =	sand.u32 $0x80, s25;
	_ =	swait.ge [sflag:s17], $0x4000  }
0x37: {  	s25 =	smov.u32 s30;
	s28 =	sadd.s32 $0x1, s24;
	[sflag:s17] =	ssyncset.done $0x0  }
0x38: {  	s24 =	smov.u32 s23;
	s22 =	smov.u32 s20;
	[sflag:s17] =	ssyncadd.s32 $0xFFFFC000  }
.LBB2_2:
0x39: {  	s21 =	sadd.s32 $0x1, s21  }
0x3a: {  	p1 =	seq.s32 s21, $0x28  }
0x3b: {  	s0 =	smov.u32 s31;
	_ =	strace $0x90000068;
	s21 =	simm.s32 @p1 $0x0  }
0x3c: {  	s31 =	rddreg [dreg:$0x4];
	p1 =	seq.s32 s29, s21;
	p2 =	sne.s32 s29, s21  }
0x3d: {  	s29 =	sor.u32 $0x2, s30;
	s30 =	sadd.s32 @!p1 s31, s21;
	s31 =	sand.u32 @!p1 $0x1, s0  }
0x3e: {  	s2 =	sand.u32 @!p1 $0x1, s28;
	_ =	strace @!p1 $0x80000064;
	s30 =	sshll.u32 @!p1 s30, $0x4  }
0x3f: {  	s9 =	simm.s32 @!p1 $0x0;
	s14 =	sshll.u32 @!p1 s31, $0x7;
	s30 =	sand.u32 @!p1 $0x1FFFFFF0, s30  }
0x40: {  	s31 =	sor.u32 @!p1 $0x2, s31;
	s14 =	sor.u32 @!p1 $0x18000, s14;
	s7 =	sadd.s32 @!p1 s5, s30  }
0x41: {  	[tilespmem:s14], [sflag:s31] =	stream.linear.gather @!p1 [hbm4b:s7+s9], $0x80, $0x200038;
	[tilespmem:$0x18200] =	vst v63  }
0x42: {  	s15 =	sshll.u32 @!p1 s2, $0x7;
	s2 =	sor.u32 @!p1 $0x4, s2;
	_ =	strace @!p1 $0x90000064  }
0x43: {  	s7 =	sor.u32 @!p1 $0x18100, s15;
	s14 =	sadd.s32 @!p1 s6, s30;
	_ =	strace @!p1 $0x80000065  }
0x44: {  	[tilespmem:s7], [sflag:s2] =	stream.linear.gather @!p1 [hbm4b:s14+s9], $0x80, $0x200038;
	[tilespmem:$0x18200] =	vst v63  }
0x45: {  	_ =	strace @!p1 $0x90000065  }
0x46: {  	_ =	strace $0x80000066  }
0x47: {  	_ =	swait.ge [sflag:s29], $0x80  }
0x48: {  	[sflag:s29] =	ssyncset.done $0x0  }
0x49: {  	[sflag:s29] =	ssyncadd.s32 $0xFFFFFF80  }
0x4a: {  	s26 =	sadd.s32 $0xFFFFFFFF, s26;
	_ =	strace $0x90000066  }
0x4b: {  	s24 =	sor.u32 $0x18100, s24;
	s14 =	sor.u32 $0x4, s25;
	_ =	strace $0x80000067  }
0x4c: {  	p0 =	sne.s32 s26, $0x0;
	s2 =	simm.s32 $0x1;
	_ =	swait.ge [sflag:s14], $0x80  }
0x4d: {  	s15 =	simm.s32 @!p1 $0x1;
	s2 =	simm.s32 @!p2 $0x0;
	[sflag:s14] =	ssyncset.done $0x0  }
0x4e: {  	s15 =	simm.s32 @p1 $0x0;
	s20 =	sadd.s32 s2, s20;
	[sflag:s14] =	ssyncadd.s32 $0xFFFFFF80  }
0x4f: {  	s28 =	sadd.s32 s28, s15;
	s15 =	sand.u32 $0x1, s20;
	_ =	strace $0x90000067  }
0x50: {  	s25 =	smov.u32 s15;
	s15 =	sor.u32 $0x18000, s23;
	_ =	strace $0x80000068  }
0x51: {  	[tilespmem:s4], [sflag:$0x6] =	stream.indirect.gather [hbm4b:s1+s16], $0x80, s15, s16, $0x2000b8;
	[tilespmem:$0x18200] =	vst v63  }
0x52: {  	s31 =	sadd.s32 @!p1 $0x1, s0;
	s22 =	sadd.s32 s2, s22;
	_ =	swait.ge [sflag:s17], $0x4000  }
0x53: {  	s31 =	smov.u32 @p1 s0;
	s30 =	sand.u32 $0x1, s22;
	[sflag:s17] =	ssyncset.done $0x0  }
.Ltmp0:
0x54: {  	s2 =	sshll.u32 s22, $0x7;
	[sflag:s17] =	ssyncadd.s32 $0xFFFFC000;
	(pc) =	sbr.rel @p0 .LBB2_2-.Ltmp0, $4  }
0x55: {  	[spmem:s3] =	stream.indirect.scatter.add.f32 [tilespmem:s4], [sflag:$0x6], $0x80, s24, s16, $0x2000b8;
	[tilespmem:$0x18200] =	vst v63  }
0x56: {  	s9 =	sshll.u32 s20, $0x7;
	s2 =	sand.u32 $0x80, s2;
	_ =	swait.ge [sflag:s17], $0x4000  }
0x57: {  	s7 =	sand.u32 $0x80, s9;
	s29 =	smov.u32 s21;
	[sflag:s17] =	ssyncset.done $0x0  }
0x58: {  	s23 =	smov.u32 s2;
	s24 =	smov.u32 s7;
	[sflag:s17] =	ssyncadd.s32 $0xFFFFC000  }
0x59: {  	s0 =	sadd.s32 $0x1, s21  }
0x5a: {  	p0 =	seq.s32 s0, $0x28  }
0x5b: {  	_ =	strace $0x90000068;
	s0 =	simm.s32 @p0 $0x0  }
0x5c: {  	s2 =	rddreg [dreg:$0x4];
	p0 =	seq.s32 s29, s0  }
0x5d: {  	s2 =	sadd.s32 @!p0 s2, s0  }
0x5e: {  	s7 =	sand.u32 @!p0 $0x1, s31;
	_ =	strace @!p0 $0x80000064;
	s2 =	sshll.u32 @!p0 s2, $0x4  }
0x5f: {  	s15 =	simm.s32 @!p0 $0x0;
	s9 =	sshll.u32 @!p0 s7, $0x7;
	s2 =	sand.u32 @!p0 $0x1FFFFFF0, s2  }
0x60: {  	s7 =	sor.u32 @!p0 $0x2, s7;
	s9 =	sor.u32 @!p0 $0x18000, s9;
	s14 =	sadd.s32 @!p0 s5, s2  }
0x61: {  	[tilespmem:s9], [sflag:s7] =	stream.linear.gather @!p0 [hbm4b:s14+s15], $0x80, $0x200038;
	[tilespmem:$0x18200] =	vst v63  }
0x62: {  	s7 =	sand.u32 @!p0 $0x1, s28  }
0x63: {  	s2 =	sadd.s32 @!p0 s6, s2;
	s9 =	sshll.u32 @!p0 s7, $0x7;
	_ =	strace @!p0 $0x90000064  }
0x64: {  	s7 =	sor.u32 @!p0 $0x4, s7;
	s9 =	sor.u32 @!p0 $0x18100, s9;
	_ =	strace @!p0 $0x80000065  }
0x65: {  	[tilespmem:s9], [sflag:s7] =	stream.linear.gather @!p0 [hbm4b:s2+s15], $0x80, $0x200038;
	[tilespmem:$0x18200] =	vst v63  }
0x66: {  	_ =	strace @!p0 $0x90000065  }
0x67: {  	s21 =	sor.u32 $0x2, s30;
	_ =	strace $0x80000066  }
0x68: {  	_ =	swait.ge [sflag:s21], $0x80  }
0x69: {  	[sflag:s21] =	ssyncset.done $0x0  }
0x6a: {  	[sflag:s21] =	ssyncadd.s32 $0xFFFFFF80  }
0x6b: {  	_ =	strace $0x90000066  }
0x6c: {  	s25 =	sor.u32 $0x4, s25;
	_ =	strace $0x80000067  }
0x6d: {  	_ =	swait.ge [sflag:s25], $0x80  }
0x6e: {  	[sflag:s25] =	ssyncset.done $0x0  }
0x6f: {  	[sflag:s25] =	ssyncadd.s32 $0xFFFFFF80  }
0x70: {  	_ =	strace $0x90000067  }
0x71: {  	s26 =	sor.u32 $0x18000, s23;
	_ =	strace $0x80000068  }
0x72: {  	[tilespmem:s4], [sflag:$0x6] =	stream.indirect.gather [hbm4b:s1+s16], $0x80, s26, s16, $0x2000b8;
	[tilespmem:$0x18200] =	vst v63  }
0x73: {  	_ =	swait.ge [sflag:s17], $0x4000  }
0x74: {  	[sflag:s17] =	ssyncset.done $0x0  }
0x75: {  	s28 =	sor.u32 $0x18100, s24;
	[sflag:s17] =	ssyncadd.s32 $0xFFFFC000  }
0x76: {  	[spmem:s3] =	stream.indirect.scatter.add.f32 [tilespmem:s4], [sflag:$0x6], $0x80, s28, s16, $0x2000b8;
	[tilespmem:$0x18200] =	vst v63  }
0x77: {  	p0 =	sne.s32 s29, s0;
	s0 =	simm.s32 $0x1;
	_ =	swait.ge [sflag:s17], $0x4000  }
0x78: {  	s0 =	simm.s32 @!p0 $0x0;
	[sflag:s17] =	ssyncset.done $0x0  }
0x79: {  	s29 =	sadd.s32 s0, s22;
	[sflag:s17] =	ssyncadd.s32 $0xFFFFC000  }
0x7a: {  	s30 =	sand.u32 $0x1, s29;
	_ =	strace $0x90000068  }
0x7b: {  	s7 =	sor.u32 $0x2, s30;
	_ =	strace $0x80000066  }
0x7c: {  	_ =	swait.ge [sflag:s7], $0x80  }
0x7d: {  	[sflag:s7] =	ssyncset.done $0x0  }
0x7e: {  	s0 =	sadd.s32 s0, s20;
	[sflag:s7] =	ssyncadd.s32 $0xFFFFFF80  }
0x7f: {  	s31 =	sand.u32 $0x1, s0;
	_ =	strace $0x90000066  }
0x80: {  	s7 =	sor.u32 $0x4, s31;
	_ =	strace $0x80000067  }
0x81: {  	_ =	swait.ge [sflag:s7], $0x80  }
0x82: {  	[sflag:s7] =	ssyncset.done $0x0  }
0x83: {  	s2 =	sshll.u32 s29, $0x7;
	[sflag:s7] =	ssyncadd.s32 $0xFFFFFF80  }
0x84: {  	s2 =	sand.u32 $0x80, s2;
	_ =	strace $0x90000067  }
0x85: {  	s2 =	sor.u32 $0x18000, s2;
	_ =	strace $0x80000068  }
0x86: {  	[tilespmem:s4], [sflag:$0x6] =	stream.indirect.gather [hbm4b:s1+s16], $0x80, s2, s16, $0x2000b8;
	[tilespmem:$0x18200] =	vst v63  }
0x87: {  	s0 =	sshll.u32 s0, $0x7;
	_ =	swait.ge [sflag:s17], $0x4000  }
0x88: {  	s0 =	sand.u32 $0x80, s0;
	[sflag:s17] =	ssyncset.done $0x0  }
0x89: {  	s0 =	sor.u32 $0x18100, s0;
	[sflag:s17] =	ssyncadd.s32 $0xFFFFC000  }
0x8a: {  	[spmem:s3] =	stream.indirect.scatter.add.f32 [tilespmem:s4], [sflag:$0x6], $0x80, s0, s16, $0x2000b8;
	[tilespmem:$0x18200] =	vst v63  }
0x8b: {  	_ =	swait.ge [sflag:s17], $0x4000  }
0x8c: {  	[sflag:s17] =	ssyncset.done $0x0  }
0x8d: {  	s19 =	sadd.s32 $0x1, s19;
	[sflag:s17] =	ssyncadd.s32 $0xFFFFC000  }
0x8e: {  	p0 =	sne.s32 s19, s12;
	_ =	strace $0x90000068  }
.Ltmp1:
0x8f: {  	[bflag:$0x0] =	sbarrier.arrive $0xFFFF;
	(pc) =	sbr.rel @p0 .LBB2_1-.Ltmp1, $4  }
0x90: {  	[hbm:s11], [sflag:s8] =	dma.local [spmem:s13], $0x2800  }
0x91: {  	_ =	swait.ge [sflag:s18], $0x2800  }
0x92: {  	[sflag:s18] =	ssyncset.done $0x0  }
0x93: {  	[sflag:s18] =	ssyncadd.s32 $0xFFFFD800  }
0x94: {  	_ =	sfence.sel $0x180000  }
0x95: {  	[bflag:$0x0] =	sbarrier.arrive $0xFFFF  }
0x96: {  	_ =	strace $0x90000062  }
0x97: {  	s0 =	stileid.u32;
	[bflag:$0x2] =	sbarrier.arrive $0xFFFF  }
0x98: {  	p0 =	sne.s32 s0, $0x0;
	s0 =	rddreg [dreg:$0x3]  }
0x99: {  	s0 =	sadd.s32 @!p0 $0x100000, s0  }
0x9a: {  	[sflag:s0] =	ssyncadd.tile.s32 @!p0 $0x1;
	_ =	shalt  }
.Lfunc_end2:
_tile_overlayer_lowered:
.L_overlay_start_2:
0x9b: {  	(tag) =	ssettag $0x2  }
0x9c: {  	s0 =	rddreg [dreg:$0x0];
	s2 =	stileid.u32  }
0x9d: {  	s1 =	rddreg [dreg:$0x1];
	p0 =	sne.s32 s2, $0x0  }
0x9e: {  	s3 =	rddreg [dreg:$0x2];
	[bflag:$0x3] =	sbarrier.arrive $0xFFFF;
	s2 =	simm.s32 @!p0 $0x1C02  }
0x9f: {  	[timem:s3], [sflag:s2] =	dma.local @!p0 [hbm:s0], s1  }
0xa0: {  	s0 =	simm.s32 @!p0 $0x2  }
0xa1: {  	_ =	swait.ge @!p0 [sflag:s0], s1  }
0xa2: {  	s1 =	ssub.s32 @!p0 $0x0, s1;
	[sflag:s0] =	ssyncset.done @!p0 $0x0  }
0xa3: {  	[sflag:s0] =	ssyncadd.s32 @!p0 s1  }
0xa4: {  	[bflag:$0x3] =	sbarrier.arrive $0xFFFF  }
0xa5: {  	_ =	shalt  }

</sc_bundles>
